<compile_context>
chip_gen: v7x
topology: tpu7x:2x2x1
jax: 0.10.2.dev20260603
libtpu: 0.0.44.dev20260713+nightly
codegen_flags: <defaults>
</compile_context>

<pallas_src>
import functools

import jax
import jax.numpy as jnp
from jax import lax
from jax.experimental import pallas as pl
from jax.experimental.pallas import tpu as pltpu
from jax.experimental.pallas import tpu_sc as plsc

_N = 10000
_E = 320000
_G = 64
_DIN = 128
_DH = 32
_NCLS = 2

_NC = 2
_NS = 16
_NW = _NC * _NS
_EPW = _E // _NW
_CH = 125
_NCHUNK = _EPW // _CH
_NPAD = 10240
_RPS = _NPAD // _NS
_DEGW = 8


def _sc_mesh():
    return plsc.VectorSubcoreMesh(core_axis_name="c", subcore_axis_name="s",
                                  num_cores=_NC, num_subcores=_NS)


_SC_PARAMS = pltpu.CompilerParams(use_tc_tiling_on_sc=False)


@functools.partial(
    pl.kernel,
    out_type=jax.ShapeDtypeStruct((_NC, _NPAD, _DEGW), jnp.float32),
    mesh=_sc_mesh(),
    scratch_types=[
        pltpu.VMEM((_NCHUNK, _CH), jnp.int32),
        pltpu.VMEM((_CH, _DEGW), jnp.float32),
        pltpu.VMEM_SHARED((_NPAD, _DEGW), jnp.float32),
        pltpu.SemaphoreType.DMA,
    ],
    compiler_params=_SC_PARAMS,
)
def _deg_kernel(dst_hbm, ones_hbm, zeros_hbm, out_hbm, dst_v, ones_v, acc, sem):
    cid = lax.axis_index("c")
    sid = lax.axis_index("s")
    wid = sid * _NC + cid
    r0 = sid * _RPS
    pltpu.sync_copy(zeros_hbm.at[pl.ds(r0, _RPS)], acc.at[pl.ds(r0, _RPS)])
    pltpu.sync_copy(ones_hbm, ones_v)
    pltpu.sync_copy(dst_hbm.at[wid], dst_v)
    plsc.subcore_barrier()

    def fire(k, carry):
        pltpu.async_copy(ones_v, acc.at[dst_v.at[k]], sem, add=True)
        return carry

    lax.fori_loop(0, _NCHUNK, fire, 0)

    def drain(k, carry):
        pltpu.make_async_copy(ones_v, acc.at[dst_v.at[0]], sem).wait()
        return carry

    lax.fori_loop(0, _NCHUNK, drain, 0)
    plsc.subcore_barrier()
    pltpu.sync_copy(acc.at[pl.ds(r0, _RPS)], out_hbm.at[cid, pl.ds(r0, _RPS)])


@functools.partial(
    pl.kernel,
    out_type=jax.ShapeDtypeStruct((_NC, _NPAD, _DH), jnp.float32),
    mesh=_sc_mesh(),
    scratch_types=[
        pltpu.VMEM((_NCHUNK, _CH), jnp.int32),
        pltpu.VMEM((_NCHUNK, _CH), jnp.int32),
        pltpu.VMEM((4, _CH, _DH), jnp.float32),
        pltpu.VMEM_SHARED((_NPAD, _DH), jnp.float32),
        pltpu.SemaphoreType.DMA,
        pltpu.SemaphoreType.DMA,
        pltpu.SemaphoreType.DMA,
        pltpu.SemaphoreType.DMA,
        pltpu.SemaphoreType.DMA,
    ],
    compiler_params=_SC_PARAMS,
)
def _scatter_kernel(u_hbm, src_hbm, dst_hbm, zeros_hbm, out_hbm,
                    src_v, dst_v, rows, acc, g0, g1, g2, g3, ssem):
    cid = lax.axis_index("c")
    sid = lax.axis_index("s")
    wid = sid * _NC + cid
    r0 = sid * _RPS

    pltpu.sync_copy(src_hbm.at[wid], src_v)
    pltpu.sync_copy(dst_hbm.at[wid], dst_v)

    @pl.when(cid == 0)
    def _():
        pltpu.sync_copy(u_hbm.at[pl.ds(r0, _RPS)], acc.at[pl.ds(r0, _RPS)])

    @pl.when(cid != 0)
    def _():
        pltpu.sync_copy(zeros_hbm.at[pl.ds(r0, _RPS)], acc.at[pl.ds(r0, _RPS)])

    plsc.subcore_barrier()

    gsem = (g0, g1, g2, g3)

    def gather(k, b):
        pltpu.async_copy(u_hbm.at[src_v.at[k]], rows.at[b], gsem[b])

    def gwait(b):
        pltpu.make_async_copy(u_hbm.at[src_v.at[0]], rows.at[b], gsem[b]).wait()

    def scat(k, b):
        pltpu.async_copy(rows.at[b], acc.at[dst_v.at[k]], ssem, add=True)

    def swait(b):
        pltpu.make_async_copy(rows.at[b], acc.at[dst_v.at[0]], ssem).wait()

    gather(0, 0)
    gather(1, 1)
    gather(2, 2)
    gather(3, 3)

    def body(j, carry):
        for p in range(4):
            k = 4 * j + p
            gwait(p)
            scat(k, p)
            swait(p)
            gather(k + 4, p)
        return carry

    lax.fori_loop(0, _NCHUNK // 4 - 1, body, 0)

    for p in range(4):
        gwait(p)
        scat(_NCHUNK - 4 + p, p)
        swait(p)

    plsc.subcore_barrier()
    pltpu.sync_copy(acc.at[pl.ds(r0, _RPS)], out_hbm.at[cid, pl.ds(r0, _RPS)])


def _mm1(x, W1, degp):
    def body(x_ref, w_ref, d_ref, u_ref, di_ref):
        p1 = jnp.dot(x_ref[...], w_ref[...],
                     preferred_element_type=jnp.float32)
        d = d_ref[0] + d_ref[1]
        deg = d[:_N, :1] + 1.0
        dinv = lax.rsqrt(deg)
        di_ref[...] = dinv
        u_ref[:_N, :] = p1 * dinv
        u_ref[_N:, :] = jnp.zeros((_NPAD - _N, _DH), jnp.float32)

    return pl.pallas_call(
        body,
        out_shape=(jax.ShapeDtypeStruct((_NPAD, _DH), jnp.float32),
                   jax.ShapeDtypeStruct((_N, 1), jnp.float32)),
    )(x, W1, degp)


def _mm2(s1p, dinv, b1, W2):
    def body(s_ref, di_ref, b_ref, w_ref, u_ref):
        s = s_ref[0, :_N, :] + s_ref[1, :_N, :]
        di = di_ref[...]
        h1 = jnp.maximum(s * di + b_ref[...], 0.0)
        u_ref[:_N, :] = jnp.dot(h1, w_ref[...],
                                preferred_element_type=jnp.float32) * di
        u_ref[_N:, :] = jnp.zeros((_NPAD - _N, _DH), jnp.float32)

    return pl.pallas_call(
        body,
        out_shape=jax.ShapeDtypeStruct((_NPAD, _DH), jnp.float32),
    )(s1p, dinv, b1, W2)


def _pool(s2p, dinv, b2, batch2d, Wl, bl):
    def body(s_ref, di_ref, b_ref, bat_ref, wl_ref, bl_ref, o_ref):
        s = s_ref[0, :_N, :] + s_ref[1, :_N, :]
        h2 = jnp.maximum(s * di_ref[...] + b_ref[...], 0.0)
        gids = lax.broadcasted_iota(jnp.int32, (_G, _N), 0)
        onehot = (bat_ref[...] == gids).astype(jnp.float32)
        summed = jnp.dot(onehot, h2, preferred_element_type=jnp.float32)
        cnt = jnp.sum(onehot, axis=1, keepdims=True)
        pooled = summed / jnp.maximum(cnt, 1.0)
        o_ref[...] = jnp.dot(pooled, wl_ref[...],
                             preferred_element_type=jnp.float32) + bl_ref[...]

    return pl.pallas_call(
        body,
        out_shape=jax.ShapeDtypeStruct((_G, _NCLS), jnp.float32),
    )(s2p, dinv, b2, batch2d, Wl, bl)


def kernel(x, edge_index, batch, W1, b1, W2, b2, Wl, bl):
    src = edge_index[0].reshape(_NW, _NCHUNK, _CH)
    dst = edge_index[1].reshape(_NW, _NCHUNK, _CH)
    ones_rows = jnp.ones((_CH, _DEGW), jnp.float32)
    zeros_deg = jnp.zeros((_NPAD, _DEGW), jnp.float32)
    zeros_u = jnp.zeros((_NPAD, _DH), jnp.float32)

    degp = _deg_kernel(dst, ones_rows, zeros_deg)
    u1, dinv = _mm1(x, W1, degp)
    s1p = _scatter_kernel(u1, src, dst, zeros_u)
    u2 = _mm2(s1p, dinv, b1.reshape(1, _DH), W2)
    s2p = _scatter_kernel(u2, src, dst, zeros_u)
    out = _pool(s2p, dinv, b2.reshape(1, _DH), batch.reshape(1, _N),
                Wl, bl.reshape(1, _NCLS))
    return out

# --- scband reference (transcript-rebuilt; emitter-appended) ---
"""Pipeline reference for scband-eeggcn-19069654794648 (READ-ONLY COPY).

The authoritative reference and input builder live on the scoring server;
editing this copy changes nothing except your own understanding.
"""

import jax, jax.numpy as jnp
import numpy as np

N_NODES = 10000
N_EDGES = 320000
N_GRAPHS = 64
D_IN = 128
D_HID = 32
N_CLASSES = 2


def setup_inputs(seed: int = 0) -> dict:
    key = jax.random.key(seed)
    ks = jax.random.split(key, 10)
    x = jax.random.normal(ks[0], (N_NODES, D_IN), dtype=jnp.float32)
    edge_index = jax.random.randint(ks[1], (2, N_EDGES), 0, N_NODES, dtype=jnp.int32)
    batch = jnp.sort(jax.random.randint(ks[2], (N_NODES,), 0, N_GRAPHS, dtype=jnp.int32))
    W1 = jax.random.normal(ks[3], (D_IN, D_HID), dtype=jnp.float32) * 0.05
    b1 = jnp.zeros((D_HID,), dtype=jnp.float32)
    W2 = jax.random.normal(ks[4], (D_HID, D_HID), dtype=jnp.float32) * 0.05
    b2 = jnp.zeros((D_HID,), dtype=jnp.float32)
    Wl = jax.random.normal(ks[5], (D_HID, N_CLASSES), dtype=jnp.float32) * 0.05
    bl = jnp.zeros((N_CLASSES,), dtype=jnp.float32)
    return {"x": x, "edge_index": edge_index, "batch": batch,
            "W1": W1, "b1": b1, "W2": W2, "b2": b2, "Wl": Wl, "bl": bl}


def gcn_conv(x, edge_index, W, b):
    # PyG-style GCNConv: add self loops, symmetric normalization, linear first
    src = edge_index[0]
    dst = edge_index[1]
    loop = jnp.arange(N_NODES, dtype=src.dtype)
    src = jnp.concatenate([src, loop])
    dst = jnp.concatenate([dst, loop])
    h = x @ W
    ones = jnp.ones(src.shape[0], dtype=h.dtype)
    deg = jax.ops.segment_sum(ones, dst, num_segments=N_NODES)
    dinv = jnp.where(deg > 0, deg ** -0.5, 0.0)
    norm = dinv[src] * dinv[dst]
    msg = h[src] * norm[:, None]
    out = jax.ops.segment_sum(msg, dst, num_segments=N_NODES)
    return out + b


def reference(x, edge_index, batch, W1, b1, W2, b2, Wl, bl):
    h = jax.nn.relu(gcn_conv(x, edge_index, W1, b1))
    h = jax.nn.relu(gcn_conv(h, edge_index, W2, b2))
    summed = jax.ops.segment_sum(h, batch, num_segments=N_GRAPHS)
    cnt = jax.ops.segment_sum(jnp.ones(N_NODES, dtype=h.dtype), batch, num_segments=N_GRAPHS)
    pooled = summed / jnp.maximum(cnt, 1.0)[:, None]
    return pooled @ Wl + bl

if __name__ == "__main__":
    import jax
    _d = setup_inputs()
    print(jax.jit(kernel)(*tuple(_d.values())))

</pallas_src>

<mosaic_0001>
#map = affine_map<(d0, d1) -> (0, 0)>
#map1 = affine_map<(d0, d1) -> (0, 0, 0)>
module attributes {stable_mosaic.version = 14 : i64} {
  func.func @_scatter_kernel(%arg0: i32, %arg1: i32, %arg2: memref<10240x32xf32, #tpu.memory_space<hbm>>, %arg3: memref<32x80x125xi32, #tpu.memory_space<hbm>>, %arg4: memref<32x80x125xi32, #tpu.memory_space<hbm>>, %arg5: memref<10240x32xf32, #tpu.memory_space<hbm>>, %arg6: memref<2x10240x32xf32, #tpu.memory_space<hbm>>, %arg7: memref<80x125xi32, #tpu.memory_space<vmem>>, %arg8: memref<80x125xi32, #tpu.memory_space<vmem>>, %arg9: memref<4x125x32xf32, #tpu.memory_space<vmem>>, %arg10: memref<10240x32xf32, #tpu.memory_space<vmem_shared>>, %arg11: memref<!tpu.dma_semaphore, #tpu.memory_space<semaphore_mem>>, %arg12: memref<!tpu.dma_semaphore, #tpu.memory_space<semaphore_mem>>, %arg13: memref<!tpu.dma_semaphore, #tpu.memory_space<semaphore_mem>>, %arg14: memref<!tpu.dma_semaphore, #tpu.memory_space<semaphore_mem>>, %arg15: memref<!tpu.dma_semaphore, #tpu.memory_space<semaphore_mem>>) attributes {dimension_semantics = [#tpu.dimension_semantics<core_parallel>, #tpu.dimension_semantics<subcore_parallel>], iteration_bounds = array<i64: 2, 16>, scalar_prefetch = 0 : i64, scratch_operands = 9 : i64, tpu.core_type = #tpu.core_type<sc_vector_subcore>, window_params = [{transform_indices = #map}, {transform_indices = #map1}, {transform_indices = #map1}, {transform_indices = #map}, {transform_indices = #map1}]} {
    %mul3A = arith.constant 2 : i32
    %mul3A_0 = arith.muli %arg1, %mul3A : i32
    %add3A = arith.addi %mul3A_0, %arg0 : i32
    %mul3A_1 = arith.constant 640 : i32
    %mul3A_2 = arith.muli %arg1, %mul3A_1 : i32
    "tpu.region"() ({
      %run_scoped3A = tpu.sem_alloc : memref<!tpu.dma_semaphore, #tpu.memory_space<semaphore_mem>>
      %dma_start3A_205 = arith.constant 0 : i32
      %dma_start3A_206 = arith.constant 0 : i32
      %dma_start3A_207 = tpu.memref_slice %arg3[%add3A, %dma_start3A_205, %dma_start3A_206] : memref<32x80x125xi32, #tpu.memory_space<hbm>> -> memref<1x80x125xi32, #tpu.memory_space<hbm>>
      %dma_start3A_208 = tpu.memref_squeeze %dma_start3A_207 : memref<1x80x125xi32, #tpu.memory_space<hbm>> -> memref<80x125xi32, #tpu.memory_space<hbm>>
      %dma_start3A_209 = arith.constant 0 : i32
      %dma_start3A_210 = arith.constant 0 : i32
      %dma_start3A_211 = tpu.memref_slice %arg3[%add3A, %dma_start3A_209, %dma_start3A_210] : memref<32x80x125xi32, #tpu.memory_space<hbm>> -> memref<1x80x125xi32, #tpu.memory_space<hbm>>
      %dma_start3A_212 = tpu.memref_squeeze %dma_start3A_211 : memref<1x80x125xi32, #tpu.memory_space<hbm>> -> memref<80x125xi32, #tpu.memory_space<hbm>>
      tpu.enqueue_dma source(%dma_start3A_212 : memref<80x125xi32, #tpu.memory_space<hbm>>) target(%arg7 : memref<80x125xi32, #tpu.memory_space<vmem>>) target_semaphore(%run_scoped3A : memref<!tpu.dma_semaphore, #tpu.memory_space<semaphore_mem>>)
      %dma_wait3A_213 = arith.constant 0 : i32
      %dma_wait3A_214 = arith.constant 0 : i32
      %dma_wait3A_215 = tpu.memref_slice %arg3[%add3A, %dma_wait3A_213, %dma_wait3A_214] : memref<32x80x125xi32, #tpu.memory_space<hbm>> -> memref<1x80x125xi32, #tpu.memory_space<hbm>>
      %dma_wait3A_216 = tpu.memref_squeeze %dma_wait3A_215 : memref<1x80x125xi32, #tpu.memory_space<hbm>> -> memref<80x125xi32, #tpu.memory_space<hbm>>
      %dma_wait3A_217 = arith.constant 0 : i32
      %dma_wait3A_218 = arith.constant 0 : i32
      %dma_wait3A_219 = tpu.memref_slice %arg3[%add3A, %dma_wait3A_217, %dma_wait3A_218] : memref<32x80x125xi32, #tpu.memory_space<hbm>> -> memref<1x80x125xi32, #tpu.memory_space<hbm>>
      %dma_wait3A_220 = tpu.memref_squeeze %dma_wait3A_219 : memref<1x80x125xi32, #tpu.memory_space<hbm>> -> memref<80x125xi32, #tpu.memory_space<hbm>>
      tpu.wait_dma2 semaphore(%run_scoped3A : memref<!tpu.dma_semaphore, #tpu.memory_space<semaphore_mem>>) src(%dma_wait3A_220 : memref<80x125xi32, #tpu.memory_space<hbm>>) dst(%arg7 : memref<80x125xi32, #tpu.memory_space<vmem>>)
      tpu.yield
    }) : () -> ()
    "tpu.region"() ({
      %run_scoped3A = tpu.sem_alloc : memref<!tpu.dma_semaphore, #tpu.memory_space<semaphore_mem>>
      %dma_start3A_205 = arith.constant 0 : i32
      %dma_start3A_206 = arith.constant 0 : i32
      %dma_start3A_207 = tpu.memref_slice %arg4[%add3A, %dma_start3A_205, %dma_start3A_206] : memref<32x80x125xi32, #tpu.memory_space<hbm>> -> memref<1x80x125xi32, #tpu.memory_space<hbm>>
      %dma_start3A_208 = tpu.memref_squeeze %dma_start3A_207 : memref<1x80x125xi32, #tpu.memory_space<hbm>> -> memref<80x125xi32, #tpu.memory_space<hbm>>
      %dma_start3A_209 = arith.constant 0 : i32
      %dma_start3A_210 = arith.constant 0 : i32
      %dma_start3A_211 = tpu.memref_slice %arg4[%add3A, %dma_start3A_209, %dma_start3A_210] : memref<32x80x125xi32, #tpu.memory_space<hbm>> -> memref<1x80x125xi32, #tpu.memory_space<hbm>>
      %dma_start3A_212 = tpu.memref_squeeze %dma_start3A_211 : memref<1x80x125xi32, #tpu.memory_space<hbm>> -> memref<80x125xi32, #tpu.memory_space<hbm>>
      tpu.enqueue_dma source(%dma_start3A_212 : memref<80x125xi32, #tpu.memory_space<hbm>>) target(%arg8 : memref<80x125xi32, #tpu.memory_space<vmem>>) target_semaphore(%run_scoped3A : memref<!tpu.dma_semaphore, #tpu.memory_space<semaphore_mem>>)
      %dma_wait3A_213 = arith.constant 0 : i32
      %dma_wait3A_214 = arith.constant 0 : i32
      %dma_wait3A_215 = tpu.memref_slice %arg4[%add3A, %dma_wait3A_213, %dma_wait3A_214] : memref<32x80x125xi32, #tpu.memory_space<hbm>> -> memref<1x80x125xi32, #tpu.memory_space<hbm>>
      %dma_wait3A_216 = tpu.memref_squeeze %dma_wait3A_215 : memref<1x80x125xi32, #tpu.memory_space<hbm>> -> memref<80x125xi32, #tpu.memory_space<hbm>>
      %dma_wait3A_217 = arith.constant 0 : i32
      %dma_wait3A_218 = arith.constant 0 : i32
      %dma_wait3A_219 = tpu.memref_slice %arg4[%add3A, %dma_wait3A_217, %dma_wait3A_218] : memref<32x80x125xi32, #tpu.memory_space<hbm>> -> memref<1x80x125xi32, #tpu.memory_space<hbm>>
      %dma_wait3A_220 = tpu.memref_squeeze %dma_wait3A_219 : memref<1x80x125xi32, #tpu.memory_space<hbm>> -> memref<80x125xi32, #tpu.memory_space<hbm>>
      tpu.wait_dma2 semaphore(%run_scoped3A : memref<!tpu.dma_semaphore, #tpu.memory_space<semaphore_mem>>) src(%dma_wait3A_220 : memref<80x125xi32, #tpu.memory_space<hbm>>) dst(%arg8 : memref<80x125xi32, #tpu.memory_space<vmem>>)
      tpu.yield
    }) : () -> ()
    %eq3A = arith.constant 0 : i32
    %eq3A_3 = arith.cmpi eq, %arg0, %eq3A : i32
    %convert_element_type3A = arith.extui %eq3A_3 : i1 to i32
    %cond3A = arith.constant 0 : i32
    %cond3A_4 = arith.cmpi ne, %convert_element_type3A, %cond3A : i32
    scf.if %cond3A_4 {
      "tpu.region"() ({
        %run_scoped3A = tpu.sem_alloc : memref<!tpu.dma_semaphore, #tpu.memory_space<semaphore_mem>>
        %dma_start3A_205 = arith.constant 0 : i32
        %dma_start3A_206 = tpu.memref_slice %arg10[%mul3A_2, %dma_start3A_205] : memref<10240x32xf32, #tpu.memory_space<vmem_shared>> -> memref<640x32xf32, #tpu.memory_space<vmem_shared>>
        %dma_start3A_207 = arith.constant 0 : i32
        %dma_start3A_208 = tpu.memref_slice %arg2[%mul3A_2, %dma_start3A_207] : memref<10240x32xf32, #tpu.memory_space<hbm>> -> memref<640x32xf32, #tpu.memory_space<hbm>>
        tpu.enqueue_dma source(%dma_start3A_208 : memref<640x32xf32, #tpu.memory_space<hbm>>) target(%dma_start3A_206 : memref<640x32xf32, #tpu.memory_space<vmem_shared>>) target_semaphore(%run_scoped3A : memref<!tpu.dma_semaphore, #tpu.memory_space<semaphore_mem>>)
        %dma_wait3A_209 = arith.constant 0 : i32
        %dma_wait3A_210 = tpu.memref_slice %arg10[%mul3A_2, %dma_wait3A_209] : memref<10240x32xf32, #tpu.memory_space<vmem_shared>> -> memref<640x32xf32, #tpu.memory_space<vmem_shared>>
        %dma_wait3A_211 = arith.constant 0 : i32
        %dma_wait3A_212 = tpu.memref_slice %arg2[%mul3A_2, %dma_wait3A_211] : memref<10240x32xf32, #tpu.memory_space<hbm>> -> memref<640x32xf32, #tpu.memory_space<hbm>>
        tpu.wait_dma2 semaphore(%run_scoped3A : memref<!tpu.dma_semaphore, #tpu.memory_space<semaphore_mem>>) src(%dma_wait3A_212 : memref<640x32xf32, #tpu.memory_space<hbm>>) dst(%dma_wait3A_210 : memref<640x32xf32, #tpu.memory_space<vmem_shared>>)
        tpu.yield
      }) : () -> ()
    } else {
    }
    %ne3A = arith.constant 0 : i32
    %ne3A_5 = arith.cmpi ne, %arg0, %ne3A : i32
    %convert_element_type3A_6 = arith.extui %ne3A_5 : i1 to i32
    %cond3A_7 = arith.constant 0 : i32
    %cond3A_8 = arith.cmpi ne, %convert_element_type3A_6, %cond3A_7 : i32
    scf.if %cond3A_8 {
      "tpu.region"() ({
        %run_scoped3A = tpu.sem_alloc : memref<!tpu.dma_semaphore, #tpu.memory_space<semaphore_mem>>
        %dma_start3A_205 = arith.constant 0 : i32
        %dma_start3A_206 = tpu.memref_slice %arg10[%mul3A_2, %dma_start3A_205] : memref<10240x32xf32, #tpu.memory_space<vmem_shared>> -> memref<640x32xf32, #tpu.memory_space<vmem_shared>>
        %dma_start3A_207 = arith.constant 0 : i32
        %dma_start3A_208 = tpu.memref_slice %arg5[%mul3A_2, %dma_start3A_207] : memref<10240x32xf32, #tpu.memory_space<hbm>> -> memref<640x32xf32, #tpu.memory_space<hbm>>
        tpu.enqueue_dma source(%dma_start3A_208 : memref<640x32xf32, #tpu.memory_space<hbm>>) target(%dma_start3A_206 : memref<640x32xf32, #tpu.memory_space<vmem_shared>>) target_semaphore(%run_scoped3A : memref<!tpu.dma_semaphore, #tpu.memory_space<semaphore_mem>>)
        %dma_wait3A_209 = arith.constant 0 : i32
        %dma_wait3A_210 = tpu.memref_slice %arg10[%mul3A_2, %dma_wait3A_209] : memref<10240x32xf32, #tpu.memory_space<vmem_shared>> -> memref<640x32xf32, #tpu.memory_space<vmem_shared>>
        %dma_wait3A_211 = arith.constant 0 : i32
        %dma_wait3A_212 = tpu.memref_slice %arg5[%mul3A_2, %dma_wait3A_211] : memref<10240x32xf32, #tpu.memory_space<hbm>> -> memref<640x32xf32, #tpu.memory_space<hbm>>
        tpu.wait_dma2 semaphore(%run_scoped3A : memref<!tpu.dma_semaphore, #tpu.memory_space<semaphore_mem>>) src(%dma_wait3A_212 : memref<640x32xf32, #tpu.memory_space<hbm>>) dst(%dma_wait3A_210 : memref<640x32xf32, #tpu.memory_space<vmem_shared>>)
        tpu.yield
      }) : () -> ()
    } else {
    }
    %barrier3A = arith.constant 0 : index
    tpu.barrier barrier_id(%barrier3A)
    %dma_start3A = arith.constant 0 : i32
    %dma_start3A_9 = arith.constant 0 : i32
    %dma_start3A_10 = arith.constant 0 : i32
    %dma_start3A_11 = arith.constant 0 : i32
    %dma_start3A_12 = tpu.memref_slice %arg9[%dma_start3A_9, %dma_start3A_10, %dma_start3A_11] : memref<4x125x32xf32, #tpu.memory_space<vmem>> -> memref<1x125x32xf32, #tpu.memory_space<vmem>>
    %dma_start3A_13 = tpu.memref_squeeze %dma_start3A_12 : memref<1x125x32xf32, #tpu.memory_space<vmem>> -> memref<125x32xf32, #tpu.memory_space<vmem>>
    %dma_start3A_14 = arith.constant 0 : i32
    %dma_start3A_15 = tpu.memref_slice %arg7[%dma_start3A, %dma_start3A_14] : memref<80x125xi32, #tpu.memory_space<vmem>> -> memref<1x125xi32, #tpu.memory_space<vmem>>
    %dma_start3A_16 = tpu.memref_squeeze %dma_start3A_15 : memref<1x125xi32, #tpu.memory_space<vmem>> -> memref<125xi32, #tpu.memory_space<vmem>>
    %dma_start3A_17 = arith.constant 0 : i32
    %dma_start3A_18 = arith.constant 0 : i32
    %dma_start3A_19 = tpu.memref_slice %arg2[%dma_start3A_17, %dma_start3A_18] : memref<10240x32xf32, #tpu.memory_space<hbm>> -> memref<10240x32xf32, #tpu.memory_space<hbm>>
    tpu.enqueue_indirect_dma source(%dma_start3A_19 : memref<10240x32xf32, #tpu.memory_space<hbm>>) target(%dma_start3A_13 : memref<125x32xf32, #tpu.memory_space<vmem>>) offsets(%dma_start3A_16 : memref<125xi32, #tpu.memory_space<vmem>>) semaphore(%arg11 : memref<!tpu.dma_semaphore, #tpu.memory_space<semaphore_mem>>)
    %dma_start3A_20 = arith.constant 1 : i32
    %dma_start3A_21 = arith.constant 1 : i32
    %dma_start3A_22 = arith.constant 0 : i32
    %dma_start3A_23 = arith.constant 0 : i32
    %dma_start3A_24 = tpu.memref_slice %arg9[%dma_start3A_21, %dma_start3A_22, %dma_start3A_23] : memref<4x125x32xf32, #tpu.memory_space<vmem>> -> memref<1x125x32xf32, #tpu.memory_space<vmem>>
    %dma_start3A_25 = tpu.memref_squeeze %dma_start3A_24 : memref<1x125x32xf32, #tpu.memory_space<vmem>> -> memref<125x32xf32, #tpu.memory_space<vmem>>
    %dma_start3A_26 = arith.constant 0 : i32
    %dma_start3A_27 = tpu.memref_slice %arg7[%dma_start3A_20, %dma_start3A_26] : memref<80x125xi32, #tpu.memory_space<vmem>> -> memref<1x125xi32, #tpu.memory_space<vmem>>
    %dma_start3A_28 = tpu.memref_squeeze %dma_start3A_27 : memref<1x125xi32, #tpu.memory_space<vmem>> -> memref<125xi32, #tpu.memory_space<vmem>>
    %dma_start3A_29 = arith.constant 0 : i32
    %dma_start3A_30 = arith.constant 0 : i32
    %dma_start3A_31 = tpu.memref_slice %arg2[%dma_start3A_29, %dma_start3A_30] : memref<10240x32xf32, #tpu.memory_space<hbm>> -> memref<10240x32xf32, #tpu.memory_space<hbm>>
    tpu.enqueue_indirect_dma source(%dma_start3A_31 : memref<10240x32xf32, #tpu.memory_space<hbm>>) target(%dma_start3A_25 : memref<125x32xf32, #tpu.memory_space<vmem>>) offsets(%dma_start3A_28 : memref<125xi32, #tpu.memory_space<vmem>>) semaphore(%arg12 : memref<!tpu.dma_semaphore, #tpu.memory_space<semaphore_mem>>)
    %dma_start3A_32 = arith.constant 2 : i32
    %dma_start3A_33 = arith.constant 2 : i32
    %dma_start3A_34 = arith.constant 0 : i32
    %dma_start3A_35 = arith.constant 0 : i32
    %dma_start3A_36 = tpu.memref_slice %arg9[%dma_start3A_33, %dma_start3A_34, %dma_start3A_35] : memref<4x125x32xf32, #tpu.memory_space<vmem>> -> memref<1x125x32xf32, #tpu.memory_space<vmem>>
    %dma_start3A_37 = tpu.memref_squeeze %dma_start3A_36 : memref<1x125x32xf32, #tpu.memory_space<vmem>> -> memref<125x32xf32, #tpu.memory_space<vmem>>
    %dma_start3A_38 = arith.constant 0 : i32
    %dma_start3A_39 = tpu.memref_slice %arg7[%dma_start3A_32, %dma_start3A_38] : memref<80x125xi32, #tpu.memory_space<vmem>> -> memref<1x125xi32, #tpu.memory_space<vmem>>
    %dma_start3A_40 = tpu.memref_squeeze %dma_start3A_39 : memref<1x125xi32, #tpu.memory_space<vmem>> -> memref<125xi32, #tpu.memory_space<vmem>>
    %dma_start3A_41 = arith.constant 0 : i32
    %dma_start3A_42 = arith.constant 0 : i32
    %dma_start3A_43 = tpu.memref_slice %arg2[%dma_start3A_41, %dma_start3A_42] : memref<10240x32xf32, #tpu.memory_space<hbm>> -> memref<10240x32xf32, #tpu.memory_space<hbm>>
    tpu.enqueue_indirect_dma source(%dma_start3A_43 : memref<10240x32xf32, #tpu.memory_space<hbm>>) target(%dma_start3A_37 : memref<125x32xf32, #tpu.memory_space<vmem>>) offsets(%dma_start3A_40 : memref<125xi32, #tpu.memory_space<vmem>>) semaphore(%arg13 : memref<!tpu.dma_semaphore, #tpu.memory_space<semaphore_mem>>)
    %dma_start3A_44 = arith.constant 3 : i32
    %dma_start3A_45 = arith.constant 3 : i32
    %dma_start3A_46 = arith.constant 0 : i32
    %dma_start3A_47 = arith.constant 0 : i32
    %dma_start3A_48 = tpu.memref_slice %arg9[%dma_start3A_45, %dma_start3A_46, %dma_start3A_47] : memref<4x125x32xf32, #tpu.memory_space<vmem>> -> memref<1x125x32xf32, #tpu.memory_space<vmem>>
    %dma_start3A_49 = tpu.memref_squeeze %dma_start3A_48 : memref<1x125x32xf32, #tpu.memory_space<vmem>> -> memref<125x32xf32, #tpu.memory_space<vmem>>
    %dma_start3A_50 = arith.constant 0 : i32
    %dma_start3A_51 = tpu.memref_slice %arg7[%dma_start3A_44, %dma_start3A_50] : memref<80x125xi32, #tpu.memory_space<vmem>> -> memref<1x125xi32, #tpu.memory_space<vmem>>
    %dma_start3A_52 = tpu.memref_squeeze %dma_start3A_51 : memref<1x125xi32, #tpu.memory_space<vmem>> -> memref<125xi32, #tpu.memory_space<vmem>>
    %dma_start3A_53 = arith.constant 0 : i32
    %dma_start3A_54 = arith.constant 0 : i32
    %dma_start3A_55 = tpu.memref_slice %arg2[%dma_start3A_53, %dma_start3A_54] : memref<10240x32xf32, #tpu.memory_space<hbm>> -> memref<10240x32xf32, #tpu.memory_space<hbm>>
    tpu.enqueue_indirect_dma source(%dma_start3A_55 : memref<10240x32xf32, #tpu.memory_space<hbm>>) target(%dma_start3A_49 : memref<125x32xf32, #tpu.memory_space<vmem>>) offsets(%dma_start3A_52 : memref<125xi32, #tpu.memory_space<vmem>>) semaphore(%arg14 : memref<!tpu.dma_semaphore, #tpu.memory_space<semaphore_mem>>)
    %scan3A = arith.constant 0 : i32
    %scan3A_56 = arith.constant 0 : i32
    %scan3A_57 = arith.constant 19 : i32
    %scan3A_58 = arith.addi %scan3A_56, %scan3A_57 : i32
    %scan3A_59 = arith.constant 1 : i32
    scf.for %scan3A_205 = %scan3A_56 to %scan3A_58 step %scan3A_59  : i32 {
      %mul3A_206 = arith.constant 4 : i32
      %mul3A_207 = arith.muli %mul3A_206, %scan3A_205 : i32
      %add3A_208 = arith.constant 0 : i32
      %add3A_209 = arith.addi %mul3A_207, %add3A_208 : i32
      %dma_wait3A_210 = arith.constant 0 : i32
      %dma_wait3A_211 = arith.constant 0 : i32
      %dma_wait3A_212 = arith.constant 0 : i32
      %dma_wait3A_213 = arith.constant 0 : i32
      %dma_wait3A_214 = tpu.memref_slice %arg9[%dma_wait3A_211, %dma_wait3A_212, %dma_wait3A_213] : memref<4x125x32xf32, #tpu.memory_space<vmem>> -> memref<1x125x32xf32, #tpu.memory_space<vmem>>
      %dma_wait3A_215 = tpu.memref_squeeze %dma_wait3A_214 : memref<1x125x32xf32, #tpu.memory_space<vmem>> -> memref<125x32xf32, #tpu.memory_space<vmem>>
      %dma_wait3A_216 = arith.constant 0 : i32
      %dma_wait3A_217 = tpu.memref_slice %arg7[%dma_wait3A_210, %dma_wait3A_216] : memref<80x125xi32, #tpu.memory_space<vmem>> -> memref<1x125xi32, #tpu.memory_space<vmem>>
      %dma_wait3A_218 = tpu.memref_squeeze %dma_wait3A_217 : memref<1x125xi32, #tpu.memory_space<vmem>> -> memref<125xi32, #tpu.memory_space<vmem>>
      %dma_wait3A_219 = arith.constant 0 : i32
      %dma_wait3A_220 = arith.constant 0 : i32
      %dma_wait3A_221 = tpu.memref_slice %arg2[%dma_wait3A_219, %dma_wait3A_220] : memref<10240x32xf32, #tpu.memory_space<hbm>> -> memref<10240x32xf32, #tpu.memory_space<hbm>>
      tpu.wait_indirect_dma semaphore(%arg11 : memref<!tpu.dma_semaphore, #tpu.memory_space<semaphore_mem>>) src(%dma_wait3A_221 : memref<10240x32xf32, #tpu.memory_space<hbm>>) dst(%dma_wait3A_215 : memref<125x32xf32, #tpu.memory_space<vmem>>)
      %dma_start3A_222 = arith.constant 0 : i32
      %dma_start3A_223 = arith.constant 0 : i32
      %dma_start3A_224 = arith.constant 0 : i32
      %dma_start3A_225 = tpu.memref_slice %arg9[%dma_start3A_222, %dma_start3A_223, %dma_start3A_224] : memref<4x125x32xf32, #tpu.memory_space<vmem>> -> memref<1x125x32xf32, #tpu.memory_space<vmem>>
      %dma_start3A_226 = tpu.memref_squeeze %dma_start3A_225 : memref<1x125x32xf32, #tpu.memory_space<vmem>> -> memref<125x32xf32, #tpu.memory_space<vmem>>
      %dma_start3A_227 = arith.constant 0 : i32
      %dma_start3A_228 = tpu.memref_slice %arg8[%add3A_209, %dma_start3A_227] : memref<80x125xi32, #tpu.memory_space<vmem>> -> memref<1x125xi32, #tpu.memory_space<vmem>>
      %dma_start3A_229 = tpu.memref_squeeze %dma_start3A_228 : memref<1x125xi32, #tpu.memory_space<vmem>> -> memref<125xi32, #tpu.memory_space<vmem>>
      %dma_start3A_230 = arith.constant 0 : i32
      %dma_start3A_231 = arith.constant 0 : i32
      %dma_start3A_232 = tpu.memref_slice %arg10[%dma_start3A_230, %dma_start3A_231] : memref<10240x32xf32, #tpu.memory_space<vmem_shared>> -> memref<10240x32xf32, #tpu.memory_space<vmem_shared>>
      tpu.enqueue_indirect_dma source(%dma_start3A_226 : memref<125x32xf32, #tpu.memory_space<vmem>>) target(%dma_start3A_232 : memref<10240x32xf32, #tpu.memory_space<vmem_shared>>) offsets(%dma_start3A_229 : memref<125xi32, #tpu.memory_space<vmem>>) semaphore(%arg15 : memref<!tpu.dma_semaphore, #tpu.memory_space<semaphore_mem>>) {add = true}
      %dma_wait3A_233 = arith.constant 0 : i32
      %dma_wait3A_234 = arith.constant 0 : i32
      %dma_wait3A_235 = arith.constant 0 : i32
      %dma_wait3A_236 = arith.constant 0 : i32
      %dma_wait3A_237 = tpu.memref_slice %arg9[%dma_wait3A_233, %dma_wait3A_235, %dma_wait3A_236] : memref<4x125x32xf32, #tpu.memory_space<vmem>> -> memref<1x125x32xf32, #tpu.memory_space<vmem>>
      %dma_wait3A_238 = tpu.memref_squeeze %dma_wait3A_237 : memref<1x125x32xf32, #tpu.memory_space<vmem>> -> memref<125x32xf32, #tpu.memory_space<vmem>>
      %dma_wait3A_239 = arith.constant 0 : i32
      %dma_wait3A_240 = tpu.memref_slice %arg8[%dma_wait3A_234, %dma_wait3A_239] : memref<80x125xi32, #tpu.memory_space<vmem>> -> memref<1x125xi32, #tpu.memory_space<vmem>>
      %dma_wait3A_241 = tpu.memref_squeeze %dma_wait3A_240 : memref<1x125xi32, #tpu.memory_space<vmem>> -> memref<125xi32, #tpu.memory_space<vmem>>
      %dma_wait3A_242 = arith.constant 0 : i32
      %dma_wait3A_243 = arith.constant 0 : i32
      %dma_wait3A_244 = tpu.memref_slice %arg10[%dma_wait3A_242, %dma_wait3A_243] : memref<10240x32xf32, #tpu.memory_space<vmem_shared>> -> memref<10240x32xf32, #tpu.memory_space<vmem_shared>>
      tpu.wait_indirect_dma semaphore(%arg15 : memref<!tpu.dma_semaphore, #tpu.memory_space<semaphore_mem>>) src(%dma_wait3A_238 : memref<125x32xf32, #tpu.memory_space<vmem>>) dst(%dma_wait3A_244 : memref<10240x32xf32, #tpu.memory_space<vmem_shared>>)
      %add3A_245 = arith.constant 4 : i32
      %add3A_246 = arith.addi %add3A_209, %add3A_245 : i32
      %dma_start3A_247 = arith.constant 0 : i32
      %dma_start3A_248 = arith.constant 0 : i32
      %dma_start3A_249 = arith.constant 0 : i32
      %dma_start3A_250 = tpu.memref_slice %arg9[%dma_start3A_247, %dma_start3A_248, %dma_start3A_249] : memref<4x125x32xf32, #tpu.memory_space<vmem>> -> memref<1x125x32xf32, #tpu.memory_space<vmem>>
      %dma_start3A_251 = tpu.memref_squeeze %dma_start3A_250 : memref<1x125x32xf32, #tpu.memory_space<vmem>> -> memref<125x32xf32, #tpu.memory_space<vmem>>
      %dma_start3A_252 = arith.constant 0 : i32
      %dma_start3A_253 = tpu.memref_slice %arg7[%add3A_246, %dma_start3A_252] : memref<80x125xi32, #tpu.memory_space<vmem>> -> memref<1x125xi32, #tpu.memory_space<vmem>>
      %dma_start3A_254 = tpu.memref_squeeze %dma_start3A_253 : memref<1x125xi32, #tpu.memory_space<vmem>> -> memref<125xi32, #tpu.memory_space<vmem>>
      %dma_start3A_255 = arith.constant 0 : i32
      %dma_start3A_256 = arith.constant 0 : i32
      %dma_start3A_257 = tpu.memref_slice %arg2[%dma_start3A_255, %dma_start3A_256] : memref<10240x32xf32, #tpu.memory_space<hbm>> -> memref<10240x32xf32, #tpu.memory_space<hbm>>
      tpu.enqueue_indirect_dma source(%dma_start3A_257 : memref<10240x32xf32, #tpu.memory_space<hbm>>) target(%dma_start3A_251 : memref<125x32xf32, #tpu.memory_space<vmem>>) offsets(%dma_start3A_254 : memref<125xi32, #tpu.memory_space<vmem>>) semaphore(%arg11 : memref<!tpu.dma_semaphore, #tpu.memory_space<semaphore_mem>>)
      %mul3A_258 = arith.constant 4 : i32
      %mul3A_259 = arith.muli %mul3A_258, %scan3A_205 : i32
      %add3A_260 = arith.constant 1 : i32
      %add3A_261 = arith.addi %mul3A_259, %add3A_260 : i32
      %dma_wait3A_262 = arith.constant 0 : i32
      %dma_wait3A_263 = arith.constant 1 : i32
      %dma_wait3A_264 = arith.constant 0 : i32
      %dma_wait3A_265 = arith.constant 0 : i32
      %dma_wait3A_266 = tpu.memref_slice %arg9[%dma_wait3A_263, %dma_wait3A_264, %dma_wait3A_265] : memref<4x125x32xf32, #tpu.memory_space<vmem>> -> memref<1x125x32xf32, #tpu.memory_space<vmem>>
      %dma_wait3A_267 = tpu.memref_squeeze %dma_wait3A_266 : memref<1x125x32xf32, #tpu.memory_space<vmem>> -> memref<125x32xf32, #tpu.memory_space<vmem>>
      %dma_wait3A_268 = arith.constant 0 : i32
      %dma_wait3A_269 = tpu.memref_slice %arg7[%dma_wait3A_262, %dma_wait3A_268] : memref<80x125xi32, #tpu.memory_space<vmem>> -> memref<1x125xi32, #tpu.memory_space<vmem>>
      %dma_wait3A_270 = tpu.memref_squeeze %dma_wait3A_269 : memref<1x125xi32, #tpu.memory_space<vmem>> -> memref<125xi32, #tpu.memory_space<vmem>>
      %dma_wait3A_271 = arith.constant 0 : i32
      %dma_wait3A_272 = arith.constant 0 : i32
      %dma_wait3A_273 = tpu.memref_slice %arg2[%dma_wait3A_271, %dma_wait3A_272] : memref<10240x32xf32, #tpu.memory_space<hbm>> -> memref<10240x32xf32, #tpu.memory_space<hbm>>
      tpu.wait_indirect_dma semaphore(%arg12 : memref<!tpu.dma_semaphore, #tpu.memory_space<semaphore_mem>>) src(%dma_wait3A_273 : memref<10240x32xf32, #tpu.memory_space<hbm>>) dst(%dma_wait3A_267 : memref<125x32xf32, #tpu.memory_space<vmem>>)
      %dma_start3A_274 = arith.constant 1 : i32
      %dma_start3A_275 = arith.constant 0 : i32
      %dma_start3A_276 = arith.constant 0 : i32
      %dma_start3A_277 = tpu.memref_slice %arg9[%dma_start3A_274, %dma_start3A_275, %dma_start3A_276] : memref<4x125x32xf32, #tpu.memory_space<vmem>> -> memref<1x125x32xf32, #tpu.memory_space<vmem>>
      %dma_start3A_278 = tpu.memref_squeeze %dma_start3A_277 : memref<1x125x32xf32, #tpu.memory_space<vmem>> -> memref<125x32xf32, #tpu.memory_space<vmem>>
      %dma_start3A_279 = arith.constant 0 : i32
      %dma_start3A_280 = tpu.memref_slice %arg8[%add3A_261, %dma_start3A_279] : memref<80x125xi32, #tpu.memory_space<vmem>> -> memref<1x125xi32, #tpu.memory_space<vmem>>
      %dma_start3A_281 = tpu.memref_squeeze %dma_start3A_280 : memref<1x125xi32, #tpu.memory_space<vmem>> -> memref<125xi32, #tpu.memory_space<vmem>>
      %dma_start3A_282 = arith.constant 0 : i32
      %dma_start3A_283 = arith.constant 0 : i32
      %dma_start3A_284 = tpu.memref_slice %arg10[%dma_start3A_282, %dma_start3A_283] : memref<10240x32xf32, #tpu.memory_space<vmem_shared>> -> memref<10240x32xf32, #tpu.memory_space<vmem_shared>>
      tpu.enqueue_indirect_dma source(%dma_start3A_278 : memref<125x32xf32, #tpu.memory_space<vmem>>) target(%dma_start3A_284 : memref<10240x32xf32, #tpu.memory_space<vmem_shared>>) offsets(%dma_start3A_281 : memref<125xi32, #tpu.memory_space<vmem>>) semaphore(%arg15 : memref<!tpu.dma_semaphore, #tpu.memory_space<semaphore_mem>>) {add = true}
      %dma_wait3A_285 = arith.constant 1 : i32
      %dma_wait3A_286 = arith.constant 0 : i32
      %dma_wait3A_287 = arith.constant 0 : i32
      %dma_wait3A_288 = arith.constant 0 : i32
      %dma_wait3A_289 = tpu.memref_slice %arg9[%dma_wait3A_285, %dma_wait3A_287, %dma_wait3A_288] : memref<4x125x32xf32, #tpu.memory_space<vmem>> -> memref<1x125x32xf32, #tpu.memory_space<vmem>>
      %dma_wait3A_290 = tpu.memref_squeeze %dma_wait3A_289 : memref<1x125x32xf32, #tpu.memory_space<vmem>> -> memref<125x32xf32, #tpu.memory_space<vmem>>
      %dma_wait3A_291 = arith.constant 0 : i32
      %dma_wait3A_292 = tpu.memref_slice %arg8[%dma_wait3A_286, %dma_wait3A_291] : memref<80x125xi32, #tpu.memory_space<vmem>> -> memref<1x125xi32, #tpu.memory_space<vmem>>
      %dma_wait3A_293 = tpu.memref_squeeze %dma_wait3A_292 : memref<1x125xi32, #tpu.memory_space<vmem>> -> memref<125xi32, #tpu.memory_space<vmem>>
      %dma_wait3A_294 = arith.constant 0 : i32
      %dma_wait3A_295 = arith.constant 0 : i32
      %dma_wait3A_296 = tpu.memref_slice %arg10[%dma_wait3A_294, %dma_wait3A_295] : memref<10240x32xf32, #tpu.memory_space<vmem_shared>> -> memref<10240x32xf32, #tpu.memory_space<vmem_shared>>
      tpu.wait_indirect_dma semaphore(%arg15 : memref<!tpu.dma_semaphore, #tpu.memory_space<semaphore_mem>>) src(%dma_wait3A_290 : memref<125x32xf32, #tpu.memory_space<vmem>>) dst(%dma_wait3A_296 : memref<10240x32xf32, #tpu.memory_space<vmem_shared>>)
      %add3A_297 = arith.constant 4 : i32
      %add3A_298 = arith.addi %add3A_261, %add3A_297 : i32
      %dma_start3A_299 = arith.constant 1 : i32
      %dma_start3A_300 = arith.constant 0 : i32
      %dma_start3A_301 = arith.constant 0 : i32
      %dma_start3A_302 = tpu.memref_slice %arg9[%dma_start3A_299, %dma_start3A_300, %dma_start3A_301] : memref<4x125x32xf32, #tpu.memory_space<vmem>> -> memref<1x125x32xf32, #tpu.memory_space<vmem>>
      %dma_start3A_303 = tpu.memref_squeeze %dma_start3A_302 : memref<1x125x32xf32, #tpu.memory_space<vmem>> -> memref<125x32xf32, #tpu.memory_space<vmem>>
      %dma_start3A_304 = arith.constant 0 : i32
      %dma_start3A_305 = tpu.memref_slice %arg7[%add3A_298, %dma_start3A_304] : memref<80x125xi32, #tpu.memory_space<vmem>> -> memref<1x125xi32, #tpu.memory_space<vmem>>
      %dma_start3A_306 = tpu.memref_squeeze %dma_start3A_305 : memref<1x125xi32, #tpu.memory_space<vmem>> -> memref<125xi32, #tpu.memory_space<vmem>>
      %dma_start3A_307 = arith.constant 0 : i32
      %dma_start3A_308 = arith.constant 0 : i32
      %dma_start3A_309 = tpu.memref_slice %arg2[%dma_start3A_307, %dma_start3A_308] : memref<10240x32xf32, #tpu.memory_space<hbm>> -> memref<10240x32xf32, #tpu.memory_space<hbm>>
      tpu.enqueue_indirect_dma source(%dma_start3A_309 : memref<10240x32xf32, #tpu.memory_space<hbm>>) target(%dma_start3A_303 : memref<125x32xf32, #tpu.memory_space<vmem>>) offsets(%dma_start3A_306 : memref<125xi32, #tpu.memory_space<vmem>>) semaphore(%arg12 : memref<!tpu.dma_semaphore, #tpu.memory_space<semaphore_mem>>)
      %mul3A_310 = arith.constant 4 : i32
      %mul3A_311 = arith.muli %mul3A_310, %scan3A_205 : i32
      %add3A_312 = arith.constant 2 : i32
      %add3A_313 = arith.addi %mul3A_311, %add3A_312 : i32
      %dma_wait3A_314 = arith.constant 0 : i32
      %dma_wait3A_315 = arith.constant 2 : i32
      %dma_wait3A_316 = arith.constant 0 : i32
      %dma_wait3A_317 = arith.constant 0 : i32
      %dma_wait3A_318 = tpu.memref_slice %arg9[%dma_wait3A_315, %dma_wait3A_316, %dma_wait3A_317] : memref<4x125x32xf32, #tpu.memory_space<vmem>> -> memref<1x125x32xf32, #tpu.memory_space<vmem>>
      %dma_wait3A_319 = tpu.memref_squeeze %dma_wait3A_318 : memref<1x125x32xf32, #tpu.memory_space<vmem>> -> memref<125x32xf32, #tpu.memory_space<vmem>>
      %dma_wait3A_320 = arith.constant 0 : i32
      %dma_wait3A_321 = tpu.memref_slice %arg7[%dma_wait3A_314, %dma_wait3A_320] : memref<80x125xi32, #tpu.memory_space<vmem>> -> memref<1x125xi32, #tpu.memory_space<vmem>>
      %dma_wait3A_322 = tpu.memref_squeeze %dma_wait3A_321 : memref<1x125xi32, #tpu.memory_space<vmem>> -> memref<125xi32, #tpu.memory_space<vmem>>
      %dma_wait3A_323 = arith.constant 0 : i32
      %dma_wait3A_324 = arith.constant 0 : i32
      %dma_wait3A_325 = tpu.memref_slice %arg2[%dma_wait3A_323, %dma_wait3A_324] : memref<10240x32xf32, #tpu.memory_space<hbm>> -> memref<10240x32xf32, #tpu.memory_space<hbm>>
      tpu.wait_indirect_dma semaphore(%arg13 : memref<!tpu.dma_semaphore, #tpu.memory_space<semaphore_mem>>) src(%dma_wait3A_325 : memref<10240x32xf32, #tpu.memory_space<hbm>>) dst(%dma_wait3A_319 : memref<125x32xf32, #tpu.memory_space<vmem>>)
      %dma_start3A_326 = arith.constant 2 : i32
      %dma_start3A_327 = arith.constant 0 : i32
      %dma_start3A_328 = arith.constant 0 : i32
      %dma_start3A_329 = tpu.memref_slice %arg9[%dma_start3A_326, %dma_start3A_327, %dma_start3A_328] : memref<4x125x32xf32, #tpu.memory_space<vmem>> -> memref<1x125x32xf32, #tpu.memory_space<vmem>>
      %dma_start3A_330 = tpu.memref_squeeze %dma_start3A_329 : memref<1x125x32xf32, #tpu.memory_space<vmem>> -> memref<125x32xf32, #tpu.memory_space<vmem>>
      %dma_start3A_331 = arith.constant 0 : i32
      %dma_start3A_332 = tpu.memref_slice %arg8[%add3A_313, %dma_start3A_331] : memref<80x125xi32, #tpu.memory_space<vmem>> -> memref<1x125xi32, #tpu.memory_space<vmem>>
      %dma_start3A_333 = tpu.memref_squeeze %dma_start3A_332 : memref<1x125xi32, #tpu.memory_space<vmem>> -> memref<125xi32, #tpu.memory_space<vmem>>
      %dma_start3A_334 = arith.constant 0 : i32
      %dma_start3A_335 = arith.constant 0 : i32
      %dma_start3A_336 = tpu.memref_slice %arg10[%dma_start3A_334, %dma_start3A_335] : memref<10240x32xf32, #tpu.memory_space<vmem_shared>> -> memref<10240x32xf32, #tpu.memory_space<vmem_shared>>
      tpu.enqueue_indirect_dma source(%dma_start3A_330 : memref<125x32xf32, #tpu.memory_space<vmem>>) target(%dma_start3A_336 : memref<10240x32xf32, #tpu.memory_space<vmem_shared>>) offsets(%dma_start3A_333 : memref<125xi32, #tpu.memory_space<vmem>>) semaphore(%arg15 : memref<!tpu.dma_semaphore, #tpu.memory_space<semaphore_mem>>) {add = true}
      %dma_wait3A_337 = arith.constant 2 : i32
      %dma_wait3A_338 = arith.constant 0 : i32
      %dma_wait3A_339 = arith.constant 0 : i32
      %dma_wait3A_340 = arith.constant 0 : i32
      %dma_wait3A_341 = tpu.memref_slice %arg9[%dma_wait3A_337, %dma_wait3A_339, %dma_wait3A_340] : memref<4x125x32xf32, #tpu.memory_space<vmem>> -> memref<1x125x32xf32, #tpu.memory_space<vmem>>
      %dma_wait3A_342 = tpu.memref_squeeze %dma_wait3A_341 : memref<1x125x32xf32, #tpu.memory_space<vmem>> -> memref<125x32xf32, #tpu.memory_space<vmem>>
      %dma_wait3A_343 = arith.constant 0 : i32
      %dma_wait3A_344 = tpu.memref_slice %arg8[%dma_wait3A_338, %dma_wait3A_343] : memref<80x125xi32, #tpu.memory_space<vmem>> -> memref<1x125xi32, #tpu.memory_space<vmem>>
      %dma_wait3A_345 = tpu.memref_squeeze %dma_wait3A_344 : memref<1x125xi32, #tpu.memory_space<vmem>> -> memref<125xi32, #tpu.memory_space<vmem>>
      %dma_wait3A_346 = arith.constant 0 : i32
      %dma_wait3A_347 = arith.constant 0 : i32
      %dma_wait3A_348 = tpu.memref_slice %arg10[%dma_wait3A_346, %dma_wait3A_347] : memref<10240x32xf32, #tpu.memory_space<vmem_shared>> -> memref<10240x32xf32, #tpu.memory_space<vmem_shared>>
      tpu.wait_indirect_dma semaphore(%arg15 : memref<!tpu.dma_semaphore, #tpu.memory_space<semaphore_mem>>) src(%dma_wait3A_342 : memref<125x32xf32, #tpu.memory_space<vmem>>) dst(%dma_wait3A_348 : memref<10240x32xf32, #tpu.memory_space<vmem_shared>>)
      %add3A_349 = arith.constant 4 : i32
      %add3A_350 = arith.addi %add3A_313, %add3A_349 : i32
      %dma_start3A_351 = arith.constant 2 : i32
      %dma_start3A_352 = arith.constant 0 : i32
      %dma_start3A_353 = arith.constant 0 : i32
      %dma_start3A_354 = tpu.memref_slice %arg9[%dma_start3A_351, %dma_start3A_352, %dma_start3A_353] : memref<4x125x32xf32, #tpu.memory_space<vmem>> -> memref<1x125x32xf32, #tpu.memory_space<vmem>>
      %dma_start3A_355 = tpu.memref_squeeze %dma_start3A_354 : memref<1x125x32xf32, #tpu.memory_space<vmem>> -> memref<125x32xf32, #tpu.memory_space<vmem>>
      %dma_start3A_356 = arith.constant 0 : i32
      %dma_start3A_357 = tpu.memref_slice %arg7[%add3A_350, %dma_start3A_356] : memref<80x125xi32, #tpu.memory_space<vmem>> -> memref<1x125xi32, #tpu.memory_space<vmem>>
      %dma_start3A_358 = tpu.memref_squeeze %dma_start3A_357 : memref<1x125xi32, #tpu.memory_space<vmem>> -> memref<125xi32, #tpu.memory_space<vmem>>
      %dma_start3A_359 = arith.constant 0 : i32
      %dma_start3A_360 = arith.constant 0 : i32
      %dma_start3A_361 = tpu.memref_slice %arg2[%dma_start3A_359, %dma_start3A_360] : memref<10240x32xf32, #tpu.memory_space<hbm>> -> memref<10240x32xf32, #tpu.memory_space<hbm>>
      tpu.enqueue_indirect_dma source(%dma_start3A_361 : memref<10240x32xf32, #tpu.memory_space<hbm>>) target(%dma_start3A_355 : memref<125x32xf32, #tpu.memory_space<vmem>>) offsets(%dma_start3A_358 : memref<125xi32, #tpu.memory_space<vmem>>) semaphore(%arg13 : memref<!tpu.dma_semaphore, #tpu.memory_space<semaphore_mem>>)
      %mul3A_362 = arith.constant 4 : i32
      %mul3A_363 = arith.muli %mul3A_362, %scan3A_205 : i32
      %add3A_364 = arith.constant 3 : i32
      %add3A_365 = arith.addi %mul3A_363, %add3A_364 : i32
      %dma_wait3A_366 = arith.constant 0 : i32
      %dma_wait3A_367 = arith.constant 3 : i32
      %dma_wait3A_368 = arith.constant 0 : i32
      %dma_wait3A_369 = arith.constant 0 : i32
      %dma_wait3A_370 = tpu.memref_slice %arg9[%dma_wait3A_367, %dma_wait3A_368, %dma_wait3A_369] : memref<4x125x32xf32, #tpu.memory_space<vmem>> -> memref<1x125x32xf32, #tpu.memory_space<vmem>>
      %dma_wait3A_371 = tpu.memref_squeeze %dma_wait3A_370 : memref<1x125x32xf32, #tpu.memory_space<vmem>> -> memref<125x32xf32, #tpu.memory_space<vmem>>
      %dma_wait3A_372 = arith.constant 0 : i32
      %dma_wait3A_373 = tpu.memref_slice %arg7[%dma_wait3A_366, %dma_wait3A_372] : memref<80x125xi32, #tpu.memory_space<vmem>> -> memref<1x125xi32, #tpu.memory_space<vmem>>
      %dma_wait3A_374 = tpu.memref_squeeze %dma_wait3A_373 : memref<1x125xi32, #tpu.memory_space<vmem>> -> memref<125xi32, #tpu.memory_space<vmem>>
      %dma_wait3A_375 = arith.constant 0 : i32
      %dma_wait3A_376 = arith.constant 0 : i32
      %dma_wait3A_377 = tpu.memref_slice %arg2[%dma_wait3A_375, %dma_wait3A_376] : memref<10240x32xf32, #tpu.memory_space<hbm>> -> memref<10240x32xf32, #tpu.memory_space<hbm>>
      tpu.wait_indirect_dma semaphore(%arg14 : memref<!tpu.dma_semaphore, #tpu.memory_space<semaphore_mem>>) src(%dma_wait3A_377 : memref<10240x32xf32, #tpu.memory_space<hbm>>) dst(%dma_wait3A_371 : memref<125x32xf32, #tpu.memory_space<vmem>>)
      %dma_start3A_378 = arith.constant 3 : i32
      %dma_start3A_379 = arith.constant 0 : i32
      %dma_start3A_380 = arith.constant 0 : i32
      %dma_start3A_381 = tpu.memref_slice %arg9[%dma_start3A_378, %dma_start3A_379, %dma_start3A_380] : memref<4x125x32xf32, #tpu.memory_space<vmem>> -> memref<1x125x32xf32, #tpu.memory_space<vmem>>
      %dma_start3A_382 = tpu.memref_squeeze %dma_start3A_381 : memref<1x125x32xf32, #tpu.memory_space<vmem>> -> memref<125x32xf32, #tpu.memory_space<vmem>>
      %dma_start3A_383 = arith.constant 0 : i32
      %dma_start3A_384 = tpu.memref_slice %arg8[%add3A_365, %dma_start3A_383] : memref<80x125xi32, #tpu.memory_space<vmem>> -> memref<1x125xi32, #tpu.memory_space<vmem>>
      %dma_start3A_385 = tpu.memref_squeeze %dma_start3A_384 : memref<1x125xi32, #tpu.memory_space<vmem>> -> memref<125xi32, #tpu.memory_space<vmem>>
      %dma_start3A_386 = arith.constant 0 : i32
      %dma_start3A_387 = arith.constant 0 : i32
      %dma_start3A_388 = tpu.memref_slice %arg10[%dma_start3A_386, %dma_start3A_387] : memref<10240x32xf32, #tpu.memory_space<vmem_shared>> -> memref<10240x32xf32, #tpu.memory_space<vmem_shared>>
      tpu.enqueue_indirect_dma source(%dma_start3A_382 : memref<125x32xf32, #tpu.memory_space<vmem>>) target(%dma_start3A_388 : memref<10240x32xf32, #tpu.memory_space<vmem_shared>>) offsets(%dma_start3A_385 : memref<125xi32, #tpu.memory_space<vmem>>) semaphore(%arg15 : memref<!tpu.dma_semaphore, #tpu.memory_space<semaphore_mem>>) {add = true}
      %dma_wait3A_389 = arith.constant 3 : i32
      %dma_wait3A_390 = arith.constant 0 : i32
      %dma_wait3A_391 = arith.constant 0 : i32
      %dma_wait3A_392 = arith.constant 0 : i32
      %dma_wait3A_393 = tpu.memref_slice %arg9[%dma_wait3A_389, %dma_wait3A_391, %dma_wait3A_392] : memref<4x125x32xf32, #tpu.memory_space<vmem>> -> memref<1x125x32xf32, #tpu.memory_space<vmem>>
      %dma_wait3A_394 = tpu.memref_squeeze %dma_wait3A_393 : memref<1x125x32xf32, #tpu.memory_space<vmem>> -> memref<125x32xf32, #tpu.memory_space<vmem>>
      %dma_wait3A_395 = arith.constant 0 : i32
      %dma_wait3A_396 = tpu.memref_slice %arg8[%dma_wait3A_390, %dma_wait3A_395] : memref<80x125xi32, #tpu.memory_space<vmem>> -> memref<1x125xi32, #tpu.memory_space<vmem>>
      %dma_wait3A_397 = tpu.memref_squeeze %dma_wait3A_396 : memref<1x125xi32, #tpu.memory_space<vmem>> -> memref<125xi32, #tpu.memory_space<vmem>>
      %dma_wait3A_398 = arith.constant 0 : i32
      %dma_wait3A_399 = arith.constant 0 : i32
      %dma_wait3A_400 = tpu.memref_slice %arg10[%dma_wait3A_398, %dma_wait3A_399] : memref<10240x32xf32, #tpu.memory_space<vmem_shared>> -> memref<10240x32xf32, #tpu.memory_space<vmem_shared>>
      tpu.wait_indirect_dma semaphore(%arg15 : memref<!tpu.dma_semaphore, #tpu.memory_space<semaphore_mem>>) src(%dma_wait3A_394 : memref<125x32xf32, #tpu.memory_space<vmem>>) dst(%dma_wait3A_400 : memref<10240x32xf32, #tpu.memory_space<vmem_shared>>)
      %add3A_401 = arith.constant 4 : i32
      %add3A_402 = arith.addi %add3A_365, %add3A_401 : i32
      %dma_start3A_403 = arith.constant 3 : i32
      %dma_start3A_404 = arith.constant 0 : i32
      %dma_start3A_405 = arith.constant 0 : i32
      %dma_start3A_406 = tpu.memref_slice %arg9[%dma_start3A_403, %dma_start3A_404, %dma_start3A_405] : memref<4x125x32xf32, #tpu.memory_space<vmem>> -> memref<1x125x32xf32, #tpu.memory_space<vmem>>
      %dma_start3A_407 = tpu.memref_squeeze %dma_start3A_406 : memref<1x125x32xf32, #tpu.memory_space<vmem>> -> memref<125x32xf32, #tpu.memory_space<vmem>>
      %dma_start3A_408 = arith.constant 0 : i32
      %dma_start3A_409 = tpu.memref_slice %arg7[%add3A_402, %dma_start3A_408] : memref<80x125xi32, #tpu.memory_space<vmem>> -> memref<1x125xi32, #tpu.memory_space<vmem>>
      %dma_start3A_410 = tpu.memref_squeeze %dma_start3A_409 : memref<1x125xi32, #tpu.memory_space<vmem>> -> memref<125xi32, #tpu.memory_space<vmem>>
      %dma_start3A_411 = arith.constant 0 : i32
      %dma_start3A_412 = arith.constant 0 : i32
      %dma_start3A_413 = tpu.memref_slice %arg2[%dma_start3A_411, %dma_start3A_412] : memref<10240x32xf32, #tpu.memory_space<hbm>> -> memref<10240x32xf32, #tpu.memory_space<hbm>>
      tpu.enqueue_indirect_dma source(%dma_start3A_413 : memref<10240x32xf32, #tpu.memory_space<hbm>>) target(%dma_start3A_407 : memref<125x32xf32, #tpu.memory_space<vmem>>) offsets(%dma_start3A_410 : memref<125xi32, #tpu.memory_space<vmem>>) semaphore(%arg14 : memref<!tpu.dma_semaphore, #tpu.memory_space<semaphore_mem>>)
    }
    %scan3A_60 = arith.constant 19 : i32
    %dma_wait3A = arith.constant 0 : i32
    %dma_wait3A_61 = arith.constant 0 : i32
    %dma_wait3A_62 = arith.constant 0 : i32
    %dma_wait3A_63 = arith.constant 0 : i32
    %dma_wait3A_64 = tpu.memref_slice %arg9[%dma_wait3A_61, %dma_wait3A_62, %dma_wait3A_63] : memref<4x125x32xf32, #tpu.memory_space<vmem>> -> memref<1x125x32xf32, #tpu.memory_space<vmem>>
    %dma_wait3A_65 = tpu.memref_squeeze %dma_wait3A_64 : memref<1x125x32xf32, #tpu.memory_space<vmem>> -> memref<125x32xf32, #tpu.memory_space<vmem>>
    %dma_wait3A_66 = arith.constant 0 : i32
    %dma_wait3A_67 = tpu.memref_slice %arg7[%dma_wait3A, %dma_wait3A_66] : memref<80x125xi32, #tpu.memory_space<vmem>> -> memref<1x125xi32, #tpu.memory_space<vmem>>
    %dma_wait3A_68 = tpu.memref_squeeze %dma_wait3A_67 : memref<1x125xi32, #tpu.memory_space<vmem>> -> memref<125xi32, #tpu.memory_space<vmem>>
    %dma_wait3A_69 = arith.constant 0 : i32
    %dma_wait3A_70 = arith.constant 0 : i32
    %dma_wait3A_71 = tpu.memref_slice %arg2[%dma_wait3A_69, %dma_wait3A_70] : memref<10240x32xf32, #tpu.memory_space<hbm>> -> memref<10240x32xf32, #tpu.memory_space<hbm>>
    tpu.wait_indirect_dma semaphore(%arg11 : memref<!tpu.dma_semaphore, #tpu.memory_space<semaphore_mem>>) src(%dma_wait3A_71 : memref<10240x32xf32, #tpu.memory_space<hbm>>) dst(%dma_wait3A_65 : memref<125x32xf32, #tpu.memory_space<vmem>>)
    %dma_start3A_72 = arith.constant 0 : i32
    %dma_start3A_73 = arith.constant 76 : i32
    %dma_start3A_74 = arith.constant 0 : i32
    %dma_start3A_75 = arith.constant 0 : i32
    %dma_start3A_76 = tpu.memref_slice %arg9[%dma_start3A_72, %dma_start3A_74, %dma_start3A_75] : memref<4x125x32xf32, #tpu.memory_space<vmem>> -> memref<1x125x32xf32, #tpu.memory_space<vmem>>
    %dma_start3A_77 = tpu.memref_squeeze %dma_start3A_76 : memref<1x125x32xf32, #tpu.memory_space<vmem>> -> memref<125x32xf32, #tpu.memory_space<vmem>>
    %dma_start3A_78 = arith.constant 0 : i32
    %dma_start3A_79 = tpu.memref_slice %arg8[%dma_start3A_73, %dma_start3A_78] : memref<80x125xi32, #tpu.memory_space<vmem>> -> memref<1x125xi32, #tpu.memory_space<vmem>>
    %dma_start3A_80 = tpu.memref_squeeze %dma_start3A_79 : memref<1x125xi32, #tpu.memory_space<vmem>> -> memref<125xi32, #tpu.memory_space<vmem>>
    %dma_start3A_81 = arith.constant 0 : i32
    %dma_start3A_82 = arith.constant 0 : i32
    %dma_start3A_83 = tpu.memref_slice %arg10[%dma_start3A_81, %dma_start3A_82] : memref<10240x32xf32, #tpu.memory_space<vmem_shared>> -> memref<10240x32xf32, #tpu.memory_space<vmem_shared>>
    tpu.enqueue_indirect_dma source(%dma_start3A_77 : memref<125x32xf32, #tpu.memory_space<vmem>>) target(%dma_start3A_83 : memref<10240x32xf32, #tpu.memory_space<vmem_shared>>) offsets(%dma_start3A_80 : memref<125xi32, #tpu.memory_space<vmem>>) semaphore(%arg15 : memref<!tpu.dma_semaphore, #tpu.memory_space<semaphore_mem>>) {add = true}
    %dma_wait3A_84 = arith.constant 0 : i32
    %dma_wait3A_85 = arith.constant 0 : i32
    %dma_wait3A_86 = arith.constant 0 : i32
    %dma_wait3A_87 = arith.constant 0 : i32
    %dma_wait3A_88 = tpu.memref_slice %arg9[%dma_wait3A_84, %dma_wait3A_86, %dma_wait3A_87] : memref<4x125x32xf32, #tpu.memory_space<vmem>> -> memref<1x125x32xf32, #tpu.memory_space<vmem>>
    %dma_wait3A_89 = tpu.memref_squeeze %dma_wait3A_88 : memref<1x125x32xf32, #tpu.memory_space<vmem>> -> memref<125x32xf32, #tpu.memory_space<vmem>>
    %dma_wait3A_90 = arith.constant 0 : i32
    %dma_wait3A_91 = tpu.memref_slice %arg8[%dma_wait3A_85, %dma_wait3A_90] : memref<80x125xi32, #tpu.memory_space<vmem>> -> memref<1x125xi32, #tpu.memory_space<vmem>>
    %dma_wait3A_92 = tpu.memref_squeeze %dma_wait3A_91 : memref<1x125xi32, #tpu.memory_space<vmem>> -> memref<125xi32, #tpu.memory_space<vmem>>
    %dma_wait3A_93 = arith.constant 0 : i32
    %dma_wait3A_94 = arith.constant 0 : i32
    %dma_wait3A_95 = tpu.memref_slice %arg10[%dma_wait3A_93, %dma_wait3A_94] : memref<10240x32xf32, #tpu.memory_space<vmem_shared>> -> memref<10240x32xf32, #tpu.memory_space<vmem_shared>>
    tpu.wait_indirect_dma semaphore(%arg15 : memref<!tpu.dma_semaphore, #tpu.memory_space<semaphore_mem>>) src(%dma_wait3A_89 : memref<125x32xf32, #tpu.memory_space<vmem>>) dst(%dma_wait3A_95 : memref<10240x32xf32, #tpu.memory_space<vmem_shared>>)
    %dma_wait3A_96 = arith.constant 0 : i32
    %dma_wait3A_97 = arith.constant 1 : i32
    %dma_wait3A_98 = arith.constant 0 : i32
    %dma_wait3A_99 = arith.constant 0 : i32
    %dma_wait3A_100 = tpu.memref_slice %arg9[%dma_wait3A_97, %dma_wait3A_98, %dma_wait3A_99] : memref<4x125x32xf32, #tpu.memory_space<vmem>> -> memref<1x125x32xf32, #tpu.memory_space<vmem>>
    %dma_wait3A_101 = tpu.memref_squeeze %dma_wait3A_100 : memref<1x125x32xf32, #tpu.memory_space<vmem>> -> memref<125x32xf32, #tpu.memory_space<vmem>>
    %dma_wait3A_102 = arith.constant 0 : i32
    %dma_wait3A_103 = tpu.memref_slice %arg7[%dma_wait3A_96, %dma_wait3A_102] : memref<80x125xi32, #tpu.memory_space<vmem>> -> memref<1x125xi32, #tpu.memory_space<vmem>>
    %dma_wait3A_104 = tpu.memref_squeeze %dma_wait3A_103 : memref<1x125xi32, #tpu.memory_space<vmem>> -> memref<125xi32, #tpu.memory_space<vmem>>
    %dma_wait3A_105 = arith.constant 0 : i32
    %dma_wait3A_106 = arith.constant 0 : i32
    %dma_wait3A_107 = tpu.memref_slice %arg2[%dma_wait3A_105, %dma_wait3A_106] : memref<10240x32xf32, #tpu.memory_space<hbm>> -> memref<10240x32xf32, #tpu.memory_space<hbm>>
    tpu.wait_indirect_dma semaphore(%arg12 : memref<!tpu.dma_semaphore, #tpu.memory_space<semaphore_mem>>) src(%dma_wait3A_107 : memref<10240x32xf32, #tpu.memory_space<hbm>>) dst(%dma_wait3A_101 : memref<125x32xf32, #tpu.memory_space<vmem>>)
    %dma_start3A_108 = arith.constant 1 : i32
    %dma_start3A_109 = arith.constant 77 : i32
    %dma_start3A_110 = arith.constant 0 : i32
    %dma_start3A_111 = arith.constant 0 : i32
    %dma_start3A_112 = tpu.memref_slice %arg9[%dma_start3A_108, %dma_start3A_110, %dma_start3A_111] : memref<4x125x32xf32, #tpu.memory_space<vmem>> -> memref<1x125x32xf32, #tpu.memory_space<vmem>>
    %dma_start3A_113 = tpu.memref_squeeze %dma_start3A_112 : memref<1x125x32xf32, #tpu.memory_space<vmem>> -> memref<125x32xf32, #tpu.memory_space<vmem>>
    %dma_start3A_114 = arith.constant 0 : i32
    %dma_start3A_115 = tpu.memref_slice %arg8[%dma_start3A_109, %dma_start3A_114] : memref<80x125xi32, #tpu.memory_space<vmem>> -> memref<1x125xi32, #tpu.memory_space<vmem>>
    %dma_start3A_116 = tpu.memref_squeeze %dma_start3A_115 : memref<1x125xi32, #tpu.memory_space<vmem>> -> memref<125xi32, #tpu.memory_space<vmem>>
    %dma_start3A_117 = arith.constant 0 : i32
    %dma_start3A_118 = arith.constant 0 : i32
    %dma_start3A_119 = tpu.memref_slice %arg10[%dma_start3A_117, %dma_start3A_118] : memref<10240x32xf32, #tpu.memory_space<vmem_shared>> -> memref<10240x32xf32, #tpu.memory_space<vmem_shared>>
    tpu.enqueue_indirect_dma source(%dma_start3A_113 : memref<125x32xf32, #tpu.memory_space<vmem>>) target(%dma_start3A_119 : memref<10240x32xf32, #tpu.memory_space<vmem_shared>>) offsets(%dma_start3A_116 : memref<125xi32, #tpu.memory_space<vmem>>) semaphore(%arg15 : memref<!tpu.dma_semaphore, #tpu.memory_space<semaphore_mem>>) {add = true}
    %dma_wait3A_120 = arith.constant 1 : i32
    %dma_wait3A_121 = arith.constant 0 : i32
    %dma_wait3A_122 = arith.constant 0 : i32
    %dma_wait3A_123 = arith.constant 0 : i32
    %dma_wait3A_124 = tpu.memref_slice %arg9[%dma_wait3A_120, %dma_wait3A_122, %dma_wait3A_123] : memref<4x125x32xf32, #tpu.memory_space<vmem>> -> memref<1x125x32xf32, #tpu.memory_space<vmem>>
    %dma_wait3A_125 = tpu.memref_squeeze %dma_wait3A_124 : memref<1x125x32xf32, #tpu.memory_space<vmem>> -> memref<125x32xf32, #tpu.memory_space<vmem>>
    %dma_wait3A_126 = arith.constant 0 : i32
    %dma_wait3A_127 = tpu.memref_slice %arg8[%dma_wait3A_121, %dma_wait3A_126] : memref<80x125xi32, #tpu.memory_space<vmem>> -> memref<1x125xi32, #tpu.memory_space<vmem>>
    %dma_wait3A_128 = tpu.memref_squeeze %dma_wait3A_127 : memref<1x125xi32, #tpu.memory_space<vmem>> -> memref<125xi32, #tpu.memory_space<vmem>>
    %dma_wait3A_129 = arith.constant 0 : i32
    %dma_wait3A_130 = arith.constant 0 : i32
    %dma_wait3A_131 = tpu.memref_slice %arg10[%dma_wait3A_129, %dma_wait3A_130] : memref<10240x32xf32, #tpu.memory_space<vmem_shared>> -> memref<10240x32xf32, #tpu.memory_space<vmem_shared>>
    tpu.wait_indirect_dma semaphore(%arg15 : memref<!tpu.dma_semaphore, #tpu.memory_space<semaphore_mem>>) src(%dma_wait3A_125 : memref<125x32xf32, #tpu.memory_space<vmem>>) dst(%dma_wait3A_131 : memref<10240x32xf32, #tpu.memory_space<vmem_shared>>)
    %dma_wait3A_132 = arith.constant 0 : i32
    %dma_wait3A_133 = arith.constant 2 : i32
    %dma_wait3A_134 = arith.constant 0 : i32
    %dma_wait3A_135 = arith.constant 0 : i32
    %dma_wait3A_136 = tpu.memref_slice %arg9[%dma_wait3A_133, %dma_wait3A_134, %dma_wait3A_135] : memref<4x125x32xf32, #tpu.memory_space<vmem>> -> memref<1x125x32xf32, #tpu.memory_space<vmem>>
    %dma_wait3A_137 = tpu.memref_squeeze %dma_wait3A_136 : memref<1x125x32xf32, #tpu.memory_space<vmem>> -> memref<125x32xf32, #tpu.memory_space<vmem>>
    %dma_wait3A_138 = arith.constant 0 : i32
    %dma_wait3A_139 = tpu.memref_slice %arg7[%dma_wait3A_132, %dma_wait3A_138] : memref<80x125xi32, #tpu.memory_space<vmem>> -> memref<1x125xi32, #tpu.memory_space<vmem>>
    %dma_wait3A_140 = tpu.memref_squeeze %dma_wait3A_139 : memref<1x125xi32, #tpu.memory_space<vmem>> -> memref<125xi32, #tpu.memory_space<vmem>>
    %dma_wait3A_141 = arith.constant 0 : i32
    %dma_wait3A_142 = arith.constant 0 : i32
    %dma_wait3A_143 = tpu.memref_slice %arg2[%dma_wait3A_141, %dma_wait3A_142] : memref<10240x32xf32, #tpu.memory_space<hbm>> -> memref<10240x32xf32, #tpu.memory_space<hbm>>
    tpu.wait_indirect_dma semaphore(%arg13 : memref<!tpu.dma_semaphore, #tpu.memory_space<semaphore_mem>>) src(%dma_wait3A_143 : memref<10240x32xf32, #tpu.memory_space<hbm>>) dst(%dma_wait3A_137 : memref<125x32xf32, #tpu.memory_space<vmem>>)
    %dma_start3A_144 = arith.constant 2 : i32
    %dma_start3A_145 = arith.constant 78 : i32
    %dma_start3A_146 = arith.constant 0 : i32
    %dma_start3A_147 = arith.constant 0 : i32
    %dma_start3A_148 = tpu.memref_slice %arg9[%dma_start3A_144, %dma_start3A_146, %dma_start3A_147] : memref<4x125x32xf32, #tpu.memory_space<vmem>> -> memref<1x125x32xf32, #tpu.memory_space<vmem>>
    %dma_start3A_149 = tpu.memref_squeeze %dma_start3A_148 : memref<1x125x32xf32, #tpu.memory_space<vmem>> -> memref<125x32xf32, #tpu.memory_space<vmem>>
    %dma_start3A_150 = arith.constant 0 : i32
    %dma_start3A_151 = tpu.memref_slice %arg8[%dma_start3A_145, %dma_start3A_150] : memref<80x125xi32, #tpu.memory_space<vmem>> -> memref<1x125xi32, #tpu.memory_space<vmem>>
    %dma_start3A_152 = tpu.memref_squeeze %dma_start3A_151 : memref<1x125xi32, #tpu.memory_space<vmem>> -> memref<125xi32, #tpu.memory_space<vmem>>
    %dma_start3A_153 = arith.constant 0 : i32
    %dma_start3A_154 = arith.constant 0 : i32
    %dma_start3A_155 = tpu.memref_slice %arg10[%dma_start3A_153, %dma_start3A_154] : memref<10240x32xf32, #tpu.memory_space<vmem_shared>> -> memref<10240x32xf32, #tpu.memory_space<vmem_shared>>
    tpu.enqueue_indirect_dma source(%dma_start3A_149 : memref<125x32xf32, #tpu.memory_space<vmem>>) target(%dma_start3A_155 : memref<10240x32xf32, #tpu.memory_space<vmem_shared>>) offsets(%dma_start3A_152 : memref<125xi32, #tpu.memory_space<vmem>>) semaphore(%arg15 : memref<!tpu.dma_semaphore, #tpu.memory_space<semaphore_mem>>) {add = true}
    %dma_wait3A_156 = arith.constant 2 : i32
    %dma_wait3A_157 = arith.constant 0 : i32
    %dma_wait3A_158 = arith.constant 0 : i32
    %dma_wait3A_159 = arith.constant 0 : i32
    %dma_wait3A_160 = tpu.memref_slice %arg9[%dma_wait3A_156, %dma_wait3A_158, %dma_wait3A_159] : memref<4x125x32xf32, #tpu.memory_space<vmem>> -> memref<1x125x32xf32, #tpu.memory_space<vmem>>
    %dma_wait3A_161 = tpu.memref_squeeze %dma_wait3A_160 : memref<1x125x32xf32, #tpu.memory_space<vmem>> -> memref<125x32xf32, #tpu.memory_space<vmem>>
    %dma_wait3A_162 = arith.constant 0 : i32
    %dma_wait3A_163 = tpu.memref_slice %arg8[%dma_wait3A_157, %dma_wait3A_162] : memref<80x125xi32, #tpu.memory_space<vmem>> -> memref<1x125xi32, #tpu.memory_space<vmem>>
    %dma_wait3A_164 = tpu.memref_squeeze %dma_wait3A_163 : memref<1x125xi32, #tpu.memory_space<vmem>> -> memref<125xi32, #tpu.memory_space<vmem>>
    %dma_wait3A_165 = arith.constant 0 : i32
    %dma_wait3A_166 = arith.constant 0 : i32
    %dma_wait3A_167 = tpu.memref_slice %arg10[%dma_wait3A_165, %dma_wait3A_166] : memref<10240x32xf32, #tpu.memory_space<vmem_shared>> -> memref<10240x32xf32, #tpu.memory_space<vmem_shared>>
    tpu.wait_indirect_dma semaphore(%arg15 : memref<!tpu.dma_semaphore, #tpu.memory_space<semaphore_mem>>) src(%dma_wait3A_161 : memref<125x32xf32, #tpu.memory_space<vmem>>) dst(%dma_wait3A_167 : memref<10240x32xf32, #tpu.memory_space<vmem_shared>>)
    %dma_wait3A_168 = arith.constant 0 : i32
    %dma_wait3A_169 = arith.constant 3 : i32
    %dma_wait3A_170 = arith.constant 0 : i32
    %dma_wait3A_171 = arith.constant 0 : i32
    %dma_wait3A_172 = tpu.memref_slice %arg9[%dma_wait3A_169, %dma_wait3A_170, %dma_wait3A_171] : memref<4x125x32xf32, #tpu.memory_space<vmem>> -> memref<1x125x32xf32, #tpu.memory_space<vmem>>
    %dma_wait3A_173 = tpu.memref_squeeze %dma_wait3A_172 : memref<1x125x32xf32, #tpu.memory_space<vmem>> -> memref<125x32xf32, #tpu.memory_space<vmem>>
    %dma_wait3A_174 = arith.constant 0 : i32
    %dma_wait3A_175 = tpu.memref_slice %arg7[%dma_wait3A_168, %dma_wait3A_174] : memref<80x125xi32, #tpu.memory_space<vmem>> -> memref<1x125xi32, #tpu.memory_space<vmem>>
    %dma_wait3A_176 = tpu.memref_squeeze %dma_wait3A_175 : memref<1x125xi32, #tpu.memory_space<vmem>> -> memref<125xi32, #tpu.memory_space<vmem>>
    %dma_wait3A_177 = arith.constant 0 : i32
    %dma_wait3A_178 = arith.constant 0 : i32
    %dma_wait3A_179 = tpu.memref_slice %arg2[%dma_wait3A_177, %dma_wait3A_178] : memref<10240x32xf32, #tpu.memory_space<hbm>> -> memref<10240x32xf32, #tpu.memory_space<hbm>>
    tpu.wait_indirect_dma semaphore(%arg14 : memref<!tpu.dma_semaphore, #tpu.memory_space<semaphore_mem>>) src(%dma_wait3A_179 : memref<10240x32xf32, #tpu.memory_space<hbm>>) dst(%dma_wait3A_173 : memref<125x32xf32, #tpu.memory_space<vmem>>)
    %dma_start3A_180 = arith.constant 3 : i32
    %dma_start3A_181 = arith.constant 79 : i32
    %dma_start3A_182 = arith.constant 0 : i32
    %dma_start3A_183 = arith.constant 0 : i32
    %dma_start3A_184 = tpu.memref_slice %arg9[%dma_start3A_180, %dma_start3A_182, %dma_start3A_183] : memref<4x125x32xf32, #tpu.memory_space<vmem>> -> memref<1x125x32xf32, #tpu.memory_space<vmem>>
    %dma_start3A_185 = tpu.memref_squeeze %dma_start3A_184 : memref<1x125x32xf32, #tpu.memory_space<vmem>> -> memref<125x32xf32, #tpu.memory_space<vmem>>
    %dma_start3A_186 = arith.constant 0 : i32
    %dma_start3A_187 = tpu.memref_slice %arg8[%dma_start3A_181, %dma_start3A_186] : memref<80x125xi32, #tpu.memory_space<vmem>> -> memref<1x125xi32, #tpu.memory_space<vmem>>
    %dma_start3A_188 = tpu.memref_squeeze %dma_start3A_187 : memref<1x125xi32, #tpu.memory_space<vmem>> -> memref<125xi32, #tpu.memory_space<vmem>>
    %dma_start3A_189 = arith.constant 0 : i32
    %dma_start3A_190 = arith.constant 0 : i32
    %dma_start3A_191 = tpu.memref_slice %arg10[%dma_start3A_189, %dma_start3A_190] : memref<10240x32xf32, #tpu.memory_space<vmem_shared>> -> memref<10240x32xf32, #tpu.memory_space<vmem_shared>>
    tpu.enqueue_indirect_dma source(%dma_start3A_185 : memref<125x32xf32, #tpu.memory_space<vmem>>) target(%dma_start3A_191 : memref<10240x32xf32, #tpu.memory_space<vmem_shared>>) offsets(%dma_start3A_188 : memref<125xi32, #tpu.memory_space<vmem>>) semaphore(%arg15 : memref<!tpu.dma_semaphore, #tpu.memory_space<semaphore_mem>>) {add = true}
    %dma_wait3A_192 = arith.constant 3 : i32
    %dma_wait3A_193 = arith.constant 0 : i32
    %dma_wait3A_194 = arith.constant 0 : i32
    %dma_wait3A_195 = arith.constant 0 : i32
    %dma_wait3A_196 = tpu.memref_slice %arg9[%dma_wait3A_192, %dma_wait3A_194, %dma_wait3A_195] : memref<4x125x32xf32, #tpu.memory_space<vmem>> -> memref<1x125x32xf32, #tpu.memory_space<vmem>>
    %dma_wait3A_197 = tpu.memref_squeeze %dma_wait3A_196 : memref<1x125x32xf32, #tpu.memory_space<vmem>> -> memref<125x32xf32, #tpu.memory_space<vmem>>
    %dma_wait3A_198 = arith.constant 0 : i32
    %dma_wait3A_199 = tpu.memref_slice %arg8[%dma_wait3A_193, %dma_wait3A_198] : memref<80x125xi32, #tpu.memory_space<vmem>> -> memref<1x125xi32, #tpu.memory_space<vmem>>
    %dma_wait3A_200 = tpu.memref_squeeze %dma_wait3A_199 : memref<1x125xi32, #tpu.memory_space<vmem>> -> memref<125xi32, #tpu.memory_space<vmem>>
    %dma_wait3A_201 = arith.constant 0 : i32
    %dma_wait3A_202 = arith.constant 0 : i32
    %dma_wait3A_203 = tpu.memref_slice %arg10[%dma_wait3A_201, %dma_wait3A_202] : memref<10240x32xf32, #tpu.memory_space<vmem_shared>> -> memref<10240x32xf32, #tpu.memory_space<vmem_shared>>
    tpu.wait_indirect_dma semaphore(%arg15 : memref<!tpu.dma_semaphore, #tpu.memory_space<semaphore_mem>>) src(%dma_wait3A_197 : memref<125x32xf32, #tpu.memory_space<vmem>>) dst(%dma_wait3A_203 : memref<10240x32xf32, #tpu.memory_space<vmem_shared>>)
    %barrier3A_204 = arith.constant 0 : index
    tpu.barrier barrier_id(%barrier3A_204)
    "tpu.region"() ({
      %run_scoped3A = tpu.sem_alloc : memref<!tpu.dma_semaphore, #tpu.memory_space<semaphore_mem>>
      %dma_start3A_205 = arith.constant 0 : i32
      %dma_start3A_206 = tpu.memref_slice %arg6[%arg0, %mul3A_2, %dma_start3A_205] : memref<2x10240x32xf32, #tpu.memory_space<hbm>> -> memref<1x640x32xf32, #tpu.memory_space<hbm>>
      %dma_start3A_207 = tpu.memref_squeeze %dma_start3A_206 : memref<1x640x32xf32, #tpu.memory_space<hbm>> -> memref<640x32xf32, #tpu.memory_space<hbm>>
      %dma_start3A_208 = arith.constant 0 : i32
      %dma_start3A_209 = tpu.memref_slice %arg10[%mul3A_2, %dma_start3A_208] : memref<10240x32xf32, #tpu.memory_space<vmem_shared>> -> memref<640x32xf32, #tpu.memory_space<vmem_shared>>
      tpu.enqueue_dma source(%dma_start3A_209 : memref<640x32xf32, #tpu.memory_space<vmem_shared>>) target(%dma_start3A_207 : memref<640x32xf32, #tpu.memory_space<hbm>>) target_semaphore(%run_scoped3A : memref<!tpu.dma_semaphore, #tpu.memory_space<semaphore_mem>>)
      %dma_wait3A_210 = arith.constant 0 : i32
      %dma_wait3A_211 = tpu.memref_slice %arg6[%arg0, %mul3A_2, %dma_wait3A_210] : memref<2x10240x32xf32, #tpu.memory_space<hbm>> -> memref<1x640x32xf32, #tpu.memory_space<hbm>>
      %dma_wait3A_212 = tpu.memref_squeeze %dma_wait3A_211 : memref<1x640x32xf32, #tpu.memory_space<hbm>> -> memref<640x32xf32, #tpu.memory_space<hbm>>
      %dma_wait3A_213 = arith.constant 0 : i32
      %dma_wait3A_214 = tpu.memref_slice %arg10[%mul3A_2, %dma_wait3A_213] : memref<10240x32xf32, #tpu.memory_space<vmem_shared>> -> memref<640x32xf32, #tpu.memory_space<vmem_shared>>
      tpu.wait_dma2 semaphore(%run_scoped3A : memref<!tpu.dma_semaphore, #tpu.memory_space<semaphore_mem>>) src(%dma_wait3A_214 : memref<640x32xf32, #tpu.memory_space<vmem_shared>>) dst(%dma_wait3A_212 : memref<640x32xf32, #tpu.memory_space<hbm>>)
      tpu.yield
    }) : () -> ()
    return
  }
}

#map = affine_map<(d0, d1) -> (0, 0, 0)>
#map1 = affine_map<(d0, d1) -> (0, 0)>
module attributes {stable_mosaic.version = 14 : i64} {
  func.func @_deg_kernel(%arg0: i32, %arg1: i32, %arg2: memref<32x80x125xi32, #tpu.memory_space<hbm>>, %arg3: memref<125x8xf32, #tpu.memory_space<hbm>>, %arg4: memref<10240x8xf32, #tpu.memory_space<hbm>>, %arg5: memref<2x10240x8xf32, #tpu.memory_space<hbm>>, %arg6: memref<80x125xi32, #tpu.memory_space<vmem>>, %arg7: memref<125x8xf32, #tpu.memory_space<vmem>>, %arg8: memref<10240x8xf32, #tpu.memory_space<vmem_shared>>, %arg9: memref<!tpu.dma_semaphore, #tpu.memory_space<semaphore_mem>>) attributes {dimension_semantics = [#tpu.dimension_semantics<core_parallel>, #tpu.dimension_semantics<subcore_parallel>], iteration_bounds = array<i64: 2, 16>, scalar_prefetch = 0 : i64, scratch_operands = 4 : i64, tpu.core_type = #tpu.core_type<sc_vector_subcore>, window_params = [{transform_indices = #map}, {transform_indices = #map1}, {transform_indices = #map1}, {transform_indices = #map}]} {
    %mul3A = arith.constant 2 : i32
    %mul3A_0 = arith.muli %arg1, %mul3A : i32
    %add3A = arith.addi %mul3A_0, %arg0 : i32
    %mul3A_1 = arith.constant 640 : i32
    %mul3A_2 = arith.muli %arg1, %mul3A_1 : i32
    "tpu.region"() ({
      %run_scoped3A = tpu.sem_alloc : memref<!tpu.dma_semaphore, #tpu.memory_space<semaphore_mem>>
      %dma_start3A = arith.constant 0 : i32
      %dma_start3A_15 = tpu.memref_slice %arg8[%mul3A_2, %dma_start3A] : memref<10240x8xf32, #tpu.memory_space<vmem_shared>> -> memref<640x8xf32, #tpu.memory_space<vmem_shared>>
      %dma_start3A_16 = arith.constant 0 : i32
      %dma_start3A_17 = tpu.memref_slice %arg4[%mul3A_2, %dma_start3A_16] : memref<10240x8xf32, #tpu.memory_space<hbm>> -> memref<640x8xf32, #tpu.memory_space<hbm>>
      tpu.enqueue_dma source(%dma_start3A_17 : memref<640x8xf32, #tpu.memory_space<hbm>>) target(%dma_start3A_15 : memref<640x8xf32, #tpu.memory_space<vmem_shared>>) target_semaphore(%run_scoped3A : memref<!tpu.dma_semaphore, #tpu.memory_space<semaphore_mem>>)
      %dma_wait3A = arith.constant 0 : i32
      %dma_wait3A_18 = tpu.memref_slice %arg8[%mul3A_2, %dma_wait3A] : memref<10240x8xf32, #tpu.memory_space<vmem_shared>> -> memref<640x8xf32, #tpu.memory_space<vmem_shared>>
      %dma_wait3A_19 = arith.constant 0 : i32
      %dma_wait3A_20 = tpu.memref_slice %arg4[%mul3A_2, %dma_wait3A_19] : memref<10240x8xf32, #tpu.memory_space<hbm>> -> memref<640x8xf32, #tpu.memory_space<hbm>>
      tpu.wait_dma2 semaphore(%run_scoped3A : memref<!tpu.dma_semaphore, #tpu.memory_space<semaphore_mem>>) src(%dma_wait3A_20 : memref<640x8xf32, #tpu.memory_space<hbm>>) dst(%dma_wait3A_18 : memref<640x8xf32, #tpu.memory_space<vmem_shared>>)
      tpu.yield
    }) : () -> ()
    "tpu.region"() ({
      %run_scoped3A = tpu.sem_alloc : memref<!tpu.dma_semaphore, #tpu.memory_space<semaphore_mem>>
      tpu.enqueue_dma source(%arg3 : memref<125x8xf32, #tpu.memory_space<hbm>>) target(%arg7 : memref<125x8xf32, #tpu.memory_space<vmem>>) target_semaphore(%run_scoped3A : memref<!tpu.dma_semaphore, #tpu.memory_space<semaphore_mem>>)
      tpu.wait_dma2 semaphore(%run_scoped3A : memref<!tpu.dma_semaphore, #tpu.memory_space<semaphore_mem>>) src(%arg3 : memref<125x8xf32, #tpu.memory_space<hbm>>) dst(%arg7 : memref<125x8xf32, #tpu.memory_space<vmem>>)
      tpu.yield
    }) : () -> ()
    "tpu.region"() ({
      %run_scoped3A = tpu.sem_alloc : memref<!tpu.dma_semaphore, #tpu.memory_space<semaphore_mem>>
      %dma_start3A = arith.constant 0 : i32
      %dma_start3A_15 = arith.constant 0 : i32
      %dma_start3A_16 = tpu.memref_slice %arg2[%add3A, %dma_start3A, %dma_start3A_15] : memref<32x80x125xi32, #tpu.memory_space<hbm>> -> memref<1x80x125xi32, #tpu.memory_space<hbm>>
      %dma_start3A_17 = tpu.memref_squeeze %dma_start3A_16 : memref<1x80x125xi32, #tpu.memory_space<hbm>> -> memref<80x125xi32, #tpu.memory_space<hbm>>
      %dma_start3A_18 = arith.constant 0 : i32
      %dma_start3A_19 = arith.constant 0 : i32
      %dma_start3A_20 = tpu.memref_slice %arg2[%add3A, %dma_start3A_18, %dma_start3A_19] : memref<32x80x125xi32, #tpu.memory_space<hbm>> -> memref<1x80x125xi32, #tpu.memory_space<hbm>>
      %dma_start3A_21 = tpu.memref_squeeze %dma_start3A_20 : memref<1x80x125xi32, #tpu.memory_space<hbm>> -> memref<80x125xi32, #tpu.memory_space<hbm>>
      tpu.enqueue_dma source(%dma_start3A_21 : memref<80x125xi32, #tpu.memory_space<hbm>>) target(%arg6 : memref<80x125xi32, #tpu.memory_space<vmem>>) target_semaphore(%run_scoped3A : memref<!tpu.dma_semaphore, #tpu.memory_space<semaphore_mem>>)
      %dma_wait3A = arith.constant 0 : i32
      %dma_wait3A_22 = arith.constant 0 : i32
      %dma_wait3A_23 = tpu.memref_slice %arg2[%add3A, %dma_wait3A, %dma_wait3A_22] : memref<32x80x125xi32, #tpu.memory_space<hbm>> -> memref<1x80x125xi32, #tpu.memory_space<hbm>>
      %dma_wait3A_24 = tpu.memref_squeeze %dma_wait3A_23 : memref<1x80x125xi32, #tpu.memory_space<hbm>> -> memref<80x125xi32, #tpu.memory_space<hbm>>
      %dma_wait3A_25 = arith.constant 0 : i32
      %dma_wait3A_26 = arith.constant 0 : i32
      %dma_wait3A_27 = tpu.memref_slice %arg2[%add3A, %dma_wait3A_25, %dma_wait3A_26] : memref<32x80x125xi32, #tpu.memory_space<hbm>> -> memref<1x80x125xi32, #tpu.memory_space<hbm>>
      %dma_wait3A_28 = tpu.memref_squeeze %dma_wait3A_27 : memref<1x80x125xi32, #tpu.memory_space<hbm>> -> memref<80x125xi32, #tpu.memory_space<hbm>>
      tpu.wait_dma2 semaphore(%run_scoped3A : memref<!tpu.dma_semaphore, #tpu.memory_space<semaphore_mem>>) src(%dma_wait3A_28 : memref<80x125xi32, #tpu.memory_space<hbm>>) dst(%arg6 : memref<80x125xi32, #tpu.memory_space<vmem>>)
      tpu.yield
    }) : () -> ()
    %barrier3A = arith.constant 0 : index
    tpu.barrier barrier_id(%barrier3A)
    %scan3A = arith.constant 0 : i32
    %scan3A_3 = arith.constant 0 : i32
    %scan3A_4 = arith.constant 80 : i32
    %scan3A_5 = arith.addi %scan3A_3, %scan3A_4 : i32
    %scan3A_6 = arith.constant 1 : i32
    scf.for %scan3A_15 = %scan3A_3 to %scan3A_5 step %scan3A_6  : i32 {
      %dma_start3A = arith.constant 0 : i32
      %dma_start3A_16 = tpu.memref_slice %arg6[%scan3A_15, %dma_start3A] : memref<80x125xi32, #tpu.memory_space<vmem>> -> memref<1x125xi32, #tpu.memory_space<vmem>>
      %dma_start3A_17 = tpu.memref_squeeze %dma_start3A_16 : memref<1x125xi32, #tpu.memory_space<vmem>> -> memref<125xi32, #tpu.memory_space<vmem>>
      %dma_start3A_18 = arith.constant 0 : i32
      %dma_start3A_19 = arith.constant 0 : i32
      %dma_start3A_20 = tpu.memref_slice %arg8[%dma_start3A_18, %dma_start3A_19] : memref<10240x8xf32, #tpu.memory_space<vmem_shared>> -> memref<10240x8xf32, #tpu.memory_space<vmem_shared>>
      tpu.enqueue_indirect_dma source(%arg7 : memref<125x8xf32, #tpu.memory_space<vmem>>) target(%dma_start3A_20 : memref<10240x8xf32, #tpu.memory_space<vmem_shared>>) offsets(%dma_start3A_17 : memref<125xi32, #tpu.memory_space<vmem>>) semaphore(%arg9 : memref<!tpu.dma_semaphore, #tpu.memory_space<semaphore_mem>>) {add = true}
    }
    %scan3A_7 = arith.constant 80 : i32
    %scan3A_8 = arith.constant 0 : i32
    %scan3A_9 = arith.constant 0 : i32
    %scan3A_10 = arith.constant 80 : i32
    %scan3A_11 = arith.addi %scan3A_9, %scan3A_10 : i32
    %scan3A_12 = arith.constant 1 : i32
    scf.for %scan3A_15 = %scan3A_9 to %scan3A_11 step %scan3A_12  : i32 {
      %dma_wait3A = arith.constant 0 : i32
      %dma_wait3A_16 = arith.constant 0 : i32
      %dma_wait3A_17 = tpu.memref_slice %arg6[%dma_wait3A, %dma_wait3A_16] : memref<80x125xi32, #tpu.memory_space<vmem>> -> memref<1x125xi32, #tpu.memory_space<vmem>>
      %dma_wait3A_18 = tpu.memref_squeeze %dma_wait3A_17 : memref<1x125xi32, #tpu.memory_space<vmem>> -> memref<125xi32, #tpu.memory_space<vmem>>
      %dma_wait3A_19 = arith.constant 0 : i32
      %dma_wait3A_20 = arith.constant 0 : i32
      %dma_wait3A_21 = tpu.memref_slice %arg8[%dma_wait3A_19, %dma_wait3A_20] : memref<10240x8xf32, #tpu.memory_space<vmem_shared>> -> memref<10240x8xf32, #tpu.memory_space<vmem_shared>>
      tpu.wait_indirect_dma semaphore(%arg9 : memref<!tpu.dma_semaphore, #tpu.memory_space<semaphore_mem>>) src(%arg7 : memref<125x8xf32, #tpu.memory_space<vmem>>) dst(%dma_wait3A_21 : memref<10240x8xf32, #tpu.memory_space<vmem_shared>>)
    }
    %scan3A_13 = arith.constant 80 : i32
    %barrier3A_14 = arith.constant 0 : index
    tpu.barrier barrier_id(%barrier3A_14)
    "tpu.region"() ({
      %run_scoped3A = tpu.sem_alloc : memref<!tpu.dma_semaphore, #tpu.memory_space<semaphore_mem>>
      %dma_start3A = arith.constant 0 : i32
      %dma_start3A_15 = tpu.memref_slice %arg5[%arg0, %mul3A_2, %dma_start3A] : memref<2x10240x8xf32, #tpu.memory_space<hbm>> -> memref<1x640x8xf32, #tpu.memory_space<hbm>>
      %dma_start3A_16 = tpu.memref_squeeze %dma_start3A_15 : memref<1x640x8xf32, #tpu.memory_space<hbm>> -> memref<640x8xf32, #tpu.memory_space<hbm>>
      %dma_start3A_17 = arith.constant 0 : i32
      %dma_start3A_18 = tpu.memref_slice %arg8[%mul3A_2, %dma_start3A_17] : memref<10240x8xf32, #tpu.memory_space<vmem_shared>> -> memref<640x8xf32, #tpu.memory_space<vmem_shared>>
      tpu.enqueue_dma source(%dma_start3A_18 : memref<640x8xf32, #tpu.memory_space<vmem_shared>>) target(%dma_start3A_16 : memref<640x8xf32, #tpu.memory_space<hbm>>) target_semaphore(%run_scoped3A : memref<!tpu.dma_semaphore, #tpu.memory_space<semaphore_mem>>)
      %dma_wait3A = arith.constant 0 : i32
      %dma_wait3A_19 = tpu.memref_slice %arg5[%arg0, %mul3A_2, %dma_wait3A] : memref<2x10240x8xf32, #tpu.memory_space<hbm>> -> memref<1x640x8xf32, #tpu.memory_space<hbm>>
      %dma_wait3A_20 = tpu.memref_squeeze %dma_wait3A_19 : memref<1x640x8xf32, #tpu.memory_space<hbm>> -> memref<640x8xf32, #tpu.memory_space<hbm>>
      %dma_wait3A_21 = arith.constant 0 : i32
      %dma_wait3A_22 = tpu.memref_slice %arg8[%mul3A_2, %dma_wait3A_21] : memref<10240x8xf32, #tpu.memory_space<vmem_shared>> -> memref<640x8xf32, #tpu.memory_space<vmem_shared>>
      tpu.wait_dma2 semaphore(%run_scoped3A : memref<!tpu.dma_semaphore, #tpu.memory_space<semaphore_mem>>) src(%dma_wait3A_22 : memref<640x8xf32, #tpu.memory_space<vmem_shared>>) dst(%dma_wait3A_20 : memref<640x8xf32, #tpu.memory_space<hbm>>)
      tpu.yield
    }) : () -> ()
    return
  }
}

#map = affine_map<(d0, d1) -> (0, 0)>
#map1 = affine_map<(d0, d1) -> (0, 0, 0)>
module attributes {stable_mosaic.version = 14 : i64} {
  func.func @_scatter_kernel(%arg0: i32, %arg1: i32, %arg2: memref<10240x32xf32, #tpu.memory_space<hbm>>, %arg3: memref<32x80x125xi32, #tpu.memory_space<hbm>>, %arg4: memref<32x80x125xi32, #tpu.memory_space<hbm>>, %arg5: memref<10240x32xf32, #tpu.memory_space<hbm>>, %arg6: memref<2x10240x32xf32, #tpu.memory_space<hbm>>, %arg7: memref<80x125xi32, #tpu.memory_space<vmem>>, %arg8: memref<80x125xi32, #tpu.memory_space<vmem>>, %arg9: memref<4x125x32xf32, #tpu.memory_space<vmem>>, %arg10: memref<10240x32xf32, #tpu.memory_space<vmem_shared>>, %arg11: memref<!tpu.dma_semaphore, #tpu.memory_space<semaphore_mem>>, %arg12: memref<!tpu.dma_semaphore, #tpu.memory_space<semaphore_mem>>, %arg13: memref<!tpu.dma_semaphore, #tpu.memory_space<semaphore_mem>>, %arg14: memref<!tpu.dma_semaphore, #tpu.memory_space<semaphore_mem>>, %arg15: memref<!tpu.dma_semaphore, #tpu.memory_space<semaphore_mem>>) attributes {dimension_semantics = [#tpu.dimension_semantics<core_parallel>, #tpu.dimension_semantics<subcore_parallel>], iteration_bounds = array<i64: 2, 16>, scalar_prefetch = 0 : i64, scratch_operands = 9 : i64, tpu.core_type = #tpu.core_type<sc_vector_subcore>, window_params = [{transform_indices = #map}, {transform_indices = #map1}, {transform_indices = #map1}, {transform_indices = #map}, {transform_indices = #map1}]} {
    %mul3A = arith.constant 2 : i32
    %mul3A_0 = arith.muli %arg1, %mul3A : i32
    %add3A = arith.addi %mul3A_0, %arg0 : i32
    %mul3A_1 = arith.constant 640 : i32
    %mul3A_2 = arith.muli %arg1, %mul3A_1 : i32
    "tpu.region"() ({
      %run_scoped3A = tpu.sem_alloc : memref<!tpu.dma_semaphore, #tpu.memory_space<semaphore_mem>>
      %dma_start3A_205 = arith.constant 0 : i32
      %dma_start3A_206 = arith.constant 0 : i32
      %dma_start3A_207 = tpu.memref_slice %arg3[%add3A, %dma_start3A_205, %dma_start3A_206] : memref<32x80x125xi32, #tpu.memory_space<hbm>> -> memref<1x80x125xi32, #tpu.memory_space<hbm>>
      %dma_start3A_208 = tpu.memref_squeeze %dma_start3A_207 : memref<1x80x125xi32, #tpu.memory_space<hbm>> -> memref<80x125xi32, #tpu.memory_space<hbm>>
      %dma_start3A_209 = arith.constant 0 : i32
      %dma_start3A_210 = arith.constant 0 : i32
      %dma_start3A_211 = tpu.memref_slice %arg3[%add3A, %dma_start3A_209, %dma_start3A_210] : memref<32x80x125xi32, #tpu.memory_space<hbm>> -> memref<1x80x125xi32, #tpu.memory_space<hbm>>
      %dma_start3A_212 = tpu.memref_squeeze %dma_start3A_211 : memref<1x80x125xi32, #tpu.memory_space<hbm>> -> memref<80x125xi32, #tpu.memory_space<hbm>>
      tpu.enqueue_dma source(%dma_start3A_212 : memref<80x125xi32, #tpu.memory_space<hbm>>) target(%arg7 : memref<80x125xi32, #tpu.memory_space<vmem>>) target_semaphore(%run_scoped3A : memref<!tpu.dma_semaphore, #tpu.memory_space<semaphore_mem>>)
      %dma_wait3A_213 = arith.constant 0 : i32
      %dma_wait3A_214 = arith.constant 0 : i32
      %dma_wait3A_215 = tpu.memref_slice %arg3[%add3A, %dma_wait3A_213, %dma_wait3A_214] : memref<32x80x125xi32, #tpu.memory_space<hbm>> -> memref<1x80x125xi32, #tpu.memory_space<hbm>>
      %dma_wait3A_216 = tpu.memref_squeeze %dma_wait3A_215 : memref<1x80x125xi32, #tpu.memory_space<hbm>> -> memref<80x125xi32, #tpu.memory_space<hbm>>
      %dma_wait3A_217 = arith.constant 0 : i32
      %dma_wait3A_218 = arith.constant 0 : i32
      %dma_wait3A_219 = tpu.memref_slice %arg3[%add3A, %dma_wait3A_217, %dma_wait3A_218] : memref<32x80x125xi32, #tpu.memory_space<hbm>> -> memref<1x80x125xi32, #tpu.memory_space<hbm>>
      %dma_wait3A_220 = tpu.memref_squeeze %dma_wait3A_219 : memref<1x80x125xi32, #tpu.memory_space<hbm>> -> memref<80x125xi32, #tpu.memory_space<hbm>>
      tpu.wait_dma2 semaphore(%run_scoped3A : memref<!tpu.dma_semaphore, #tpu.memory_space<semaphore_mem>>) src(%dma_wait3A_220 : memref<80x125xi32, #tpu.memory_space<hbm>>) dst(%arg7 : memref<80x125xi32, #tpu.memory_space<vmem>>)
      tpu.yield
    }) : () -> ()
    "tpu.region"() ({
      %run_scoped3A = tpu.sem_alloc : memref<!tpu.dma_semaphore, #tpu.memory_space<semaphore_mem>>
      %dma_start3A_205 = arith.constant 0 : i32
      %dma_start3A_206 = arith.constant 0 : i32
      %dma_start3A_207 = tpu.memref_slice %arg4[%add3A, %dma_start3A_205, %dma_start3A_206] : memref<32x80x125xi32, #tpu.memory_space<hbm>> -> memref<1x80x125xi32, #tpu.memory_space<hbm>>
      %dma_start3A_208 = tpu.memref_squeeze %dma_start3A_207 : memref<1x80x125xi32, #tpu.memory_space<hbm>> -> memref<80x125xi32, #tpu.memory_space<hbm>>
      %dma_start3A_209 = arith.constant 0 : i32
      %dma_start3A_210 = arith.constant 0 : i32
      %dma_start3A_211 = tpu.memref_slice %arg4[%add3A, %dma_start3A_209, %dma_start3A_210] : memref<32x80x125xi32, #tpu.memory_space<hbm>> -> memref<1x80x125xi32, #tpu.memory_space<hbm>>
      %dma_start3A_212 = tpu.memref_squeeze %dma_start3A_211 : memref<1x80x125xi32, #tpu.memory_space<hbm>> -> memref<80x125xi32, #tpu.memory_space<hbm>>
      tpu.enqueue_dma source(%dma_start3A_212 : memref<80x125xi32, #tpu.memory_space<hbm>>) target(%arg8 : memref<80x125xi32, #tpu.memory_space<vmem>>) target_semaphore(%run_scoped3A : memref<!tpu.dma_semaphore, #tpu.memory_space<semaphore_mem>>)
      %dma_wait3A_213 = arith.constant 0 : i32
      %dma_wait3A_214 = arith.constant 0 : i32
      %dma_wait3A_215 = tpu.memref_slice %arg4[%add3A, %dma_wait3A_213, %dma_wait3A_214] : memref<32x80x125xi32, #tpu.memory_space<hbm>> -> memref<1x80x125xi32, #tpu.memory_space<hbm>>
      %dma_wait3A_216 = tpu.memref_squeeze %dma_wait3A_215 : memref<1x80x125xi32, #tpu.memory_space<hbm>> -> memref<80x125xi32, #tpu.memory_space<hbm>>
      %dma_wait3A_217 = arith.constant 0 : i32
      %dma_wait3A_218 = arith.constant 0 : i32
      %dma_wait3A_219 = tpu.memref_slice %arg4[%add3A, %dma_wait3A_217, %dma_wait3A_218] : memref<32x80x125xi32, #tpu.memory_space<hbm>> -> memref<1x80x125xi32, #tpu.memory_space<hbm>>
      %dma_wait3A_220 = tpu.memref_squeeze %dma_wait3A_219 : memref<1x80x125xi32, #tpu.memory_space<hbm>> -> memref<80x125xi32, #tpu.memory_space<hbm>>
      tpu.wait_dma2 semaphore(%run_scoped3A : memref<!tpu.dma_semaphore, #tpu.memory_space<semaphore_mem>>) src(%dma_wait3A_220 : memref<80x125xi32, #tpu.memory_space<hbm>>) dst(%arg8 : memref<80x125xi32, #tpu.memory_space<vmem>>)
      tpu.yield
    }) : () -> ()
    %eq3A = arith.constant 0 : i32
    %eq3A_3 = arith.cmpi eq, %arg0, %eq3A : i32
    %convert_element_type3A = arith.extui %eq3A_3 : i1 to i32
    %cond3A = arith.constant 0 : i32
    %cond3A_4 = arith.cmpi ne, %convert_element_type3A, %cond3A : i32
    scf.if %cond3A_4 {
      "tpu.region"() ({
        %run_scoped3A = tpu.sem_alloc : memref<!tpu.dma_semaphore, #tpu.memory_space<semaphore_mem>>
        %dma_start3A_205 = arith.constant 0 : i32
        %dma_start3A_206 = tpu.memref_slice %arg10[%mul3A_2, %dma_start3A_205] : memref<10240x32xf32, #tpu.memory_space<vmem_shared>> -> memref<640x32xf32, #tpu.memory_space<vmem_shared>>
        %dma_start3A_207 = arith.constant 0 : i32
        %dma_start3A_208 = tpu.memref_slice %arg2[%mul3A_2, %dma_start3A_207] : memref<10240x32xf32, #tpu.memory_space<hbm>> -> memref<640x32xf32, #tpu.memory_space<hbm>>
        tpu.enqueue_dma source(%dma_start3A_208 : memref<640x32xf32, #tpu.memory_space<hbm>>) target(%dma_start3A_206 : memref<640x32xf32, #tpu.memory_space<vmem_shared>>) target_semaphore(%run_scoped3A : memref<!tpu.dma_semaphore, #tpu.memory_space<semaphore_mem>>)
        %dma_wait3A_209 = arith.constant 0 : i32
        %dma_wait3A_210 = tpu.memref_slice %arg10[%mul3A_2, %dma_wait3A_209] : memref<10240x32xf32, #tpu.memory_space<vmem_shared>> -> memref<640x32xf32, #tpu.memory_space<vmem_shared>>
        %dma_wait3A_211 = arith.constant 0 : i32
        %dma_wait3A_212 = tpu.memref_slice %arg2[%mul3A_2, %dma_wait3A_211] : memref<10240x32xf32, #tpu.memory_space<hbm>> -> memref<640x32xf32, #tpu.memory_space<hbm>>
        tpu.wait_dma2 semaphore(%run_scoped3A : memref<!tpu.dma_semaphore, #tpu.memory_space<semaphore_mem>>) src(%dma_wait3A_212 : memref<640x32xf32, #tpu.memory_space<hbm>>) dst(%dma_wait3A_210 : memref<640x32xf32, #tpu.memory_space<vmem_shared>>)
        tpu.yield
      }) : () -> ()
    } else {
    }
    %ne3A = arith.constant 0 : i32
    %ne3A_5 = arith.cmpi ne, %arg0, %ne3A : i32
    %convert_element_type3A_6 = arith.extui %ne3A_5 : i1 to i32
    %cond3A_7 = arith.constant 0 : i32
    %cond3A_8 = arith.cmpi ne, %convert_element_type3A_6, %cond3A_7 : i32
    scf.if %cond3A_8 {
      "tpu.region"() ({
        %run_scoped3A = tpu.sem_alloc : memref<!tpu.dma_semaphore, #tpu.memory_space<semaphore_mem>>
        %dma_start3A_205 = arith.constant 0 : i32
        %dma_start3A_206 = tpu.memref_slice %arg10[%mul3A_2, %dma_start3A_205] : memref<10240x32xf32, #tpu.memory_space<vmem_shared>> -> memref<640x32xf32, #tpu.memory_space<vmem_shared>>
        %dma_start3A_207 = arith.constant 0 : i32
        %dma_start3A_208 = tpu.memref_slice %arg5[%mul3A_2, %dma_start3A_207] : memref<10240x32xf32, #tpu.memory_space<hbm>> -> memref<640x32xf32, #tpu.memory_space<hbm>>
        tpu.enqueue_dma source(%dma_start3A_208 : memref<640x32xf32, #tpu.memory_space<hbm>>) target(%dma_start3A_206 : memref<640x32xf32, #tpu.memory_space<vmem_shared>>) target_semaphore(%run_scoped3A : memref<!tpu.dma_semaphore, #tpu.memory_space<semaphore_mem>>)
        %dma_wait3A_209 = arith.constant 0 : i32
        %dma_wait3A_210 = tpu.memref_slice %arg10[%mul3A_2, %dma_wait3A_209] : memref<10240x32xf32, #tpu.memory_space<vmem_shared>> -> memref<640x32xf32, #tpu.memory_space<vmem_shared>>
        %dma_wait3A_211 = arith.constant 0 : i32
        %dma_wait3A_212 = tpu.memref_slice %arg5[%mul3A_2, %dma_wait3A_211] : memref<10240x32xf32, #tpu.memory_space<hbm>> -> memref<640x32xf32, #tpu.memory_space<hbm>>
        tpu.wait_dma2 semaphore(%run_scoped3A : memref<!tpu.dma_semaphore, #tpu.memory_space<semaphore_mem>>) src(%dma_wait3A_212 : memref<640x32xf32, #tpu.memory_space<hbm>>) dst(%dma_wait3A_210 : memref<640x32xf32, #tpu.memory_space<vmem_shared>>)
        tpu.yield
      }) : () -> ()
    } else {
    }
    %barrier3A = arith.constant 0 : index
    tpu.barrier barrier_id(%barrier3A)
    %dma_start3A = arith.constant 0 : i32
    %dma_start3A_9 = arith.constant 0 : i32
    %dma_start3A_10 = arith.constant 0 : i32
    %dma_start3A_11 = arith.constant 0 : i32
    %dma_start3A_12 = tpu.memref_slice %arg9[%dma_start3A_9, %dma_start3A_10, %dma_start3A_11] : memref<4x125x32xf32, #tpu.memory_space<vmem>> -> memref<1x125x32xf32, #tpu.memory_space<vmem>>
    %dma_start3A_13 = tpu.memref_squeeze %dma_start3A_12 : memref<1x125x32xf32, #tpu.memory_space<vmem>> -> memref<125x32xf32, #tpu.memory_space<vmem>>
    %dma_start3A_14 = arith.constant 0 : i32
    %dma_start3A_15 = tpu.memref_slice %arg7[%dma_start3A, %dma_start3A_14] : memref<80x125xi32, #tpu.memory_space<vmem>> -> memref<1x125xi32, #tpu.memory_space<vmem>>
    %dma_start3A_16 = tpu.memref_squeeze %dma_start3A_15 : memref<1x125xi32, #tpu.memory_space<vmem>> -> memref<125xi32, #tpu.memory_space<vmem>>
    %dma_start3A_17 = arith.constant 0 : i32
    %dma_start3A_18 = arith.constant 0 : i32
    %dma_start3A_19 = tpu.memref_slice %arg2[%dma_start3A_17, %dma_start3A_18] : memref<10240x32xf32, #tpu.memory_space<hbm>> -> memref<10240x32xf32, #tpu.memory_space<hbm>>
    tpu.enqueue_indirect_dma source(%dma_start3A_19 : memref<10240x32xf32, #tpu.memory_space<hbm>>) target(%dma_start3A_13 : memref<125x32xf32, #tpu.memory_space<vmem>>) offsets(%dma_start3A_16 : memref<125xi32, #tpu.memory_space<vmem>>) semaphore(%arg11 : memref<!tpu.dma_semaphore, #tpu.memory_space<semaphore_mem>>)
    %dma_start3A_20 = arith.constant 1 : i32
    %dma_start3A_21 = arith.constant 1 : i32
    %dma_start3A_22 = arith.constant 0 : i32
    %dma_start3A_23 = arith.constant 0 : i32
    %dma_start3A_24 = tpu.memref_slice %arg9[%dma_start3A_21, %dma_start3A_22, %dma_start3A_23] : memref<4x125x32xf32, #tpu.memory_space<vmem>> -> memref<1x125x32xf32, #tpu.memory_space<vmem>>
    %dma_start3A_25 = tpu.memref_squeeze %dma_start3A_24 : memref<1x125x32xf32, #tpu.memory_space<vmem>> -> memref<125x32xf32, #tpu.memory_space<vmem>>
    %dma_start3A_26 = arith.constant 0 : i32
    %dma_start3A_27 = tpu.memref_slice %arg7[%dma_start3A_20, %dma_start3A_26] : memref<80x125xi32, #tpu.memory_space<vmem>> -> memref<1x125xi32, #tpu.memory_space<vmem>>
    %dma_start3A_28 = tpu.memref_squeeze %dma_start3A_27 : memref<1x125xi32, #tpu.memory_space<vmem>> -> memref<125xi32, #tpu.memory_space<vmem>>
    %dma_start3A_29 = arith.constant 0 : i32
    %dma_start3A_30 = arith.constant 0 : i32
    %dma_start3A_31 = tpu.memref_slice %arg2[%dma_start3A_29, %dma_start3A_30] : memref<10240x32xf32, #tpu.memory_space<hbm>> -> memref<10240x32xf32, #tpu.memory_space<hbm>>
    tpu.enqueue_indirect_dma source(%dma_start3A_31 : memref<10240x32xf32, #tpu.memory_space<hbm>>) target(%dma_start3A_25 : memref<125x32xf32, #tpu.memory_space<vmem>>) offsets(%dma_start3A_28 : memref<125xi32, #tpu.memory_space<vmem>>) semaphore(%arg12 : memref<!tpu.dma_semaphore, #tpu.memory_space<semaphore_mem>>)
    %dma_start3A_32 = arith.constant 2 : i32
    %dma_start3A_33 = arith.constant 2 : i32
    %dma_start3A_34 = arith.constant 0 : i32
    %dma_start3A_35 = arith.constant 0 : i32
    %dma_start3A_36 = tpu.memref_slice %arg9[%dma_start3A_33, %dma_start3A_34, %dma_start3A_35] : memref<4x125x32xf32, #tpu.memory_space<vmem>> -> memref<1x125x32xf32, #tpu.memory_space<vmem>>
    %dma_start3A_37 = tpu.memref_squeeze %dma_start3A_36 : memref<1x125x32xf32, #tpu.memory_space<vmem>> -> memref<125x32xf32, #tpu.memory_space<vmem>>
    %dma_start3A_38 = arith.constant 0 : i32
    %dma_start3A_39 = tpu.memref_slice %arg7[%dma_start3A_32, %dma_start3A_38] : memref<80x125xi32, #tpu.memory_space<vmem>> -> memref<1x125xi32, #tpu.memory_space<vmem>>
    %dma_start3A_40 = tpu.memref_squeeze %dma_start3A_39 : memref<1x125xi32, #tpu.memory_space<vmem>> -> memref<125xi32, #tpu.memory_space<vmem>>
    %dma_start3A_41 = arith.constant 0 : i32
    %dma_start3A_42 = arith.constant 0 : i32
    %dma_start3A_43 = tpu.memref_slice %arg2[%dma_start3A_41, %dma_start3A_42] : memref<10240x32xf32, #tpu.memory_space<hbm>> -> memref<10240x32xf32, #tpu.memory_space<hbm>>
    tpu.enqueue_indirect_dma source(%dma_start3A_43 : memref<10240x32xf32, #tpu.memory_space<hbm>>) target(%dma_start3A_37 : memref<125x32xf32, #tpu.memory_space<vmem>>) offsets(%dma_start3A_40 : memref<125xi32, #tpu.memory_space<vmem>>) semaphore(%arg13 : memref<!tpu.dma_semaphore, #tpu.memory_space<semaphore_mem>>)
    %dma_start3A_44 = arith.constant 3 : i32
    %dma_start3A_45 = arith.constant 3 : i32
    %dma_start3A_46 = arith.constant 0 : i32
    %dma_start3A_47 = arith.constant 0 : i32
    %dma_start3A_48 = tpu.memref_slice %arg9[%dma_start3A_45, %dma_start3A_46, %dma_start3A_47] : memref<4x125x32xf32, #tpu.memory_space<vmem>> -> memref<1x125x32xf32, #tpu.memory_space<vmem>>
    %dma_start3A_49 = tpu.memref_squeeze %dma_start3A_48 : memref<1x125x32xf32, #tpu.memory_space<vmem>> -> memref<125x32xf32, #tpu.memory_space<vmem>>
    %dma_start3A_50 = arith.constant 0 : i32
    %dma_start3A_51 = tpu.memref_slice %arg7[%dma_start3A_44, %dma_start3A_50] : memref<80x125xi32, #tpu.memory_space<vmem>> -> memref<1x125xi32, #tpu.memory_space<vmem>>
    %dma_start3A_52 = tpu.memref_squeeze %dma_start3A_51 : memref<1x125xi32, #tpu.memory_space<vmem>> -> memref<125xi32, #tpu.memory_space<vmem>>
    %dma_start3A_53 = arith.constant 0 : i32
    %dma_start3A_54 = arith.constant 0 : i32
    %dma_start3A_55 = tpu.memref_slice %arg2[%dma_start3A_53, %dma_start3A_54] : memref<10240x32xf32, #tpu.memory_space<hbm>> -> memref<10240x32xf32, #tpu.memory_space<hbm>>
    tpu.enqueue_indirect_dma source(%dma_start3A_55 : memref<10240x32xf32, #tpu.memory_space<hbm>>) target(%dma_start3A_49 : memref<125x32xf32, #tpu.memory_space<vmem>>) offsets(%dma_start3A_52 : memref<125xi32, #tpu.memory_space<vmem>>) semaphore(%arg14 : memref<!tpu.dma_semaphore, #tpu.memory_space<semaphore_mem>>)
    %scan3A = arith.constant 0 : i32
    %scan3A_56 = arith.constant 0 : i32
    %scan3A_57 = arith.constant 19 : i32
    %scan3A_58 = arith.addi %scan3A_56, %scan3A_57 : i32
    %scan3A_59 = arith.constant 1 : i32
    scf.for %scan3A_205 = %scan3A_56 to %scan3A_58 step %scan3A_59  : i32 {
      %mul3A_206 = arith.constant 4 : i32
      %mul3A_207 = arith.muli %mul3A_206, %scan3A_205 : i32
      %add3A_208 = arith.constant 0 : i32
      %add3A_209 = arith.addi %mul3A_207, %add3A_208 : i32
      %dma_wait3A_210 = arith.constant 0 : i32
      %dma_wait3A_211 = arith.constant 0 : i32
      %dma_wait3A_212 = arith.constant 0 : i32
      %dma_wait3A_213 = arith.constant 0 : i32
      %dma_wait3A_214 = tpu.memref_slice %arg9[%dma_wait3A_211, %dma_wait3A_212, %dma_wait3A_213] : memref<4x125x32xf32, #tpu.memory_space<vmem>> -> memref<1x125x32xf32, #tpu.memory_space<vmem>>
      %dma_wait3A_215 = tpu.memref_squeeze %dma_wait3A_214 : memref<1x125x32xf32, #tpu.memory_space<vmem>> -> memref<125x32xf32, #tpu.memory_space<vmem>>
      %dma_wait3A_216 = arith.constant 0 : i32
      %dma_wait3A_217 = tpu.memref_slice %arg7[%dma_wait3A_210, %dma_wait3A_216] : memref<80x125xi32, #tpu.memory_space<vmem>> -> memref<1x125xi32, #tpu.memory_space<vmem>>
      %dma_wait3A_218 = tpu.memref_squeeze %dma_wait3A_217 : memref<1x125xi32, #tpu.memory_space<vmem>> -> memref<125xi32, #tpu.memory_space<vmem>>
      %dma_wait3A_219 = arith.constant 0 : i32
      %dma_wait3A_220 = arith.constant 0 : i32
      %dma_wait3A_221 = tpu.memref_slice %arg2[%dma_wait3A_219, %dma_wait3A_220] : memref<10240x32xf32, #tpu.memory_space<hbm>> -> memref<10240x32xf32, #tpu.memory_space<hbm>>
      tpu.wait_indirect_dma semaphore(%arg11 : memref<!tpu.dma_semaphore, #tpu.memory_space<semaphore_mem>>) src(%dma_wait3A_221 : memref<10240x32xf32, #tpu.memory_space<hbm>>) dst(%dma_wait3A_215 : memref<125x32xf32, #tpu.memory_space<vmem>>)
      %dma_start3A_222 = arith.constant 0 : i32
      %dma_start3A_223 = arith.constant 0 : i32
      %dma_start3A_224 = arith.constant 0 : i32
      %dma_start3A_225 = tpu.memref_slice %arg9[%dma_start3A_222, %dma_start3A_223, %dma_start3A_224] : memref<4x125x32xf32, #tpu.memory_space<vmem>> -> memref<1x125x32xf32, #tpu.memory_space<vmem>>
      %dma_start3A_226 = tpu.memref_squeeze %dma_start3A_225 : memref<1x125x32xf32, #tpu.memory_space<vmem>> -> memref<125x32xf32, #tpu.memory_space<vmem>>
      %dma_start3A_227 = arith.constant 0 : i32
      %dma_start3A_228 = tpu.memref_slice %arg8[%add3A_209, %dma_start3A_227] : memref<80x125xi32, #tpu.memory_space<vmem>> -> memref<1x125xi32, #tpu.memory_space<vmem>>
      %dma_start3A_229 = tpu.memref_squeeze %dma_start3A_228 : memref<1x125xi32, #tpu.memory_space<vmem>> -> memref<125xi32, #tpu.memory_space<vmem>>
      %dma_start3A_230 = arith.constant 0 : i32
      %dma_start3A_231 = arith.constant 0 : i32
      %dma_start3A_232 = tpu.memref_slice %arg10[%dma_start3A_230, %dma_start3A_231] : memref<10240x32xf32, #tpu.memory_space<vmem_shared>> -> memref<10240x32xf32, #tpu.memory_space<vmem_shared>>
      tpu.enqueue_indirect_dma source(%dma_start3A_226 : memref<125x32xf32, #tpu.memory_space<vmem>>) target(%dma_start3A_232 : memref<10240x32xf32, #tpu.memory_space<vmem_shared>>) offsets(%dma_start3A_229 : memref<125xi32, #tpu.memory_space<vmem>>) semaphore(%arg15 : memref<!tpu.dma_semaphore, #tpu.memory_space<semaphore_mem>>) {add = true}
      %dma_wait3A_233 = arith.constant 0 : i32
      %dma_wait3A_234 = arith.constant 0 : i32
      %dma_wait3A_235 = arith.constant 0 : i32
      %dma_wait3A_236 = arith.constant 0 : i32
      %dma_wait3A_237 = tpu.memref_slice %arg9[%dma_wait3A_233, %dma_wait3A_235, %dma_wait3A_236] : memref<4x125x32xf32, #tpu.memory_space<vmem>> -> memref<1x125x32xf32, #tpu.memory_space<vmem>>
      %dma_wait3A_238 = tpu.memref_squeeze %dma_wait3A_237 : memref<1x125x32xf32, #tpu.memory_space<vmem>> -> memref<125x32xf32, #tpu.memory_space<vmem>>
      %dma_wait3A_239 = arith.constant 0 : i32
      %dma_wait3A_240 = tpu.memref_slice %arg8[%dma_wait3A_234, %dma_wait3A_239] : memref<80x125xi32, #tpu.memory_space<vmem>> -> memref<1x125xi32, #tpu.memory_space<vmem>>
      %dma_wait3A_241 = tpu.memref_squeeze %dma_wait3A_240 : memref<1x125xi32, #tpu.memory_space<vmem>> -> memref<125xi32, #tpu.memory_space<vmem>>
      %dma_wait3A_242 = arith.constant 0 : i32
      %dma_wait3A_243 = arith.constant 0 : i32
      %dma_wait3A_244 = tpu.memref_slice %arg10[%dma_wait3A_242, %dma_wait3A_243] : memref<10240x32xf32, #tpu.memory_space<vmem_shared>> -> memref<10240x32xf32, #tpu.memory_space<vmem_shared>>
      tpu.wait_indirect_dma semaphore(%arg15 : memref<!tpu.dma_semaphore, #tpu.memory_space<semaphore_mem>>) src(%dma_wait3A_238 : memref<125x32xf32, #tpu.memory_space<vmem>>) dst(%dma_wait3A_244 : memref<10240x32xf32, #tpu.memory_space<vmem_shared>>)
      %add3A_245 = arith.constant 4 : i32
      %add3A_246 = arith.addi %add3A_209, %add3A_245 : i32
      %dma_start3A_247 = arith.constant 0 : i32
      %dma_start3A_248 = arith.constant 0 : i32
      %dma_start3A_249 = arith.constant 0 : i32
      %dma_start3A_250 = tpu.memref_slice %arg9[%dma_start3A_247, %dma_start3A_248, %dma_start3A_249] : memref<4x125x32xf32, #tpu.memory_space<vmem>> -> memref<1x125x32xf32, #tpu.memory_space<vmem>>
      %dma_start3A_251 = tpu.memref_squeeze %dma_start3A_250 : memref<1x125x32xf32, #tpu.memory_space<vmem>> -> memref<125x32xf32, #tpu.memory_space<vmem>>
      %dma_start3A_252 = arith.constant 0 : i32
      %dma_start3A_253 = tpu.memref_slice %arg7[%add3A_246, %dma_start3A_252] : memref<80x125xi32, #tpu.memory_space<vmem>> -> memref<1x125xi32, #tpu.memory_space<vmem>>
      %dma_start3A_254 = tpu.memref_squeeze %dma_start3A_253 : memref<1x125xi32, #tpu.memory_space<vmem>> -> memref<125xi32, #tpu.memory_space<vmem>>
      %dma_start3A_255 = arith.constant 0 : i32
      %dma_start3A_256 = arith.constant 0 : i32
      %dma_start3A_257 = tpu.memref_slice %arg2[%dma_start3A_255, %dma_start3A_256] : memref<10240x32xf32, #tpu.memory_space<hbm>> -> memref<10240x32xf32, #tpu.memory_space<hbm>>
      tpu.enqueue_indirect_dma source(%dma_start3A_257 : memref<10240x32xf32, #tpu.memory_space<hbm>>) target(%dma_start3A_251 : memref<125x32xf32, #tpu.memory_space<vmem>>) offsets(%dma_start3A_254 : memref<125xi32, #tpu.memory_space<vmem>>) semaphore(%arg11 : memref<!tpu.dma_semaphore, #tpu.memory_space<semaphore_mem>>)
      %mul3A_258 = arith.constant 4 : i32
      %mul3A_259 = arith.muli %mul3A_258, %scan3A_205 : i32
      %add3A_260 = arith.constant 1 : i32
      %add3A_261 = arith.addi %mul3A_259, %add3A_260 : i32
      %dma_wait3A_262 = arith.constant 0 : i32
      %dma_wait3A_263 = arith.constant 1 : i32
      %dma_wait3A_264 = arith.constant 0 : i32
      %dma_wait3A_265 = arith.constant 0 : i32
      %dma_wait3A_266 = tpu.memref_slice %arg9[%dma_wait3A_263, %dma_wait3A_264, %dma_wait3A_265] : memref<4x125x32xf32, #tpu.memory_space<vmem>> -> memref<1x125x32xf32, #tpu.memory_space<vmem>>
      %dma_wait3A_267 = tpu.memref_squeeze %dma_wait3A_266 : memref<1x125x32xf32, #tpu.memory_space<vmem>> -> memref<125x32xf32, #tpu.memory_space<vmem>>
      %dma_wait3A_268 = arith.constant 0 : i32
      %dma_wait3A_269 = tpu.memref_slice %arg7[%dma_wait3A_262, %dma_wait3A_268] : memref<80x125xi32, #tpu.memory_space<vmem>> -> memref<1x125xi32, #tpu.memory_space<vmem>>
      %dma_wait3A_270 = tpu.memref_squeeze %dma_wait3A_269 : memref<1x125xi32, #tpu.memory_space<vmem>> -> memref<125xi32, #tpu.memory_space<vmem>>
      %dma_wait3A_271 = arith.constant 0 : i32
      %dma_wait3A_272 = arith.constant 0 : i32
      %dma_wait3A_273 = tpu.memref_slice %arg2[%dma_wait3A_271, %dma_wait3A_272] : memref<10240x32xf32, #tpu.memory_space<hbm>> -> memref<10240x32xf32, #tpu.memory_space<hbm>>
      tpu.wait_indirect_dma semaphore(%arg12 : memref<!tpu.dma_semaphore, #tpu.memory_space<semaphore_mem>>) src(%dma_wait3A_273 : memref<10240x32xf32, #tpu.memory_space<hbm>>) dst(%dma_wait3A_267 : memref<125x32xf32, #tpu.memory_space<vmem>>)
      %dma_start3A_274 = arith.constant 1 : i32
      %dma_start3A_275 = arith.constant 0 : i32
      %dma_start3A_276 = arith.constant 0 : i32
      %dma_start3A_277 = tpu.memref_slice %arg9[%dma_start3A_274, %dma_start3A_275, %dma_start3A_276] : memref<4x125x32xf32, #tpu.memory_space<vmem>> -> memref<1x125x32xf32, #tpu.memory_space<vmem>>
      %dma_start3A_278 = tpu.memref_squeeze %dma_start3A_277 : memref<1x125x32xf32, #tpu.memory_space<vmem>> -> memref<125x32xf32, #tpu.memory_space<vmem>>
      %dma_start3A_279 = arith.constant 0 : i32
      %dma_start3A_280 = tpu.memref_slice %arg8[%add3A_261, %dma_start3A_279] : memref<80x125xi32, #tpu.memory_space<vmem>> -> memref<1x125xi32, #tpu.memory_space<vmem>>
      %dma_start3A_281 = tpu.memref_squeeze %dma_start3A_280 : memref<1x125xi32, #tpu.memory_space<vmem>> -> memref<125xi32, #tpu.memory_space<vmem>>
      %dma_start3A_282 = arith.constant 0 : i32
      %dma_start3A_283 = arith.constant 0 : i32
      %dma_start3A_284 = tpu.memref_slice %arg10[%dma_start3A_282, %dma_start3A_283] : memref<10240x32xf32, #tpu.memory_space<vmem_shared>> -> memref<10240x32xf32, #tpu.memory_space<vmem_shared>>
      tpu.enqueue_indirect_dma source(%dma_start3A_278 : memref<125x32xf32, #tpu.memory_space<vmem>>) target(%dma_start3A_284 : memref<10240x32xf32, #tpu.memory_space<vmem_shared>>) offsets(%dma_start3A_281 : memref<125xi32, #tpu.memory_space<vmem>>) semaphore(%arg15 : memref<!tpu.dma_semaphore, #tpu.memory_space<semaphore_mem>>) {add = true}
      %dma_wait3A_285 = arith.constant 1 : i32
      %dma_wait3A_286 = arith.constant 0 : i32
      %dma_wait3A_287 = arith.constant 0 : i32
      %dma_wait3A_288 = arith.constant 0 : i32
      %dma_wait3A_289 = tpu.memref_slice %arg9[%dma_wait3A_285, %dma_wait3A_287, %dma_wait3A_288] : memref<4x125x32xf32, #tpu.memory_space<vmem>> -> memref<1x125x32xf32, #tpu.memory_space<vmem>>
      %dma_wait3A_290 = tpu.memref_squeeze %dma_wait3A_289 : memref<1x125x32xf32, #tpu.memory_space<vmem>> -> memref<125x32xf32, #tpu.memory_space<vmem>>
      %dma_wait3A_291 = arith.constant 0 : i32
      %dma_wait3A_292 = tpu.memref_slice %arg8[%dma_wait3A_286, %dma_wait3A_291] : memref<80x125xi32, #tpu.memory_space<vmem>> -> memref<1x125xi32, #tpu.memory_space<vmem>>
      %dma_wait3A_293 = tpu.memref_squeeze %dma_wait3A_292 : memref<1x125xi32, #tpu.memory_space<vmem>> -> memref<125xi32, #tpu.memory_space<vmem>>
      %dma_wait3A_294 = arith.constant 0 : i32
      %dma_wait3A_295 = arith.constant 0 : i32
      %dma_wait3A_296 = tpu.memref_slice %arg10[%dma_wait3A_294, %dma_wait3A_295] : memref<10240x32xf32, #tpu.memory_space<vmem_shared>> -> memref<10240x32xf32, #tpu.memory_space<vmem_shared>>
      tpu.wait_indirect_dma semaphore(%arg15 : memref<!tpu.dma_semaphore, #tpu.memory_space<semaphore_mem>>) src(%dma_wait3A_290 : memref<125x32xf32, #tpu.memory_space<vmem>>) dst(%dma_wait3A_296 : memref<10240x32xf32, #tpu.memory_space<vmem_shared>>)
      %add3A_297 = arith.constant 4 : i32
      %add3A_298 = arith.addi %add3A_261, %add3A_297 : i32
      %dma_start3A_299 = arith.constant 1 : i32
      %dma_start3A_300 = arith.constant 0 : i32
      %dma_start3A_301 = arith.constant 0 : i32
      %dma_start3A_302 = tpu.memref_slice %arg9[%dma_start3A_299, %dma_start3A_300, %dma_start3A_301] : memref<4x125x32xf32, #tpu.memory_space<vmem>> -> memref<1x125x32xf32, #tpu.memory_space<vmem>>
      %dma_start3A_303 = tpu.memref_squeeze %dma_start3A_302 : memref<1x125x32xf32, #tpu.memory_space<vmem>> -> memref<125x32xf32, #tpu.memory_space<vmem>>
      %dma_start3A_304 = arith.constant 0 : i32
      %dma_start3A_305 = tpu.memref_slice %arg7[%add3A_298, %dma_start3A_304] : memref<80x125xi32, #tpu.memory_space<vmem>> -> memref<1x125xi32, #tpu.memory_space<vmem>>
      %dma_start3A_306 = tpu.memref_squeeze %dma_start3A_305 : memref<1x125xi32, #tpu.memory_space<vmem>> -> memref<125xi32, #tpu.memory_space<vmem>>
      %dma_start3A_307 = arith.constant 0 : i32
      %dma_start3A_308 = arith.constant 0 : i32
      %dma_start3A_309 = tpu.memref_slice %arg2[%dma_start3A_307, %dma_start3A_308] : memref<10240x32xf32, #tpu.memory_space<hbm>> -> memref<10240x32xf32, #tpu.memory_space<hbm>>
      tpu.enqueue_indirect_dma source(%dma_start3A_309 : memref<10240x32xf32, #tpu.memory_space<hbm>>) target(%dma_start3A_303 : memref<125x32xf32, #tpu.memory_space<vmem>>) offsets(%dma_start3A_306 : memref<125xi32, #tpu.memory_space<vmem>>) semaphore(%arg12 : memref<!tpu.dma_semaphore, #tpu.memory_space<semaphore_mem>>)
      %mul3A_310 = arith.constant 4 : i32
      %mul3A_311 = arith.muli %mul3A_310, %scan3A_205 : i32
      %add3A_312 = arith.constant 2 : i32
      %add3A_313 = arith.addi %mul3A_311, %add3A_312 : i32
      %dma_wait3A_314 = arith.constant 0 : i32
      %dma_wait3A_315 = arith.constant 2 : i32
      %dma_wait3A_316 = arith.constant 0 : i32
      %dma_wait3A_317 = arith.constant 0 : i32
      %dma_wait3A_318 = tpu.memref_slice %arg9[%dma_wait3A_315, %dma_wait3A_316, %dma_wait3A_317] : memref<4x125x32xf32, #tpu.memory_space<vmem>> -> memref<1x125x32xf32, #tpu.memory_space<vmem>>
      %dma_wait3A_319 = tpu.memref_squeeze %dma_wait3A_318 : memref<1x125x32xf32, #tpu.memory_space<vmem>> -> memref<125x32xf32, #tpu.memory_space<vmem>>
      %dma_wait3A_320 = arith.constant 0 : i32
      %dma_wait3A_321 = tpu.memref_slice %arg7[%dma_wait3A_314, %dma_wait3A_320] : memref<80x125xi32, #tpu.memory_space<vmem>> -> memref<1x125xi32, #tpu.memory_space<vmem>>
      %dma_wait3A_322 = tpu.memref_squeeze %dma_wait3A_321 : memref<1x125xi32, #tpu.memory_space<vmem>> -> memref<125xi32, #tpu.memory_space<vmem>>
      %dma_wait3A_323 = arith.constant 0 : i32
      %dma_wait3A_324 = arith.constant 0 : i32
      %dma_wait3A_325 = tpu.memref_slice %arg2[%dma_wait3A_323, %dma_wait3A_324] : memref<10240x32xf32, #tpu.memory_space<hbm>> -> memref<10240x32xf32, #tpu.memory_space<hbm>>
      tpu.wait_indirect_dma semaphore(%arg13 : memref<!tpu.dma_semaphore, #tpu.memory_space<semaphore_mem>>) src(%dma_wait3A_325 : memref<10240x32xf32, #tpu.memory_space<hbm>>) dst(%dma_wait3A_319 : memref<125x32xf32, #tpu.memory_space<vmem>>)
      %dma_start3A_326 = arith.constant 2 : i32
      %dma_start3A_327 = arith.constant 0 : i32
      %dma_start3A_328 = arith.constant 0 : i32
      %dma_start3A_329 = tpu.memref_slice %arg9[%dma_start3A_326, %dma_start3A_327, %dma_start3A_328] : memref<4x125x32xf32, #tpu.memory_space<vmem>> -> memref<1x125x32xf32, #tpu.memory_space<vmem>>
      %dma_start3A_330 = tpu.memref_squeeze %dma_start3A_329 : memref<1x125x32xf32, #tpu.memory_space<vmem>> -> memref<125x32xf32, #tpu.memory_space<vmem>>
      %dma_start3A_331 = arith.constant 0 : i32
      %dma_start3A_332 = tpu.memref_slice %arg8[%add3A_313, %dma_start3A_331] : memref<80x125xi32, #tpu.memory_space<vmem>> -> memref<1x125xi32, #tpu.memory_space<vmem>>
      %dma_start3A_333 = tpu.memref_squeeze %dma_start3A_332 : memref<1x125xi32, #tpu.memory_space<vmem>> -> memref<125xi32, #tpu.memory_space<vmem>>
      %dma_start3A_334 = arith.constant 0 : i32
      %dma_start3A_335 = arith.constant 0 : i32
      %dma_start3A_336 = tpu.memref_slice %arg10[%dma_start3A_334, %dma_start3A_335] : memref<10240x32xf32, #tpu.memory_space<vmem_shared>> -> memref<10240x32xf32, #tpu.memory_space<vmem_shared>>
      tpu.enqueue_indirect_dma source(%dma_start3A_330 : memref<125x32xf32, #tpu.memory_space<vmem>>) target(%dma_start3A_336 : memref<10240x32xf32, #tpu.memory_space<vmem_shared>>) offsets(%dma_start3A_333 : memref<125xi32, #tpu.memory_space<vmem>>) semaphore(%arg15 : memref<!tpu.dma_semaphore, #tpu.memory_space<semaphore_mem>>) {add = true}
      %dma_wait3A_337 = arith.constant 2 : i32
      %dma_wait3A_338 = arith.constant 0 : i32
      %dma_wait3A_339 = arith.constant 0 : i32
      %dma_wait3A_340 = arith.constant 0 : i32
      %dma_wait3A_341 = tpu.memref_slice %arg9[%dma_wait3A_337, %dma_wait3A_339, %dma_wait3A_340] : memref<4x125x32xf32, #tpu.memory_space<vmem>> -> memref<1x125x32xf32, #tpu.memory_space<vmem>>
      %dma_wait3A_342 = tpu.memref_squeeze %dma_wait3A_341 : memref<1x125x32xf32, #tpu.memory_space<vmem>> -> memref<125x32xf32, #tpu.memory_space<vmem>>
      %dma_wait3A_343 = arith.constant 0 : i32
      %dma_wait3A_344 = tpu.memref_slice %arg8[%dma_wait3A_338, %dma_wait3A_343] : memref<80x125xi32, #tpu.memory_space<vmem>> -> memref<1x125xi32, #tpu.memory_space<vmem>>
      %dma_wait3A_345 = tpu.memref_squeeze %dma_wait3A_344 : memref<1x125xi32, #tpu.memory_space<vmem>> -> memref<125xi32, #tpu.memory_space<vmem>>
      %dma_wait3A_346 = arith.constant 0 : i32
      %dma_wait3A_347 = arith.constant 0 : i32
      %dma_wait3A_348 = tpu.memref_slice %arg10[%dma_wait3A_346, %dma_wait3A_347] : memref<10240x32xf32, #tpu.memory_space<vmem_shared>> -> memref<10240x32xf32, #tpu.memory_space<vmem_shared>>
      tpu.wait_indirect_dma semaphore(%arg15 : memref<!tpu.dma_semaphore, #tpu.memory_space<semaphore_mem>>) src(%dma_wait3A_342 : memref<125x32xf32, #tpu.memory_space<vmem>>) dst(%dma_wait3A_348 : memref<10240x32xf32, #tpu.memory_space<vmem_shared>>)
      %add3A_349 = arith.constant 4 : i32
      %add3A_350 = arith.addi %add3A_313, %add3A_349 : i32
      %dma_start3A_351 = arith.constant 2 : i32
      %dma_start3A_352 = arith.constant 0 : i32
      %dma_start3A_353 = arith.constant 0 : i32
      %dma_start3A_354 = tpu.memref_slice %arg9[%dma_start3A_351, %dma_start3A_352, %dma_start3A_353] : memref<4x125x32xf32, #tpu.memory_space<vmem>> -> memref<1x125x32xf32, #tpu.memory_space<vmem>>
      %dma_start3A_355 = tpu.memref_squeeze %dma_start3A_354 : memref<1x125x32xf32, #tpu.memory_space<vmem>> -> memref<125x32xf32, #tpu.memory_space<vmem>>
      %dma_start3A_356 = arith.constant 0 : i32
      %dma_start3A_357 = tpu.memref_slice %arg7[%add3A_350, %dma_start3A_356] : memref<80x125xi32, #tpu.memory_space<vmem>> -> memref<1x125xi32, #tpu.memory_space<vmem>>
      %dma_start3A_358 = tpu.memref_squeeze %dma_start3A_357 : memref<1x125xi32, #tpu.memory_space<vmem>> -> memref<125xi32, #tpu.memory_space<vmem>>
      %dma_start3A_359 = arith.constant 0 : i32
      %dma_start3A_360 = arith.constant 0 : i32
      %dma_start3A_361 = tpu.memref_slice %arg2[%dma_start3A_359, %dma_start3A_360] : memref<10240x32xf32, #tpu.memory_space<hbm>> -> memref<10240x32xf32, #tpu.memory_space<hbm>>
      tpu.enqueue_indirect_dma source(%dma_start3A_361 : memref<10240x32xf32, #tpu.memory_space<hbm>>) target(%dma_start3A_355 : memref<125x32xf32, #tpu.memory_space<vmem>>) offsets(%dma_start3A_358 : memref<125xi32, #tpu.memory_space<vmem>>) semaphore(%arg13 : memref<!tpu.dma_semaphore, #tpu.memory_space<semaphore_mem>>)
      %mul3A_362 = arith.constant 4 : i32
      %mul3A_363 = arith.muli %mul3A_362, %scan3A_205 : i32
      %add3A_364 = arith.constant 3 : i32
      %add3A_365 = arith.addi %mul3A_363, %add3A_364 : i32
      %dma_wait3A_366 = arith.constant 0 : i32
      %dma_wait3A_367 = arith.constant 3 : i32
      %dma_wait3A_368 = arith.constant 0 : i32
      %dma_wait3A_369 = arith.constant 0 : i32
      %dma_wait3A_370 = tpu.memref_slice %arg9[%dma_wait3A_367, %dma_wait3A_368, %dma_wait3A_369] : memref<4x125x32xf32, #tpu.memory_space<vmem>> -> memref<1x125x32xf32, #tpu.memory_space<vmem>>
      %dma_wait3A_371 = tpu.memref_squeeze %dma_wait3A_370 : memref<1x125x32xf32, #tpu.memory_space<vmem>> -> memref<125x32xf32, #tpu.memory_space<vmem>>
      %dma_wait3A_372 = arith.constant 0 : i32
      %dma_wait3A_373 = tpu.memref_slice %arg7[%dma_wait3A_366, %dma_wait3A_372] : memref<80x125xi32, #tpu.memory_space<vmem>> -> memref<1x125xi32, #tpu.memory_space<vmem>>
      %dma_wait3A_374 = tpu.memref_squeeze %dma_wait3A_373 : memref<1x125xi32, #tpu.memory_space<vmem>> -> memref<125xi32, #tpu.memory_space<vmem>>
      %dma_wait3A_375 = arith.constant 0 : i32
      %dma_wait3A_376 = arith.constant 0 : i32
      %dma_wait3A_377 = tpu.memref_slice %arg2[%dma_wait3A_375, %dma_wait3A_376] : memref<10240x32xf32, #tpu.memory_space<hbm>> -> memref<10240x32xf32, #tpu.memory_space<hbm>>
      tpu.wait_indirect_dma semaphore(%arg14 : memref<!tpu.dma_semaphore, #tpu.memory_space<semaphore_mem>>) src(%dma_wait3A_377 : memref<10240x32xf32, #tpu.memory_space<hbm>>) dst(%dma_wait3A_371 : memref<125x32xf32, #tpu.memory_space<vmem>>)
      %dma_start3A_378 = arith.constant 3 : i32
      %dma_start3A_379 = arith.constant 0 : i32
      %dma_start3A_380 = arith.constant 0 : i32
      %dma_start3A_381 = tpu.memref_slice %arg9[%dma_start3A_378, %dma_start3A_379, %dma_start3A_380] : memref<4x125x32xf32, #tpu.memory_space<vmem>> -> memref<1x125x32xf32, #tpu.memory_space<vmem>>
      %dma_start3A_382 = tpu.memref_squeeze %dma_start3A_381 : memref<1x125x32xf32, #tpu.memory_space<vmem>> -> memref<125x32xf32, #tpu.memory_space<vmem>>
      %dma_start3A_383 = arith.constant 0 : i32
      %dma_start3A_384 = tpu.memref_slice %arg8[%add3A_365, %dma_start3A_383] : memref<80x125xi32, #tpu.memory_space<vmem>> -> memref<1x125xi32, #tpu.memory_space<vmem>>
      %dma_start3A_385 = tpu.memref_squeeze %dma_start3A_384 : memref<1x125xi32, #tpu.memory_space<vmem>> -> memref<125xi32, #tpu.memory_space<vmem>>
      %dma_start3A_386 = arith.constant 0 : i32
      %dma_start3A_387 = arith.constant 0 : i32
      %dma_start3A_388 = tpu.memref_slice %arg10[%dma_start3A_386, %dma_start3A_387] : memref<10240x32xf32, #tpu.memory_space<vmem_shared>> -> memref<10240x32xf32, #tpu.memory_space<vmem_shared>>
      tpu.enqueue_indirect_dma source(%dma_start3A_382 : memref<125x32xf32, #tpu.memory_space<vmem>>) target(%dma_start3A_388 : memref<10240x32xf32, #tpu.memory_space<vmem_shared>>) offsets(%dma_start3A_385 : memref<125xi32, #tpu.memory_space<vmem>>) semaphore(%arg15 : memref<!tpu.dma_semaphore, #tpu.memory_space<semaphore_mem>>) {add = true}
      %dma_wait3A_389 = arith.constant 3 : i32
      %dma_wait3A_390 = arith.constant 0 : i32
      %dma_wait3A_391 = arith.constant 0 : i32
      %dma_wait3A_392 = arith.constant 0 : i32
      %dma_wait3A_393 = tpu.memref_slice %arg9[%dma_wait3A_389, %dma_wait3A_391, %dma_wait3A_392] : memref<4x125x32xf32, #tpu.memory_space<vmem>> -> memref<1x125x32xf32, #tpu.memory_space<vmem>>
      %dma_wait3A_394 = tpu.memref_squeeze %dma_wait3A_393 : memref<1x125x32xf32, #tpu.memory_space<vmem>> -> memref<125x32xf32, #tpu.memory_space<vmem>>
      %dma_wait3A_395 = arith.constant 0 : i32
      %dma_wait3A_396 = tpu.memref_slice %arg8[%dma_wait3A_390, %dma_wait3A_395] : memref<80x125xi32, #tpu.memory_space<vmem>> -> memref<1x125xi32, #tpu.memory_space<vmem>>
      %dma_wait3A_397 = tpu.memref_squeeze %dma_wait3A_396 : memref<1x125xi32, #tpu.memory_space<vmem>> -> memref<125xi32, #tpu.memory_space<vmem>>
      %dma_wait3A_398 = arith.constant 0 : i32
      %dma_wait3A_399 = arith.constant 0 : i32
      %dma_wait3A_400 = tpu.memref_slice %arg10[%dma_wait3A_398, %dma_wait3A_399] : memref<10240x32xf32, #tpu.memory_space<vmem_shared>> -> memref<10240x32xf32, #tpu.memory_space<vmem_shared>>
      tpu.wait_indirect_dma semaphore(%arg15 : memref<!tpu.dma_semaphore, #tpu.memory_space<semaphore_mem>>) src(%dma_wait3A_394 : memref<125x32xf32, #tpu.memory_space<vmem>>) dst(%dma_wait3A_400 : memref<10240x32xf32, #tpu.memory_space<vmem_shared>>)
      %add3A_401 = arith.constant 4 : i32
      %add3A_402 = arith.addi %add3A_365, %add3A_401 : i32
      %dma_start3A_403 = arith.constant 3 : i32
      %dma_start3A_404 = arith.constant 0 : i32
      %dma_start3A_405 = arith.constant 0 : i32
      %dma_start3A_406 = tpu.memref_slice %arg9[%dma_start3A_403, %dma_start3A_404, %dma_start3A_405] : memref<4x125x32xf32, #tpu.memory_space<vmem>> -> memref<1x125x32xf32, #tpu.memory_space<vmem>>
      %dma_start3A_407 = tpu.memref_squeeze %dma_start3A_406 : memref<1x125x32xf32, #tpu.memory_space<vmem>> -> memref<125x32xf32, #tpu.memory_space<vmem>>
      %dma_start3A_408 = arith.constant 0 : i32
      %dma_start3A_409 = tpu.memref_slice %arg7[%add3A_402, %dma_start3A_408] : memref<80x125xi32, #tpu.memory_space<vmem>> -> memref<1x125xi32, #tpu.memory_space<vmem>>
      %dma_start3A_410 = tpu.memref_squeeze %dma_start3A_409 : memref<1x125xi32, #tpu.memory_space<vmem>> -> memref<125xi32, #tpu.memory_space<vmem>>
      %dma_start3A_411 = arith.constant 0 : i32
      %dma_start3A_412 = arith.constant 0 : i32
      %dma_start3A_413 = tpu.memref_slice %arg2[%dma_start3A_411, %dma_start3A_412] : memref<10240x32xf32, #tpu.memory_space<hbm>> -> memref<10240x32xf32, #tpu.memory_space<hbm>>
      tpu.enqueue_indirect_dma source(%dma_start3A_413 : memref<10240x32xf32, #tpu.memory_space<hbm>>) target(%dma_start3A_407 : memref<125x32xf32, #tpu.memory_space<vmem>>) offsets(%dma_start3A_410 : memref<125xi32, #tpu.memory_space<vmem>>) semaphore(%arg14 : memref<!tpu.dma_semaphore, #tpu.memory_space<semaphore_mem>>)
    }
    %scan3A_60 = arith.constant 19 : i32
    %dma_wait3A = arith.constant 0 : i32
    %dma_wait3A_61 = arith.constant 0 : i32
    %dma_wait3A_62 = arith.constant 0 : i32
    %dma_wait3A_63 = arith.constant 0 : i32
    %dma_wait3A_64 = tpu.memref_slice %arg9[%dma_wait3A_61, %dma_wait3A_62, %dma_wait3A_63] : memref<4x125x32xf32, #tpu.memory_space<vmem>> -> memref<1x125x32xf32, #tpu.memory_space<vmem>>
    %dma_wait3A_65 = tpu.memref_squeeze %dma_wait3A_64 : memref<1x125x32xf32, #tpu.memory_space<vmem>> -> memref<125x32xf32, #tpu.memory_space<vmem>>
    %dma_wait3A_66 = arith.constant 0 : i32
    %dma_wait3A_67 = tpu.memref_slice %arg7[%dma_wait3A, %dma_wait3A_66] : memref<80x125xi32, #tpu.memory_space<vmem>> -> memref<1x125xi32, #tpu.memory_space<vmem>>
    %dma_wait3A_68 = tpu.memref_squeeze %dma_wait3A_67 : memref<1x125xi32, #tpu.memory_space<vmem>> -> memref<125xi32, #tpu.memory_space<vmem>>
    %dma_wait3A_69 = arith.constant 0 : i32
    %dma_wait3A_70 = arith.constant 0 : i32
    %dma_wait3A_71 = tpu.memref_slice %arg2[%dma_wait3A_69, %dma_wait3A_70] : memref<10240x32xf32, #tpu.memory_space<hbm>> -> memref<10240x32xf32, #tpu.memory_space<hbm>>
    tpu.wait_indirect_dma semaphore(%arg11 : memref<!tpu.dma_semaphore, #tpu.memory_space<semaphore_mem>>) src(%dma_wait3A_71 : memref<10240x32xf32, #tpu.memory_space<hbm>>) dst(%dma_wait3A_65 : memref<125x32xf32, #tpu.memory_space<vmem>>)
    %dma_start3A_72 = arith.constant 0 : i32
    %dma_start3A_73 = arith.constant 76 : i32
    %dma_start3A_74 = arith.constant 0 : i32
    %dma_start3A_75 = arith.constant 0 : i32
    %dma_start3A_76 = tpu.memref_slice %arg9[%dma_start3A_72, %dma_start3A_74, %dma_start3A_75] : memref<4x125x32xf32, #tpu.memory_space<vmem>> -> memref<1x125x32xf32, #tpu.memory_space<vmem>>
    %dma_start3A_77 = tpu.memref_squeeze %dma_start3A_76 : memref<1x125x32xf32, #tpu.memory_space<vmem>> -> memref<125x32xf32, #tpu.memory_space<vmem>>
    %dma_start3A_78 = arith.constant 0 : i32
    %dma_start3A_79 = tpu.memref_slice %arg8[%dma_start3A_73, %dma_start3A_78] : memref<80x125xi32, #tpu.memory_space<vmem>> -> memref<1x125xi32, #tpu.memory_space<vmem>>
    %dma_start3A_80 = tpu.memref_squeeze %dma_start3A_79 : memref<1x125xi32, #tpu.memory_space<vmem>> -> memref<125xi32, #tpu.memory_space<vmem>>
    %dma_start3A_81 = arith.constant 0 : i32
    %dma_start3A_82 = arith.constant 0 : i32
    %dma_start3A_83 = tpu.memref_slice %arg10[%dma_start3A_81, %dma_start3A_82] : memref<10240x32xf32, #tpu.memory_space<vmem_shared>> -> memref<10240x32xf32, #tpu.memory_space<vmem_shared>>
    tpu.enqueue_indirect_dma source(%dma_start3A_77 : memref<125x32xf32, #tpu.memory_space<vmem>>) target(%dma_start3A_83 : memref<10240x32xf32, #tpu.memory_space<vmem_shared>>) offsets(%dma_start3A_80 : memref<125xi32, #tpu.memory_space<vmem>>) semaphore(%arg15 : memref<!tpu.dma_semaphore, #tpu.memory_space<semaphore_mem>>) {add = true}
    %dma_wait3A_84 = arith.constant 0 : i32
    %dma_wait3A_85 = arith.constant 0 : i32
    %dma_wait3A_86 = arith.constant 0 : i32
    %dma_wait3A_87 = arith.constant 0 : i32
    %dma_wait3A_88 = tpu.memref_slice %arg9[%dma_wait3A_84, %dma_wait3A_86, %dma_wait3A_87] : memref<4x125x32xf32, #tpu.memory_space<vmem>> -> memref<1x125x32xf32, #tpu.memory_space<vmem>>
    %dma_wait3A_89 = tpu.memref_squeeze %dma_wait3A_88 : memref<1x125x32xf32, #tpu.memory_space<vmem>> -> memref<125x32xf32, #tpu.memory_space<vmem>>
    %dma_wait3A_90 = arith.constant 0 : i32
    %dma_wait3A_91 = tpu.memref_slice %arg8[%dma_wait3A_85, %dma_wait3A_90] : memref<80x125xi32, #tpu.memory_space<vmem>> -> memref<1x125xi32, #tpu.memory_space<vmem>>
    %dma_wait3A_92 = tpu.memref_squeeze %dma_wait3A_91 : memref<1x125xi32, #tpu.memory_space<vmem>> -> memref<125xi32, #tpu.memory_space<vmem>>
    %dma_wait3A_93 = arith.constant 0 : i32
    %dma_wait3A_94 = arith.constant 0 : i32
    %dma_wait3A_95 = tpu.memref_slice %arg10[%dma_wait3A_93, %dma_wait3A_94] : memref<10240x32xf32, #tpu.memory_space<vmem_shared>> -> memref<10240x32xf32, #tpu.memory_space<vmem_shared>>
    tpu.wait_indirect_dma semaphore(%arg15 : memref<!tpu.dma_semaphore, #tpu.memory_space<semaphore_mem>>) src(%dma_wait3A_89 : memref<125x32xf32, #tpu.memory_space<vmem>>) dst(%dma_wait3A_95 : memref<10240x32xf32, #tpu.memory_space<vmem_shared>>)
    %dma_wait3A_96 = arith.constant 0 : i32
    %dma_wait3A_97 = arith.constant 1 : i32
    %dma_wait3A_98 = arith.constant 0 : i32
    %dma_wait3A_99 = arith.constant 0 : i32
    %dma_wait3A_100 = tpu.memref_slice %arg9[%dma_wait3A_97, %dma_wait3A_98, %dma_wait3A_99] : memref<4x125x32xf32, #tpu.memory_space<vmem>> -> memref<1x125x32xf32, #tpu.memory_space<vmem>>
    %dma_wait3A_101 = tpu.memref_squeeze %dma_wait3A_100 : memref<1x125x32xf32, #tpu.memory_space<vmem>> -> memref<125x32xf32, #tpu.memory_space<vmem>>
    %dma_wait3A_102 = arith.constant 0 : i32
    %dma_wait3A_103 = tpu.memref_slice %arg7[%dma_wait3A_96, %dma_wait3A_102] : memref<80x125xi32, #tpu.memory_space<vmem>> -> memref<1x125xi32, #tpu.memory_space<vmem>>
    %dma_wait3A_104 = tpu.memref_squeeze %dma_wait3A_103 : memref<1x125xi32, #tpu.memory_space<vmem>> -> memref<125xi32, #tpu.memory_space<vmem>>
    %dma_wait3A_105 = arith.constant 0 : i32
    %dma_wait3A_106 = arith.constant 0 : i32
    %dma_wait3A_107 = tpu.memref_slice %arg2[%dma_wait3A_105, %dma_wait3A_106] : memref<10240x32xf32, #tpu.memory_space<hbm>> -> memref<10240x32xf32, #tpu.memory_space<hbm>>
    tpu.wait_indirect_dma semaphore(%arg12 : memref<!tpu.dma_semaphore, #tpu.memory_space<semaphore_mem>>) src(%dma_wait3A_107 : memref<10240x32xf32, #tpu.memory_space<hbm>>) dst(%dma_wait3A_101 : memref<125x32xf32, #tpu.memory_space<vmem>>)
    %dma_start3A_108 = arith.constant 1 : i32
    %dma_start3A_109 = arith.constant 77 : i32
    %dma_start3A_110 = arith.constant 0 : i32
    %dma_start3A_111 = arith.constant 0 : i32
    %dma_start3A_112 = tpu.memref_slice %arg9[%dma_start3A_108, %dma_start3A_110, %dma_start3A_111] : memref<4x125x32xf32, #tpu.memory_space<vmem>> -> memref<1x125x32xf32, #tpu.memory_space<vmem>>
    %dma_start3A_113 = tpu.memref_squeeze %dma_start3A_112 : memref<1x125x32xf32, #tpu.memory_space<vmem>> -> memref<125x32xf32, #tpu.memory_space<vmem>>
    %dma_start3A_114 = arith.constant 0 : i32
    %dma_start3A_115 = tpu.memref_slice %arg8[%dma_start3A_109, %dma_start3A_114] : memref<80x125xi32, #tpu.memory_space<vmem>> -> memref<1x125xi32, #tpu.memory_space<vmem>>
    %dma_start3A_116 = tpu.memref_squeeze %dma_start3A_115 : memref<1x125xi32, #tpu.memory_space<vmem>> -> memref<125xi32, #tpu.memory_space<vmem>>
    %dma_start3A_117 = arith.constant 0 : i32
    %dma_start3A_118 = arith.constant 0 : i32
    %dma_start3A_119 = tpu.memref_slice %arg10[%dma_start3A_117, %dma_start3A_118] : memref<10240x32xf32, #tpu.memory_space<vmem_shared>> -> memref<10240x32xf32, #tpu.memory_space<vmem_shared>>
    tpu.enqueue_indirect_dma source(%dma_start3A_113 : memref<125x32xf32, #tpu.memory_space<vmem>>) target(%dma_start3A_119 : memref<10240x32xf32, #tpu.memory_space<vmem_shared>>) offsets(%dma_start3A_116 : memref<125xi32, #tpu.memory_space<vmem>>) semaphore(%arg15 : memref<!tpu.dma_semaphore, #tpu.memory_space<semaphore_mem>>) {add = true}
    %dma_wait3A_120 = arith.constant 1 : i32
    %dma_wait3A_121 = arith.constant 0 : i32
    %dma_wait3A_122 = arith.constant 0 : i32
    %dma_wait3A_123 = arith.constant 0 : i32
    %dma_wait3A_124 = tpu.memref_slice %arg9[%dma_wait3A_120, %dma_wait3A_122, %dma_wait3A_123] : memref<4x125x32xf32, #tpu.memory_space<vmem>> -> memref<1x125x32xf32, #tpu.memory_space<vmem>>
    %dma_wait3A_125 = tpu.memref_squeeze %dma_wait3A_124 : memref<1x125x32xf32, #tpu.memory_space<vmem>> -> memref<125x32xf32, #tpu.memory_space<vmem>>
    %dma_wait3A_126 = arith.constant 0 : i32
    %dma_wait3A_127 = tpu.memref_slice %arg8[%dma_wait3A_121, %dma_wait3A_126] : memref<80x125xi32, #tpu.memory_space<vmem>> -> memref<1x125xi32, #tpu.memory_space<vmem>>
    %dma_wait3A_128 = tpu.memref_squeeze %dma_wait3A_127 : memref<1x125xi32, #tpu.memory_space<vmem>> -> memref<125xi32, #tpu.memory_space<vmem>>
    %dma_wait3A_129 = arith.constant 0 : i32
    %dma_wait3A_130 = arith.constant 0 : i32
    %dma_wait3A_131 = tpu.memref_slice %arg10[%dma_wait3A_129, %dma_wait3A_130] : memref<10240x32xf32, #tpu.memory_space<vmem_shared>> -> memref<10240x32xf32, #tpu.memory_space<vmem_shared>>
    tpu.wait_indirect_dma semaphore(%arg15 : memref<!tpu.dma_semaphore, #tpu.memory_space<semaphore_mem>>) src(%dma_wait3A_125 : memref<125x32xf32, #tpu.memory_space<vmem>>) dst(%dma_wait3A_131 : memref<10240x32xf32, #tpu.memory_space<vmem_shared>>)
    %dma_wait3A_132 = arith.constant 0 : i32
    %dma_wait3A_133 = arith.constant 2 : i32
    %dma_wait3A_134 = arith.constant 0 : i32
    %dma_wait3A_135 = arith.constant 0 : i32
    %dma_wait3A_136 = tpu.memref_slice %arg9[%dma_wait3A_133, %dma_wait3A_134, %dma_wait3A_135] : memref<4x125x32xf32, #tpu.memory_space<vmem>> -> memref<1x125x32xf32, #tpu.memory_space<vmem>>
    %dma_wait3A_137 = tpu.memref_squeeze %dma_wait3A_136 : memref<1x125x32xf32, #tpu.memory_space<vmem>> -> memref<125x32xf32, #tpu.memory_space<vmem>>
    %dma_wait3A_138 = arith.constant 0 : i32
    %dma_wait3A_139 = tpu.memref_slice %arg7[%dma_wait3A_132, %dma_wait3A_138] : memref<80x125xi32, #tpu.memory_space<vmem>> -> memref<1x125xi32, #tpu.memory_space<vmem>>
    %dma_wait3A_140 = tpu.memref_squeeze %dma_wait3A_139 : memref<1x125xi32, #tpu.memory_space<vmem>> -> memref<125xi32, #tpu.memory_space<vmem>>
    %dma_wait3A_141 = arith.constant 0 : i32
    %dma_wait3A_142 = arith.constant 0 : i32
    %dma_wait3A_143 = tpu.memref_slice %arg2[%dma_wait3A_141, %dma_wait3A_142] : memref<10240x32xf32, #tpu.memory_space<hbm>> -> memref<10240x32xf32, #tpu.memory_space<hbm>>
    tpu.wait_indirect_dma semaphore(%arg13 : memref<!tpu.dma_semaphore, #tpu.memory_space<semaphore_mem>>) src(%dma_wait3A_143 : memref<10240x32xf32, #tpu.memory_space<hbm>>) dst(%dma_wait3A_137 : memref<125x32xf32, #tpu.memory_space<vmem>>)
    %dma_start3A_144 = arith.constant 2 : i32
    %dma_start3A_145 = arith.constant 78 : i32
    %dma_start3A_146 = arith.constant 0 : i32
    %dma_start3A_147 = arith.constant 0 : i32
    %dma_start3A_148 = tpu.memref_slice %arg9[%dma_start3A_144, %dma_start3A_146, %dma_start3A_147] : memref<4x125x32xf32, #tpu.memory_space<vmem>> -> memref<1x125x32xf32, #tpu.memory_space<vmem>>
    %dma_start3A_149 = tpu.memref_squeeze %dma_start3A_148 : memref<1x125x32xf32, #tpu.memory_space<vmem>> -> memref<125x32xf32, #tpu.memory_space<vmem>>
    %dma_start3A_150 = arith.constant 0 : i32
    %dma_start3A_151 = tpu.memref_slice %arg8[%dma_start3A_145, %dma_start3A_150] : memref<80x125xi32, #tpu.memory_space<vmem>> -> memref<1x125xi32, #tpu.memory_space<vmem>>
    %dma_start3A_152 = tpu.memref_squeeze %dma_start3A_151 : memref<1x125xi32, #tpu.memory_space<vmem>> -> memref<125xi32, #tpu.memory_space<vmem>>
    %dma_start3A_153 = arith.constant 0 : i32
    %dma_start3A_154 = arith.constant 0 : i32
    %dma_start3A_155 = tpu.memref_slice %arg10[%dma_start3A_153, %dma_start3A_154] : memref<10240x32xf32, #tpu.memory_space<vmem_shared>> -> memref<10240x32xf32, #tpu.memory_space<vmem_shared>>
    tpu.enqueue_indirect_dma source(%dma_start3A_149 : memref<125x32xf32, #tpu.memory_space<vmem>>) target(%dma_start3A_155 : memref<10240x32xf32, #tpu.memory_space<vmem_shared>>) offsets(%dma_start3A_152 : memref<125xi32, #tpu.memory_space<vmem>>) semaphore(%arg15 : memref<!tpu.dma_semaphore, #tpu.memory_space<semaphore_mem>>) {add = true}
    %dma_wait3A_156 = arith.constant 2 : i32
    %dma_wait3A_157 = arith.constant 0 : i32
    %dma_wait3A_158 = arith.constant 0 : i32
    %dma_wait3A_159 = arith.constant 0 : i32
    %dma_wait3A_160 = tpu.memref_slice %arg9[%dma_wait3A_156, %dma_wait3A_158, %dma_wait3A_159] : memref<4x125x32xf32, #tpu.memory_space<vmem>> -> memref<1x125x32xf32, #tpu.memory_space<vmem>>
    %dma_wait3A_161 = tpu.memref_squeeze %dma_wait3A_160 : memref<1x125x32xf32, #tpu.memory_space<vmem>> -> memref<125x32xf32, #tpu.memory_space<vmem>>
    %dma_wait3A_162 = arith.constant 0 : i32
    %dma_wait3A_163 = tpu.memref_slice %arg8[%dma_wait3A_157, %dma_wait3A_162] : memref<80x125xi32, #tpu.memory_space<vmem>> -> memref<1x125xi32, #tpu.memory_space<vmem>>
    %dma_wait3A_164 = tpu.memref_squeeze %dma_wait3A_163 : memref<1x125xi32, #tpu.memory_space<vmem>> -> memref<125xi32, #tpu.memory_space<vmem>>
    %dma_wait3A_165 = arith.constant 0 : i32
    %dma_wait3A_166 = arith.constant 0 : i32
    %dma_wait3A_167 = tpu.memref_slice %arg10[%dma_wait3A_165, %dma_wait3A_166] : memref<10240x32xf32, #tpu.memory_space<vmem_shared>> -> memref<10240x32xf32, #tpu.memory_space<vmem_shared>>
    tpu.wait_indirect_dma semaphore(%arg15 : memref<!tpu.dma_semaphore, #tpu.memory_space<semaphore_mem>>) src(%dma_wait3A_161 : memref<125x32xf32, #tpu.memory_space<vmem>>) dst(%dma_wait3A_167 : memref<10240x32xf32, #tpu.memory_space<vmem_shared>>)
    %dma_wait3A_168 = arith.constant 0 : i32
    %dma_wait3A_169 = arith.constant 3 : i32
    %dma_wait3A_170 = arith.constant 0 : i32
    %dma_wait3A_171 = arith.constant 0 : i32
    %dma_wait3A_172 = tpu.memref_slice %arg9[%dma_wait3A_169, %dma_wait3A_170, %dma_wait3A_171] : memref<4x125x32xf32, #tpu.memory_space<vmem>> -> memref<1x125x32xf32, #tpu.memory_space<vmem>>
    %dma_wait3A_173 = tpu.memref_squeeze %dma_wait3A_172 : memref<1x125x32xf32, #tpu.memory_space<vmem>> -> memref<125x32xf32, #tpu.memory_space<vmem>>
    %dma_wait3A_174 = arith.constant 0 : i32
    %dma_wait3A_175 = tpu.memref_slice %arg7[%dma_wait3A_168, %dma_wait3A_174] : memref<80x125xi32, #tpu.memory_space<vmem>> -> memref<1x125xi32, #tpu.memory_space<vmem>>
    %dma_wait3A_176 = tpu.memref_squeeze %dma_wait3A_175 : memref<1x125xi32, #tpu.memory_space<vmem>> -> memref<125xi32, #tpu.memory_space<vmem>>
    %dma_wait3A_177 = arith.constant 0 : i32
    %dma_wait3A_178 = arith.constant 0 : i32
    %dma_wait3A_179 = tpu.memref_slice %arg2[%dma_wait3A_177, %dma_wait3A_178] : memref<10240x32xf32, #tpu.memory_space<hbm>> -> memref<10240x32xf32, #tpu.memory_space<hbm>>
    tpu.wait_indirect_dma semaphore(%arg14 : memref<!tpu.dma_semaphore, #tpu.memory_space<semaphore_mem>>) src(%dma_wait3A_179 : memref<10240x32xf32, #tpu.memory_space<hbm>>) dst(%dma_wait3A_173 : memref<125x32xf32, #tpu.memory_space<vmem>>)
    %dma_start3A_180 = arith.constant 3 : i32
    %dma_start3A_181 = arith.constant 79 : i32
    %dma_start3A_182 = arith.constant 0 : i32
    %dma_start3A_183 = arith.constant 0 : i32
    %dma_start3A_184 = tpu.memref_slice %arg9[%dma_start3A_180, %dma_start3A_182, %dma_start3A_183] : memref<4x125x32xf32, #tpu.memory_space<vmem>> -> memref<1x125x32xf32, #tpu.memory_space<vmem>>
    %dma_start3A_185 = tpu.memref_squeeze %dma_start3A_184 : memref<1x125x32xf32, #tpu.memory_space<vmem>> -> memref<125x32xf32, #tpu.memory_space<vmem>>
    %dma_start3A_186 = arith.constant 0 : i32
    %dma_start3A_187 = tpu.memref_slice %arg8[%dma_start3A_181, %dma_start3A_186] : memref<80x125xi32, #tpu.memory_space<vmem>> -> memref<1x125xi32, #tpu.memory_space<vmem>>
    %dma_start3A_188 = tpu.memref_squeeze %dma_start3A_187 : memref<1x125xi32, #tpu.memory_space<vmem>> -> memref<125xi32, #tpu.memory_space<vmem>>
    %dma_start3A_189 = arith.constant 0 : i32
    %dma_start3A_190 = arith.constant 0 : i32
    %dma_start3A_191 = tpu.memref_slice %arg10[%dma_start3A_189, %dma_start3A_190] : memref<10240x32xf32, #tpu.memory_space<vmem_shared>> -> memref<10240x32xf32, #tpu.memory_space<vmem_shared>>
    tpu.enqueue_indirect_dma source(%dma_start3A_185 : memref<125x32xf32, #tpu.memory_space<vmem>>) target(%dma_start3A_191 : memref<10240x32xf32, #tpu.memory_space<vmem_shared>>) offsets(%dma_start3A_188 : memref<125xi32, #tpu.memory_space<vmem>>) semaphore(%arg15 : memref<!tpu.dma_semaphore, #tpu.memory_space<semaphore_mem>>) {add = true}
    %dma_wait3A_192 = arith.constant 3 : i32
    %dma_wait3A_193 = arith.constant 0 : i32
    %dma_wait3A_194 = arith.constant 0 : i32
    %dma_wait3A_195 = arith.constant 0 : i32
    %dma_wait3A_196 = tpu.memref_slice %arg9[%dma_wait3A_192, %dma_wait3A_194, %dma_wait3A_195] : memref<4x125x32xf32, #tpu.memory_space<vmem>> -> memref<1x125x32xf32, #tpu.memory_space<vmem>>
    %dma_wait3A_197 = tpu.memref_squeeze %dma_wait3A_196 : memref<1x125x32xf32, #tpu.memory_space<vmem>> -> memref<125x32xf32, #tpu.memory_space<vmem>>
    %dma_wait3A_198 = arith.constant 0 : i32
    %dma_wait3A_199 = tpu.memref_slice %arg8[%dma_wait3A_193, %dma_wait3A_198] : memref<80x125xi32, #tpu.memory_space<vmem>> -> memref<1x125xi32, #tpu.memory_space<vmem>>
    %dma_wait3A_200 = tpu.memref_squeeze %dma_wait3A_199 : memref<1x125xi32, #tpu.memory_space<vmem>> -> memref<125xi32, #tpu.memory_space<vmem>>
    %dma_wait3A_201 = arith.constant 0 : i32
    %dma_wait3A_202 = arith.constant 0 : i32
    %dma_wait3A_203 = tpu.memref_slice %arg10[%dma_wait3A_201, %dma_wait3A_202] : memref<10240x32xf32, #tpu.memory_space<vmem_shared>> -> memref<10240x32xf32, #tpu.memory_space<vmem_shared>>
    tpu.wait_indirect_dma semaphore(%arg15 : memref<!tpu.dma_semaphore, #tpu.memory_space<semaphore_mem>>) src(%dma_wait3A_197 : memref<125x32xf32, #tpu.memory_space<vmem>>) dst(%dma_wait3A_203 : memref<10240x32xf32, #tpu.memory_space<vmem_shared>>)
    %barrier3A_204 = arith.constant 0 : index
    tpu.barrier barrier_id(%barrier3A_204)
    "tpu.region"() ({
      %run_scoped3A = tpu.sem_alloc : memref<!tpu.dma_semaphore, #tpu.memory_space<semaphore_mem>>
      %dma_start3A_205 = arith.constant 0 : i32
      %dma_start3A_206 = tpu.memref_slice %arg6[%arg0, %mul3A_2, %dma_start3A_205] : memref<2x10240x32xf32, #tpu.memory_space<hbm>> -> memref<1x640x32xf32, #tpu.memory_space<hbm>>
      %dma_start3A_207 = tpu.memref_squeeze %dma_start3A_206 : memref<1x640x32xf32, #tpu.memory_space<hbm>> -> memref<640x32xf32, #tpu.memory_space<hbm>>
      %dma_start3A_208 = arith.constant 0 : i32
      %dma_start3A_209 = tpu.memref_slice %arg10[%mul3A_2, %dma_start3A_208] : memref<10240x32xf32, #tpu.memory_space<vmem_shared>> -> memref<640x32xf32, #tpu.memory_space<vmem_shared>>
      tpu.enqueue_dma source(%dma_start3A_209 : memref<640x32xf32, #tpu.memory_space<vmem_shared>>) target(%dma_start3A_207 : memref<640x32xf32, #tpu.memory_space<hbm>>) target_semaphore(%run_scoped3A : memref<!tpu.dma_semaphore, #tpu.memory_space<semaphore_mem>>)
      %dma_wait3A_210 = arith.constant 0 : i32
      %dma_wait3A_211 = tpu.memref_slice %arg6[%arg0, %mul3A_2, %dma_wait3A_210] : memref<2x10240x32xf32, #tpu.memory_space<hbm>> -> memref<1x640x32xf32, #tpu.memory_space<hbm>>
      %dma_wait3A_212 = tpu.memref_squeeze %dma_wait3A_211 : memref<1x640x32xf32, #tpu.memory_space<hbm>> -> memref<640x32xf32, #tpu.memory_space<hbm>>
      %dma_wait3A_213 = arith.constant 0 : i32
      %dma_wait3A_214 = tpu.memref_slice %arg10[%mul3A_2, %dma_wait3A_213] : memref<10240x32xf32, #tpu.memory_space<vmem_shared>> -> memref<640x32xf32, #tpu.memory_space<vmem_shared>>
      tpu.wait_dma2 semaphore(%run_scoped3A : memref<!tpu.dma_semaphore, #tpu.memory_space<semaphore_mem>>) src(%dma_wait3A_214 : memref<640x32xf32, #tpu.memory_space<vmem_shared>>) dst(%dma_wait3A_212 : memref<640x32xf32, #tpu.memory_space<hbm>>)
      tpu.yield
    }) : () -> ()
    return
  }
}

module attributes {stable_mosaic.version = 14 : i64} {
  func.func @body(%arg0: memref<10000x128xf32, #tpu.memory_space<vmem>>, %arg1: memref<128x32xf32, #tpu.memory_space<vmem>>, %arg2: memref<2x10240x8xf32, #tpu.memory_space<vmem>>, %arg3: memref<10240x32xf32, #tpu.memory_space<vmem>>, %arg4: memref<10000x1xf32, #tpu.memory_space<vmem>>) attributes {dimension_semantics = [], scalar_prefetch = 0 : i64, scratch_operands = 0 : i64, tpu.core_type = #tpu.core_type<tc>} {
    %get3A = arith.constant 0 : index
    %get3A_0 = arith.constant 0 : index
    %get3A_1 = vector.load %arg0[%get3A, %get3A_0] : memref<10000x128xf32, #tpu.memory_space<vmem>>, vector<10000x128xf32>
    %get3A_2 = arith.constant 0 : index
    %get3A_3 = arith.constant 0 : index
    %get3A_4 = vector.load %arg1[%get3A_2, %get3A_3] : memref<128x32xf32, #tpu.memory_space<vmem>>, vector<128x32xf32>
    %dot_general3A = arith.constant dense<0.000000e+00> : vector<10000x32xf32>
    %dot_general3A_5 = tpu.matmul %get3A_1, %get3A_4, %dot_general3A {dimension_numbers = #tpu.dot_dimension_numbers<[1], [0], [0], [1], [0, 0, 1, 1], [], []>, transpose_lhs_hint = false} : vector<10000x128xf32>, vector<128x32xf32>, vector<10000x32xf32> -> vector<10000x32xf32>
    %get3A_6 = arith.constant 0 : index
    %get3A_7 = arith.constant 0 : index
    %get3A_8 = arith.constant 0 : index
    %get3A_9 = vector.load %arg2[%get3A_6, %get3A_7, %get3A_8] : memref<2x10240x8xf32, #tpu.memory_space<vmem>>, vector<1x10240x8xf32>
    %get3A_10 = vector.shape_cast %get3A_9 : vector<1x10240x8xf32> to vector<10240x8xf32>
    %get3A_11 = arith.constant 1 : index
    %get3A_12 = arith.constant 0 : index
    %get3A_13 = arith.constant 0 : index
    %get3A_14 = vector.load %arg2[%get3A_11, %get3A_12, %get3A_13] : memref<2x10240x8xf32, #tpu.memory_space<vmem>>, vector<1x10240x8xf32>
    %get3A_15 = vector.shape_cast %get3A_14 : vector<1x10240x8xf32> to vector<10240x8xf32>
    %add3A = arith.addf %get3A_10, %get3A_15 : vector<10240x8xf32>
    %slice3A = vector.extract_strided_slice %add3A {offsets = [0, 0], sizes = [10000, 1], strides = [1, 1]} : vector<10240x8xf32> to vector<10000x1xf32>
    %add3A_16 = arith.constant 1.000000e+00 : f32
    %add3A_17 = vector.broadcast %add3A_16 : f32 to vector<10000x1xf32>
    %add3A_18 = arith.addf %slice3A, %add3A_17 : vector<10000x1xf32>
    %rsqrt3A = math.rsqrt %add3A_18 : vector<10000x1xf32>
    %swap3A = arith.constant 0 : index
    %swap3A_19 = arith.constant 0 : index
    %swap3A_20 = vector.load %arg4[%swap3A, %swap3A_19] : memref<10000x1xf32, #tpu.memory_space<vmem>>, vector<10000x1xf32>
    tpu.vector_store %arg4[%swap3A, %swap3A_19], %rsqrt3A {strides = array<i32>} : memref<10000x1xf32, #tpu.memory_space<vmem>>, vector<10000x1xf32>,
    %mul3A = vector.broadcast %rsqrt3A : vector<10000x1xf32> to vector<10000x32xf32>
    %mul3A_21 = arith.mulf %dot_general3A_5, %mul3A : vector<10000x32xf32>
    %swap3A_22 = arith.constant 0 : index
    %swap3A_23 = arith.constant 0 : index
    %swap3A_24 = vector.load %arg3[%swap3A_22, %swap3A_23] : memref<10240x32xf32, #tpu.memory_space<vmem>>, vector<10000x32xf32>
    tpu.vector_store %arg3[%swap3A_22, %swap3A_23], %mul3A_21 {strides = array<i32>} : memref<10240x32xf32, #tpu.memory_space<vmem>>, vector<10000x32xf32>,
    %broadcast_in_dim3A = arith.constant 0.000000e+00 : f32
    %broadcast_in_dim3A_25 = vector.broadcast %broadcast_in_dim3A : f32 to vector<240x32xf32>
    %swap3A_26 = arith.constant 10000 : index
    %swap3A_27 = arith.constant 0 : index
    %swap3A_28 = vector.load %arg3[%swap3A_26, %swap3A_27] : memref<10240x32xf32, #tpu.memory_space<vmem>>, vector<240x32xf32>
    tpu.vector_store %arg3[%swap3A_26, %swap3A_27], %broadcast_in_dim3A_25 {strides = array<i32>} : memref<10240x32xf32, #tpu.memory_space<vmem>>, vector<240x32xf32>,
    return
  }
}

module attributes {stable_mosaic.version = 14 : i64} {
  func.func @body(%arg0: memref<2x10240x32xf32, #tpu.memory_space<vmem>>, %arg1: memref<10000x1xf32, #tpu.memory_space<vmem>>, %arg2: memref<1x32xf32, #tpu.memory_space<vmem>>, %arg3: memref<32x32xf32, #tpu.memory_space<vmem>>, %arg4: memref<10240x32xf32, #tpu.memory_space<vmem>>) attributes {dimension_semantics = [], scalar_prefetch = 0 : i64, scratch_operands = 0 : i64, tpu.core_type = #tpu.core_type<tc>} {
    %get3A = arith.constant 0 : index
    %get3A_0 = arith.constant 0 : index
    %get3A_1 = arith.constant 0 : index
    %get3A_2 = vector.load %arg0[%get3A, %get3A_0, %get3A_1] : memref<2x10240x32xf32, #tpu.memory_space<vmem>>, vector<1x10000x32xf32>
    %get3A_3 = vector.shape_cast %get3A_2 : vector<1x10000x32xf32> to vector<10000x32xf32>
    %get3A_4 = arith.constant 1 : index
    %get3A_5 = arith.constant 0 : index
    %get3A_6 = arith.constant 0 : index
    %get3A_7 = vector.load %arg0[%get3A_4, %get3A_5, %get3A_6] : memref<2x10240x32xf32, #tpu.memory_space<vmem>>, vector<1x10000x32xf32>
    %get3A_8 = vector.shape_cast %get3A_7 : vector<1x10000x32xf32> to vector<10000x32xf32>
    %add3A = arith.addf %get3A_3, %get3A_8 : vector<10000x32xf32>
    %get3A_9 = arith.constant 0 : index
    %get3A_10 = arith.constant 0 : index
    %get3A_11 = vector.load %arg1[%get3A_9, %get3A_10] : memref<10000x1xf32, #tpu.memory_space<vmem>>, vector<10000x1xf32>
    %mul3A = vector.broadcast %get3A_11 : vector<10000x1xf32> to vector<10000x32xf32>
    %mul3A_12 = arith.mulf %add3A, %mul3A : vector<10000x32xf32>
    %get3A_13 = arith.constant 0 : index
    %get3A_14 = arith.constant 0 : index
    %get3A_15 = vector.load %arg2[%get3A_13, %get3A_14] : memref<1x32xf32, #tpu.memory_space<vmem>>, vector<1x32xf32>
    %add3A_16 = vector.broadcast %get3A_15 : vector<1x32xf32> to vector<10000x32xf32>
    %add3A_17 = arith.addf %mul3A_12, %add3A_16 : vector<10000x32xf32>
    %max3A = arith.constant 0.000000e+00 : f32
    %max3A_18 = vector.broadcast %max3A : f32 to vector<10000x32xf32>
    %max3A_19 = arith.maximumf %add3A_17, %max3A_18 : vector<10000x32xf32>
    %get3A_20 = arith.constant 0 : index
    %get3A_21 = arith.constant 0 : index
    %get3A_22 = vector.load %arg3[%get3A_20, %get3A_21] : memref<32x32xf32, #tpu.memory_space<vmem>>, vector<32x32xf32>
    %dot_general3A = arith.constant dense<0.000000e+00> : vector<10000x32xf32>
    %dot_general3A_23 = tpu.matmul %max3A_19, %get3A_22, %dot_general3A {dimension_numbers = #tpu.dot_dimension_numbers<[1], [0], [0], [1], [0, 0, 1, 1], [], []>, transpose_lhs_hint = false} : vector<10000x32xf32>, vector<32x32xf32>, vector<10000x32xf32> -> vector<10000x32xf32>
    %mul3A_24 = vector.broadcast %get3A_11 : vector<10000x1xf32> to vector<10000x32xf32>
    %mul3A_25 = arith.mulf %dot_general3A_23, %mul3A_24 : vector<10000x32xf32>
    %swap3A = arith.constant 0 : index
    %swap3A_26 = arith.constant 0 : index
    %swap3A_27 = vector.load %arg4[%swap3A, %swap3A_26] : memref<10240x32xf32, #tpu.memory_space<vmem>>, vector<10000x32xf32>
    tpu.vector_store %arg4[%swap3A, %swap3A_26], %mul3A_25 {strides = array<i32>} : memref<10240x32xf32, #tpu.memory_space<vmem>>, vector<10000x32xf32>,
    %broadcast_in_dim3A = arith.constant 0.000000e+00 : f32
    %broadcast_in_dim3A_28 = vector.broadcast %broadcast_in_dim3A : f32 to vector<240x32xf32>
    %swap3A_29 = arith.constant 10000 : index
    %swap3A_30 = arith.constant 0 : index
    %swap3A_31 = vector.load %arg4[%swap3A_29, %swap3A_30] : memref<10240x32xf32, #tpu.memory_space<vmem>>, vector<240x32xf32>
    tpu.vector_store %arg4[%swap3A_29, %swap3A_30], %broadcast_in_dim3A_28 {strides = array<i32>} : memref<10240x32xf32, #tpu.memory_space<vmem>>, vector<240x32xf32>,
    return
  }
}

module attributes {stable_mosaic.version = 14 : i64} {
  func.func @body(%arg0: memref<2x10240x32xf32, #tpu.memory_space<vmem>>, %arg1: memref<10000x1xf32, #tpu.memory_space<vmem>>, %arg2: memref<1x32xf32, #tpu.memory_space<vmem>>, %arg3: memref<1x10000xi32, #tpu.memory_space<vmem>>, %arg4: memref<32x2xf32, #tpu.memory_space<vmem>>, %arg5: memref<1x2xf32, #tpu.memory_space<vmem>>, %arg6: memref<64x2xf32, #tpu.memory_space<vmem>>) attributes {dimension_semantics = [], scalar_prefetch = 0 : i64, scratch_operands = 0 : i64, tpu.core_type = #tpu.core_type<tc>} {
    %get3A = arith.constant 0 : index
    %get3A_0 = arith.constant 0 : index
    %get3A_1 = arith.constant 0 : index
    %get3A_2 = vector.load %arg0[%get3A, %get3A_0, %get3A_1] : memref<2x10240x32xf32, #tpu.memory_space<vmem>>, vector<1x10000x32xf32>
    %get3A_3 = vector.shape_cast %get3A_2 : vector<1x10000x32xf32> to vector<10000x32xf32>
    %get3A_4 = arith.constant 1 : index
    %get3A_5 = arith.constant 0 : index
    %get3A_6 = arith.constant 0 : index
    %get3A_7 = vector.load %arg0[%get3A_4, %get3A_5, %get3A_6] : memref<2x10240x32xf32, #tpu.memory_space<vmem>>, vector<1x10000x32xf32>
    %get3A_8 = vector.shape_cast %get3A_7 : vector<1x10000x32xf32> to vector<10000x32xf32>
    %add3A = arith.addf %get3A_3, %get3A_8 : vector<10000x32xf32>
    %get3A_9 = arith.constant 0 : index
    %get3A_10 = arith.constant 0 : index
    %get3A_11 = vector.load %arg1[%get3A_9, %get3A_10] : memref<10000x1xf32, #tpu.memory_space<vmem>>, vector<10000x1xf32>
    %mul3A = vector.broadcast %get3A_11 : vector<10000x1xf32> to vector<10000x32xf32>
    %mul3A_12 = arith.mulf %add3A, %mul3A : vector<10000x32xf32>
    %get3A_13 = arith.constant 0 : index
    %get3A_14 = arith.constant 0 : index
    %get3A_15 = vector.load %arg2[%get3A_13, %get3A_14] : memref<1x32xf32, #tpu.memory_space<vmem>>, vector<1x32xf32>
    %add3A_16 = vector.broadcast %get3A_15 : vector<1x32xf32> to vector<10000x32xf32>
    %add3A_17 = arith.addf %mul3A_12, %add3A_16 : vector<10000x32xf32>
    %max3A = arith.constant 0.000000e+00 : f32
    %max3A_18 = vector.broadcast %max3A : f32 to vector<10000x32xf32>
    %max3A_19 = arith.maximumf %add3A_17, %max3A_18 : vector<10000x32xf32>
    %iota3A = tpu.iota {dimensions = array<i32: 0>} : vector<64x10000xi32>
    %get3A_20 = arith.constant 0 : index
    %get3A_21 = arith.constant 0 : index
    %get3A_22 = vector.load %arg3[%get3A_20, %get3A_21] : memref<1x10000xi32, #tpu.memory_space<vmem>>, vector<1x10000xi32>
    %eq3A = vector.broadcast %get3A_22 : vector<1x10000xi32> to vector<64x10000xi32>
    %eq3A_23 = arith.cmpi eq, %eq3A, %iota3A : vector<64x10000xi32>
    %convert_element_type3A = arith.extui %eq3A_23 : vector<64x10000xi1> to vector<64x10000xi32>
    %convert_element_type3A_24 = arith.sitofp %convert_element_type3A : vector<64x10000xi32> to vector<64x10000xf32>
    %dot_general3A = arith.constant dense<0.000000e+00> : vector<64x32xf32>
    %dot_general3A_25 = tpu.matmul %convert_element_type3A_24, %max3A_19, %dot_general3A {dimension_numbers = #tpu.dot_dimension_numbers<[1], [0], [0], [1], [0, 0, 1, 1], [], []>, transpose_lhs_hint = false} : vector<64x10000xf32>, vector<10000x32xf32>, vector<64x32xf32> -> vector<64x32xf32>
    %reduce_sum3A = arith.constant dense<0.000000e+00> : vector<64xf32>
    %reduce_sum3A_26 = vector.multi_reduction <add>, %convert_element_type3A_24, %reduce_sum3A [1] : vector<64x10000xf32> to vector<64xf32>
    %broadcast_in_dim3A = vector.shape_cast %reduce_sum3A_26 : vector<64xf32> to vector<64x1xf32>
    %max3A_27 = arith.constant 1.000000e+00 : f32
    %max3A_28 = vector.broadcast %max3A_27 : f32 to vector<64x1xf32>
    %max3A_29 = arith.maximumf %broadcast_in_dim3A, %max3A_28 : vector<64x1xf32>
    %div3A = vector.broadcast %max3A_29 : vector<64x1xf32> to vector<64x32xf32>
    %div3A_30 = arith.divf %dot_general3A_25, %div3A : vector<64x32xf32>
    %get3A_31 = arith.constant 0 : index
    %get3A_32 = arith.constant 0 : index
    %get3A_33 = vector.load %arg4[%get3A_31, %get3A_32] : memref<32x2xf32, #tpu.memory_space<vmem>>, vector<32x2xf32>
    %dot_general3A_34 = arith.constant dense<0.000000e+00> : vector<64x2xf32>
    %dot_general3A_35 = tpu.matmul %div3A_30, %get3A_33, %dot_general3A_34 {dimension_numbers = #tpu.dot_dimension_numbers<[1], [0], [0], [1], [0, 0, 1, 1], [], []>, transpose_lhs_hint = false} : vector<64x32xf32>, vector<32x2xf32>, vector<64x2xf32> -> vector<64x2xf32>
    %get3A_36 = arith.constant 0 : index
    %get3A_37 = arith.constant 0 : index
    %get3A_38 = vector.load %arg5[%get3A_36, %get3A_37] : memref<1x2xf32, #tpu.memory_space<vmem>>, vector<1x2xf32>
    %add3A_39 = vector.broadcast %get3A_38 : vector<1x2xf32> to vector<64x2xf32>
    %add3A_40 = arith.addf %dot_general3A_35, %add3A_39 : vector<64x2xf32>
    %swap3A = arith.constant 0 : index
    %swap3A_41 = arith.constant 0 : index
    %swap3A_42 = vector.load %arg6[%swap3A, %swap3A_41] : memref<64x2xf32, #tpu.memory_space<vmem>>, vector<64x2xf32>
    tpu.vector_store %arg6[%swap3A, %swap3A_41], %add3A_40 {strides = array<i32>} : memref<64x2xf32, #tpu.memory_space<vmem>>, vector<64x2xf32>,
    return
  }
}

</mosaic_0001>

<sc_bundles>
// kernel: kernel.11.cloned.1.call-start
scs
__scs_entry_jumppad:
0x0: {  	(pc) =	sbr.rel $0x88, $3  }
0x1: {  	(tag) =	ssettag $0x0;
	lr =	simm.s32 $0x1  }
0x2: {  	[smem:$0x3F98] =	sst lr;
	_ =	strace $0xD0000000  }
0x3: {  	_ = 	snop  }
0x4: {  	_ = 	snop  }
0x5: {  	_ = 	snop  }
0x6: {  	_ = 	snop  }
0x7: {  	_ = 	snop  }
__scs_overlays_trampoline_lowered:
0x8: {  	[smem:$0x3FA7] =	sst s0  }
0x9: {  	[smem:$0x3FA8] =	sst s1  }
0xa: {  	[smem:$0x3FA9] =	sst s2  }
0xb: {  	[smem:$0x3FAA] =	sst s3  }
0xc: {  	[smem:$0x3FAB] =	sst s4  }
0xd: {  	[smem:$0x3FAC] =	sst s5  }
0xe: {  	[smem:$0x3FAD] =	sst s6  }
0xf: {  	[smem:$0x3FAE] =	sst s7  }
0x10: {  	[smem:$0x3FAF] =	sst s8  }
0x11: {  	[smem:$0x3FB0] =	sst s9;
	s0 =	simm.s32 @!p0 $0x0  }
0x12: {  	s1 =	sld [smem:$0x3F96];
	s0 =	simm.s32 @p0 $0x1  }
0x13: {  	[smem:$0x3FB1] =	sst s0;
	s0 =	simm.s32 @!p1 $0x0  }
0x14: {  	s2 =	sld [smem:$0x3F95];
	s0 =	simm.s32 @p1 $0x1  }
0x15: {  	[smem:$0x3FB2] =	sst s0;
	s0 =	simm.s32 @!p2 $0x0  }
0x16: {  	s3 =	sld [smem:$0x3FDB];
	s0 =	simm.s32 @p2 $0x1  }
0x17: {  	s4 =	simm.s32 $0x1BF5;
	[smem:$0x3FB4] =	sst s0  }
0x18: {  	s0 =	sld [smem:$0x3F97];
	_ =	swait.ge [sflag:s4], $0x0  }
0x19: {  	s7 =	sld [smem:$0x3F98]  }
0x1a: {  	s8 =	sadd.s32 $0xFFFFE003, lr  }
0x1b: {  	s9 =	sadd.s32 $0xFFFFFEF7, lr;
	s5 =	simm.s32 $0xFFFFFFFF;
	p2 =	slt.u32 s8, $0xFFFFF086  }
0x1c: {  	p1 =	slt.u32 s9, $0xF7A;
	s5 =	simm.s32 @!p2 $0x0  }
0x1d: {  	s5 =	simm.s32 @p1 $0x1;
	p0 =	seq.s32 s7, s2  }
0x1e: {  	s7 =	smul.u32 @!p0 $0xF7A, s2;
	p2 =	seq.s32 @!p0 s5, $0x0  }
0x1f: {  	s9 =	smul.u32 $0xF7A, s1;
	s8 =	simm.s32 @!p0 $0x1BF5;
	p2 =	por !p2, p0  }
0x20: {  	[sflag:s8] =	ssyncset.s32 @!p0 $0xFFFFF086;
	s6 =	sadd.s32 @!p0 s3, s7;
	s7 =	simm.s32 @!p0 $0x108  }
0x21: {  	s3 =	sadd.s32 s3, s9;
	s6 =	sadd.s32 @!p0 $0x88, s6;
	s7 =	simm.s32 @p2 $0x1082  }
0x22: {  	[simem:s7], [sflag:s8] =	dma.local @!p0 [hbm:s6], $0xF7A  }
0x23: {  	s9 =	sor.u32 $0xD0000000, s2;
	s6 =	simm.s32 $0x108;
	_ =	swait.ge @!p0 [sflag:s8], $0x0  }
0x24: {  	s3 =	sadd.s32 $0x88, s3;
	s6 =	simm.s32 @!p1 $0x1082;
	[sflag:s4] =	ssyncset.s32 $0xFFFFF086  }
0x25: {  	[simem:s6], [sflag:s4] =	dma.local [hbm:s3], $0xF7A  }
0x26: {  	[smem:$0x3F98] =	sst s1;
	(tag) =	ssettag s2;
	_ =	strace s9  }
0x27: {  	s1 =	sld [smem:$0x3FA8]  }
0x28: {  	s2 =	sld [smem:$0x3FA9]  }
0x29: {  	s4 =	sld [smem:$0x3FAB]  }
0x2a: {  	p0 =	seq.s32 s5, $0x0;
	s5 =	sld [smem:$0x3FAC]  }
0x2b: {  	s6 =	sld [smem:$0x3FAD]  }
0x2c: {  	s7 =	sld [smem:$0x3FAE]  }
0x2d: {  	s3 =	simm.s32 $0x108;
	s8 =	sld [smem:$0x3FAF]  }
0x2e: {  	s3 =	simm.s32 @!p0 $0x1082;
	s9 =	sld [smem:$0x3FB0]  }
0x2f: {  	lr =	sadd.s32 s0, s3;
	s0 =	sld [smem:$0x3FA7]  }
0x30: {  	s3 =	sld [smem:$0x3FAA]  }
0x31: {  	[smem:$0x3FB3] =	sst s10  }
0x32: {  	s10 =	sld [smem:$0x3FB1];
	_ =	sdelay $0x3  }
0x33: {  	p0 =	seq.s32 s10, $0x1;
	s10 =	sld [smem:$0x3FB3];
	_ =	sdelay $0x3  }
0x34: {  	[smem:$0x3FB3] =	sst s10  }
0x35: {  	s10 =	sld [smem:$0x3FB2];
	_ =	sdelay $0x3  }
0x36: {  	p1 =	seq.s32 s10, $0x1;
	s10 =	sld [smem:$0x3FB3];
	_ =	sdelay $0x3  }
0x37: {  	[smem:$0x3FB3] =	sst s10  }
0x38: {  	s10 =	sld [smem:$0x3FB4]  }
0x39: {  	_ = 	snop;
	(pc) =	sbr.ind lr, $3  }
0x3a: {  	_ = 	snop  }
0x3b: {  	_ = 	snop  }
0x3c: {  	p2 =	seq.s32 s10, $0x1;
	s10 =	sld [smem:$0x3FB3]  }
0x3d: {  	_ =	shalt  }
0x3e: {  	_ =	shalt  }
0x3f: {  	_ =	shalt  }
0x40: {  	_ =	shalt  }
0x41: {  	_ =	shalt  }
0x42: {  	_ =	shalt  }
0x43: {  	_ =	shalt  }
0x44: {  	_ =	shalt  }
0x45: {  	_ =	shalt  }
0x46: {  	_ =	shalt  }
0x47: {  	_ =	shalt  }
0x48: {  	_ =	shalt  }
0x49: {  	_ =	shalt  }
0x4a: {  	_ =	shalt  }
0x4b: {  	_ =	shalt  }
0x4c: {  	_ =	shalt  }
0x4d: {  	_ =	shalt  }
0x4e: {  	_ =	shalt  }
0x4f: {  	_ =	shalt  }
0x50: {  	_ =	shalt  }
0x51: {  	_ =	shalt  }
0x52: {  	_ =	shalt  }
0x53: {  	_ =	shalt  }
0x54: {  	_ =	shalt  }
0x55: {  	_ =	shalt  }
0x56: {  	_ =	shalt  }
0x57: {  	_ =	shalt  }
0x58: {  	_ =	shalt  }
0x59: {  	_ =	shalt  }
0x5a: {  	_ =	shalt  }
0x5b: {  	_ =	shalt  }
0x5c: {  	_ =	shalt  }
0x5d: {  	_ =	shalt  }
0x5e: {  	_ =	shalt  }
0x5f: {  	_ =	shalt  }
0x60: {  	_ =	shalt  }
0x61: {  	_ =	shalt  }
0x62: {  	_ =	shalt  }
0x63: {  	_ =	shalt  }
0x64: {  	_ =	shalt  }
0x65: {  	_ =	shalt  }
0x66: {  	_ =	shalt  }
0x67: {  	_ =	shalt  }
0x68: {  	_ =	shalt  }
0x69: {  	_ =	shalt  }
0x6a: {  	_ =	shalt  }
0x6b: {  	_ =	shalt  }
0x6c: {  	_ =	shalt  }
0x6d: {  	_ =	shalt  }
0x6e: {  	_ =	shalt  }
0x6f: {  	_ =	shalt  }
0x70: {  	_ =	shalt  }
0x71: {  	_ =	shalt  }
0x72: {  	_ =	shalt  }
0x73: {  	_ =	shalt  }
0x74: {  	_ =	shalt  }
0x75: {  	_ =	shalt  }
0x76: {  	_ =	shalt  }
0x77: {  	_ =	shalt  }
0x78: {  	_ =	shalt  }
0x79: {  	_ =	shalt  }
0x7a: {  	_ =	shalt  }
0x7b: {  	_ =	shalt  }
0x7c: {  	_ =	shalt  }
0x7d: {  	_ =	shalt  }
0x7e: {  	_ =	shalt  }
0x7f: {  	_ =	shalt  }
0x80: {  	_ =	shalt  }
0x81: {  	_ =	shalt  }
0x82: {  	_ =	shalt  }
0x83: {  	_ =	shalt  }
0x84: {  	_ =	shalt  }
0x85: {  	_ =	shalt  }
0x86: {  	_ =	shalt  }
0x87: {  	_ =	shalt  }
.Lfunc_end0:
.L_simem_size_0:
called_computation.1_lowered:
.L_overlay_start_0:
0x88: {  	s2 =	sld [smem:$0x3FD9]  }
0x89: {  	s3 =	sld [smem:$0x3FFE];
	_ =	sdelay $0x1  }
0x8a: {  	s1 =	srdreg.scid  }
0x8b: {  	s0 =	sand.u32 $0x1, s1  }
0x8c: {  	s16 =	sshll.u32 s0, $0xA;
	s2 =	sadd.s32 s3, s2  }
0x8d: {  	s2 =	sadd.s32 s2, s16  }
0x8e: {  	[smem:$0x3FBF] =	sst s2  }
0x8f: {  	_ = 	snop  }
0x90: {  	(tm) =	ssettm $0x1  }
0x91: {  	s17 =	sld [smem:$0x3FFB];
	_ =	sdelay $0x3  }
0x92: {  	_ =	strace s17  }
0x93: {  	s2 =	sld [smem:$0x3FFC];
	_ =	sdelay $0x3  }
0x94: {  	_ =	strace s2  }
0x95: {  	s2 =	sld [smem:$0x3FFD];
	_ =	sdelay $0x3  }
0x96: {  	_ =	strace s2  }
0x97: {  	_ =	strace $0x8FFFFFFF  }
0x98: {  	s18 =	sld [smem:$0x3FDB];
	_ =	sdelay $0x1  }
0x99: {  	s19 =	simm.s32 $_scs_section_size  }
0x9a: {  	s4 =	simm.s32 $_size__tile_overlayer_lowered;
	s5 =	simm.s32 $_tile_overlayer_lowered  }
0x9b: {  	s22 =	simm.s32 $0x1BFF;
	s21 =	sshll.u32 s5, $0x1;
	s2 =	sadd.s32 s19, s18  }
0x9c: {  	s6 =	simm.s32 $0x0;
	s20 =	sshll.u32 s4, $0x1;
	s4 =	sadd.s32 s21, s2  }
0x9d: {  	[timem:s6], [sflag:s22] =	dma.local [hbm:s4], s20  }
0x9e: {  	_ =	swait.ge [sflag:s22], s20  }
0x9f: {  	s3 =	ssub.s32 $0x0, s20;
	[sflag:s22] =	ssyncset.done $0x0  }
0xa0: {  	[sflag:s22] =	ssyncadd.s32 s3;
	_ =	sdelay $0x1  }
0xa1: {  	s23 =	simm.s32 $0x1B8B  }
0xa2: {  	_ =	swait.ge [sflag:s23], $0x1  }
0xa3: {  	[sflag:s23] =	ssyncset.done $0x0  }
0xa4: {  	s25 =	simm.s32 $0x1B8E;
	s24 =	sld [smem:$0x3FFE];
	[sflag:s23] =	ssyncadd.s32 $0xFFFFFFFF  }
0xa5: {  	s26 =	simm.s32 $execute0_lowered;
	[smem:$0x3FD2] =	sst s25  }
0xa6: {  	s4 =	sshll.u32 s26, $0x1;
	_ =	strace $0x80000049;
	[dreg:$0x1] =	wrdreg $0xFFFFFFFF  }
0xa7: {  	s28 =	simm.s32 $_size_execute0_lowered;
	s2 =	sadd.s32 s2, s4;
	[dreg:$0x0] =	wrdreg $0x0  }
0xa8: {  	s4 =	sshll.u32 s28, $0x1;
	[dreg:$0x2] =	wrdreg s2  }
0xa9: {  	[dreg:$0x3] =	wrdreg s4  }
0xaa: {  	[dreg:$0x4] =	wrdreg $0xC0  }
0xab: {  	_ =	task [dreg:s6], $0x5FFFF  }
0xac: {  	[dreg:$0x1] =	wrdreg $0xFFFFFFFF  }
0xad: {  	[dreg:$0x0] =	wrdreg $0x60  }
0xae: {  	[dreg:$0x2] =	wrdreg s24  }
0xaf: {  	[dreg:$0x3] =	wrdreg $0x8E800  }
0xb0: {  	[dreg:$0x4] =	wrdreg $0x9  }
0xb1: {  	_ =	task.clear_ibuf [dreg:s6], $0x5FFFF;
	_ =	strace $0x90000049  }
0xb2: {  	s29 =	simm.s32 $0x9;
	_ =	strace $0x8000004B  }
0xb3: {  	_ =	swait.ge [sflag:s29], $0x1  }
0xb4: {  	[sflag:s29] =	ssyncadd.s32 $0xFFFFFFFF  }
0xb5: {  	_ =	strace $0x9000004B  }
0xb6: {  	_ =	sfence  }
0xb7: {  	s30 =	sld [smem:$0x0];
	_ =	sdelay $0x2  }
0xb8: {  	s31 =	sshll.u32 s1, $0xD;
	s1 =	sshrl.u32 s1, $0x2  }
0xb9: {  	s3 =	sand.u32 $0x4000, s31;
	s1 =	sadd.s32 s1, s30  }
0xba: {  	s0 =	sor.u32 s3, s0;
	s1 =	sshll.u32 s1, $0x11  }
0xbb: {  	s0 =	sor.u32 s1, s0  }
0xbc: {  	s0 =	sadd.s32 $0x8F2B, s0  }
0xbd: {  	[sflag:s0] =	ssyncadd.remote.s32 $0x1  }
0xbe: {  	_ =	sfence.sel $0xFFFF  }
0xbf: {  	[dreg:$0x0] =	wrdreg $0xFFFFFFFF;
	(pc) =	sbr.abs _section_cstart, $3  }
0xc0: {  	[dreg:$0x1] =	wrdreg $0xFFFFFFFF  }
0xc1: {  	_ =	task.clear_ibuf [dreg:s6], $0x2FFFF;
	_ =	strace $0x9FFFFFFF  }
0xc2: {  	(tm) =	ssettm $0x7FFFFFFF  }
0xc3: {  	_ =	shalt  }
tec
execute0_lowered:
.L_overlay_start_1:
0x0: {  	(tag) =	ssettag $0x1  }
0x1: {  	s0 =	rddreg [dreg:$0x0]  }
0x2: {  	s2 =	rddreg [dreg:$0x1]  }
0x3: {  	s1 =	srdreg.scid;
	s11 =	stileid.u32  }
0x4: {  	s3 =	simm.s32 $0x0;
	s14 =	simm.s32 $0x7D;
	s15 =	simm.s32 $0x5000  }
0x5: {  	s17 =	simm.s32 $0x5FA0;
	s18 =	simm.s32 $0x100;
	s19 =	simm.s32 $0x6F40  }
0x6: {  	s20 =	simm.s32 $0x180;
	s21 =	simm.s32 $0x7EE0;
	s22 =	simm.s32 $0x1  }
0x7: {  	s23 =	simm.s32 $0x5;
	s28 =	simm.s32 $0x4E00;
	s29 =	simm.s32 $0x4E80  }
0x8: {  	s30 =	simm.s32 $0x4F00;
	s31 =	simm.s32 $0x4F80;
	s1 =	sand.u32 $0x1, s1  }
0x9: {  	s4 =	sshll.u32 s11, $0x1;
	s7 =	smul.u32 $0x5000, s11;
	[smem:$0x7FF] =	sst s3  }
0xa: {  	s9 =	sadd.s32 $0x27600, s0;
	s26 =	sshll.u32 s11, $0x6;
	s4 =	sor.u32 s1, s4  }
0xb: {  	s5 =	smul.u32 $0x50000, s1;
	_ =	strace $0x8000004A;
	s8 =	ssub.s32 $0x2, s1  }
0xc: {  	p0 =	seq.s32 s1, $0x0;
	s12 =	sor.u32 $0x1C06, s26;
	s26 =	simm.s32 $0x4  }
0xd: {  	s6 =	smul.u32 $0x500, s4;
	s4 =	sadd.s32 $0x1D600, s0;
	s24 =	sshrl.u32 s8, $0x1  }
0xe: {  	s25 =	sadd.s32 s7, s2;
	s10 =	sshrl.u32 s7, $0x3;
	s5 =	sadd.s32 s7, s5  }
0xf: {  	s8 =	ssub.s32 s8, s24;
	s9 =	smov.u32 @p0 s4;
	s13 =	sshrl.u32 s25, $0x3  }
0x10: {  	s24 =	simm.s32 $0x2;
	s25 =	simm.s32 $0x3;
	s6 =	sadd.s32 s6, s0  }
0x11: {  	s5 =	sshrl.u32 s5, $0x3;
	s8 =	smax.u32 s8, $0x1;
	s9 =	sadd.s32 s9, s10  }
0x12: {  	s10 =	simm.s32 $0x6;
	s0 =	sadd.s32 s5, s0;
	s5 =	sadd.s32 $0x13600, s6  }
0x13: {  	s6 =	sadd.s32 $0x1C00, s6;
	s7 =	sadd.s32 $0x31600, s0;
	s0 =	simm.s32 $0x0  }
.LBB2_1:
0x14: {  	[tilespmem:s3], [sflag:$0x6] =	stream.linear.gather [hbm4b:s5+s3], $0x2800, $0x38;
	[tilespmem:$0xDE80] =	vst v63  }
0x15: {  	_ =	swait.ge [sflag:s10], $0x2800  }
0x16: {  	[sflag:s10] =	ssyncset.done $0x0  }
0x17: {  	s1 =	simm.s32 $0x2800;
	[sflag:s10] =	ssyncadd.s32 $0xFFFFD800  }
0x18: {  	[tilespmem:s1], [sflag:$0x6] =	stream.linear.gather [hbm4b:s6+s3], $0x2800, $0x38;
	[tilespmem:$0xDE80] =	vst v63  }
0x19: {  	_ =	swait.ge [sflag:s10], $0x2800  }
0x1a: {  	[sflag:s10] =	ssyncset.done $0x0  }
0x1b: {  	[sflag:s10] =	ssyncadd.s32 $0xFFFFD800  }
0x1c: {  	[spmem:s13], [sflag:s12] =	dma.local [hbm:s9], $0xA00  }
0x1d: {  	_ =	swait.ge [sflag:s10], $0xA00  }
0x1e: {  	[sflag:s10] =	ssyncset.done $0x0  }
0x1f: {  	[sflag:s10] =	ssyncadd.s32 $0xFFFFF600  }
0x20: {  	[bflag:$0x0] =	sbarrier.arrive $0xFFFF  }
0x21: {  	[tilespmem:s15], [sflag:$0x1] =	stream.indirect.gather [hbm4b:s4+s14], $0x20, s3, s14, $0xb8;
	[tilespmem:$0xDE80] =	vst v63  }
0x22: {  	s11 =	simm.s32 $0x80  }
0x23: {  	[tilespmem:s17], [sflag:$0x2] =	stream.indirect.gather [hbm4b:s4+s14], $0x20, s11, s14, $0xb8;
	[tilespmem:$0xDE80] =	vst v63  }
0x24: {  	_ = 	snop  }
0x25: {  	[tilespmem:s19], [sflag:$0x3] =	stream.indirect.gather [hbm4b:s4+s14], $0x20, s18, s14, $0xb8;
	[tilespmem:$0xDE80] =	vst v63  }
0x26: {  	_ = 	snop  }
0x27: {  	[tilespmem:s21], [sflag:$0x4] =	stream.indirect.gather [hbm4b:s4+s14], $0x20, s20, s14, $0xb8;
	[tilespmem:$0xDE80] =	vst v63  }
0x28: {  	_ =	swait.ge [sflag:s22], $0xFA0  }
0x29: {  	[sflag:s22] =	ssyncset.done $0x0  }
0x2a: {  	s16 =	simm.s32 $0x2800;
	[sflag:s22] =	ssyncadd.s32 $0xFFFFF060  }
0x2b: {  	[spmem:s2] =	stream.indirect.scatter.add.f32 [tilespmem:s15], [sflag:$0x5], $0x20, s16, s14, $0xb8;
	[tilespmem:$0xDE80] =	vst v63  }
0x2c: {  	_ =	swait.ge [sflag:s23], $0xFA0  }
0x2d: {  	[sflag:s23] =	ssyncset.done $0x0  }
0x2e: {  	s11 =	simm.s32 $0x200;
	[sflag:s23] =	ssyncadd.s32 $0xFFFFF060  }
0x2f: {  	[tilespmem:s15], [sflag:$0x1] =	stream.indirect.gather [hbm4b:s4+s14], $0x20, s11, s14, $0xb8;
	[tilespmem:$0xDE80] =	vst v63  }
0x30: {  	_ =	swait.ge [sflag:s24], $0xFA0  }
0x31: {  	[sflag:s24] =	ssyncset.done $0x0  }
0x32: {  	s16 =	simm.s32 $0x2880;
	[sflag:s24] =	ssyncadd.s32 $0xFFFFF060  }
0x33: {  	[spmem:s2] =	stream.indirect.scatter.add.f32 [tilespmem:s17], [sflag:$0x5], $0x20, s16, s14, $0xb8;
	[tilespmem:$0xDE80] =	vst v63  }
0x34: {  	_ =	swait.ge [sflag:s23], $0xFA0  }
0x35: {  	[sflag:s23] =	ssyncset.done $0x0  }
0x36: {  	s11 =	simm.s32 $0x280;
	[sflag:s23] =	ssyncadd.s32 $0xFFFFF060  }
0x37: {  	[tilespmem:s17], [sflag:$0x2] =	stream.indirect.gather [hbm4b:s4+s14], $0x20, s11, s14, $0xb8;
	[tilespmem:$0xDE80] =	vst v63  }
0x38: {  	_ =	swait.ge [sflag:s25], $0xFA0  }
0x39: {  	[sflag:s25] =	ssyncset.done $0x0  }
0x3a: {  	s16 =	simm.s32 $0x2900;
	[sflag:s25] =	ssyncadd.s32 $0xFFFFF060  }
0x3b: {  	[spmem:s2] =	stream.indirect.scatter.add.f32 [tilespmem:s19], [sflag:$0x5], $0x20, s16, s14, $0xb8;
	[tilespmem:$0xDE80] =	vst v63  }
0x3c: {  	_ =	swait.ge [sflag:s23], $0xFA0  }
0x3d: {  	[sflag:s23] =	ssyncset.done $0x0  }
0x3e: {  	s11 =	simm.s32 $0x300;
	[sflag:s23] =	ssyncadd.s32 $0xFFFFF060  }
0x3f: {  	[tilespmem:s19], [sflag:$0x3] =	stream.indirect.gather [hbm4b:s4+s14], $0x20, s11, s14, $0xb8;
	[tilespmem:$0xDE80] =	vst v63  }
0x40: {  	_ =	swait.ge [sflag:s26], $0xFA0  }
0x41: {  	[sflag:s26] =	ssyncset.done $0x0  }
0x42: {  	s16 =	simm.s32 $0x2980;
	[sflag:s26] =	ssyncadd.s32 $0xFFFFF060  }
0x43: {  	[spmem:s2] =	stream.indirect.scatter.add.f32 [tilespmem:s21], [sflag:$0x5], $0x20, s16, s14, $0xb8;
	[tilespmem:$0xDE80] =	vst v63  }
0x44: {  	_ =	swait.ge [sflag:s23], $0xFA0  }
0x45: {  	[sflag:s23] =	ssyncset.done $0x0  }
0x46: {  	s1 =	simm.s32 $0x800;
	s11 =	simm.s32 $0x380;
	[sflag:s23] =	ssyncadd.s32 $0xFFFFF060  }
.LBB2_2:
0x47: {  	[tilespmem:s21], [sflag:$0x4] =	stream.indirect.gather [hbm4b:s4+s14], $0x20, s11, s14, $0xb8;
	[tilespmem:$0xDE80] =	vst v63  }
0x48: {  	s11 =	smov.u32 s1  }
0x49: {  	p0 =	sne.s32 s1, $0x9000;
	s1 =	sadd.s32 $0x800, s1;
	_ =	swait.ge [sflag:s22], $0xFA0  }
0x4a: {  	s11 =	sshra.s32 s11, $0x2;
	[sflag:s22] =	ssyncset.done $0x0  }
0x4b: {  	s16 =	sadd.s32 $0x2800, s11;
	[sflag:s22] =	ssyncadd.s32 $0xFFFFF060  }
0x4c: {  	[spmem:s2] =	stream.indirect.scatter.add.f32 [tilespmem:s15], [sflag:$0x5], $0x20, s16, s14, $0xb8;
	[tilespmem:$0xDE80] =	vst v63  }
0x4d: {  	_ =	swait.ge [sflag:s23], $0xFA0  }
0x4e: {  	[sflag:s23] =	ssyncset.done $0x0  }
0x4f: {  	s16 =	sadd.s32 $0x200, s11;
	[sflag:s23] =	ssyncadd.s32 $0xFFFFF060  }
0x50: {  	[tilespmem:s15], [sflag:$0x1] =	stream.indirect.gather [hbm4b:s4+s14], $0x20, s16, s14, $0xb8;
	[tilespmem:$0xDE80] =	vst v63  }
0x51: {  	_ =	swait.ge [sflag:s24], $0xFA0  }
0x52: {  	[sflag:s24] =	ssyncset.done $0x0  }
0x53: {  	s16 =	sadd.s32 $0x2880, s11;
	[sflag:s24] =	ssyncadd.s32 $0xFFFFF060  }
0x54: {  	[spmem:s2] =	stream.indirect.scatter.add.f32 [tilespmem:s17], [sflag:$0x5], $0x20, s16, s14, $0xb8;
	[tilespmem:$0xDE80] =	vst v63  }
0x55: {  	_ =	swait.ge [sflag:s23], $0xFA0  }
0x56: {  	[sflag:s23] =	ssyncset.done $0x0  }
0x57: {  	s16 =	sadd.s32 $0x280, s11;
	[sflag:s23] =	ssyncadd.s32 $0xFFFFF060  }
0x58: {  	[tilespmem:s17], [sflag:$0x2] =	stream.indirect.gather [hbm4b:s4+s14], $0x20, s16, s14, $0xb8;
	[tilespmem:$0xDE80] =	vst v63  }
0x59: {  	_ =	swait.ge [sflag:s25], $0xFA0  }
0x5a: {  	[sflag:s25] =	ssyncset.done $0x0  }
0x5b: {  	s16 =	sadd.s32 $0x2900, s11;
	[sflag:s25] =	ssyncadd.s32 $0xFFFFF060  }
0x5c: {  	[spmem:s2] =	stream.indirect.scatter.add.f32 [tilespmem:s19], [sflag:$0x5], $0x20, s16, s14, $0xb8;
	[tilespmem:$0xDE80] =	vst v63  }
0x5d: {  	_ =	swait.ge [sflag:s23], $0xFA0  }
0x5e: {  	[sflag:s23] =	ssyncset.done $0x0  }
0x5f: {  	s16 =	sadd.s32 $0x300, s11;
	[sflag:s23] =	ssyncadd.s32 $0xFFFFF060  }
0x60: {  	[tilespmem:s19], [sflag:$0x3] =	stream.indirect.gather [hbm4b:s4+s14], $0x20, s16, s14, $0xb8;
	[tilespmem:$0xDE80] =	vst v63  }
0x61: {  	_ =	swait.ge [sflag:s26], $0xFA0  }
0x62: {  	[sflag:s26] =	ssyncset.done $0x0  }
.Ltmp0:
0x63: {  	s16 =	sadd.s32 $0x2980, s11;
	[sflag:s26] =	ssyncadd.s32 $0xFFFFF060;
	(pc) =	sbr.rel @p0 .LBB2_2-.Ltmp0, $4  }
0x64: {  	[spmem:s2] =	stream.indirect.scatter.add.f32 [tilespmem:s21], [sflag:$0x5], $0x20, s16, s14, $0xb8;
	[tilespmem:$0xDE80] =	vst v63  }
0x65: {  	_ =	swait.ge [sflag:s23], $0xFA0  }
0x66: {  	[sflag:s23] =	ssyncset.done $0x0  }
0x67: {  	s11 =	sadd.s32 $0x380, s11;
	[sflag:s23] =	ssyncadd.s32 $0xFFFFF060  }
0x68: {  	[tilespmem:s21], [sflag:$0x4] =	stream.indirect.gather [hbm4b:s4+s14], $0x20, s11, s14, $0xb8;
	[tilespmem:$0xDE80] =	vst v63  }
0x69: {  	_ =	swait.ge [sflag:s22], $0xFA0  }
0x6a: {  	[sflag:s22] =	ssyncset.done $0x0  }
0x6b: {  	[sflag:s22] =	ssyncadd.s32 $0xFFFFF060  }
0x6c: {  	[spmem:s2] =	stream.indirect.scatter.add.f32 [tilespmem:s15], [sflag:$0x5], $0x20, s28, s14, $0xb8;
	[tilespmem:$0xDE80] =	vst v63  }
0x6d: {  	_ =	swait.ge [sflag:s23], $0xFA0  }
0x6e: {  	[sflag:s23] =	ssyncset.done $0x0  }
0x6f: {  	[sflag:s23] =	ssyncadd.s32 $0xFFFFF060  }
0x70: {  	_ =	swait.ge [sflag:s24], $0xFA0  }
0x71: {  	[sflag:s24] =	ssyncset.done $0x0  }
0x72: {  	[sflag:s24] =	ssyncadd.s32 $0xFFFFF060  }
0x73: {  	[spmem:s2] =	stream.indirect.scatter.add.f32 [tilespmem:s17], [sflag:$0x5], $0x20, s29, s14, $0xb8;
	[tilespmem:$0xDE80] =	vst v63  }
0x74: {  	_ =	swait.ge [sflag:s23], $0xFA0  }
0x75: {  	[sflag:s23] =	ssyncset.done $0x0  }
0x76: {  	[sflag:s23] =	ssyncadd.s32 $0xFFFFF060  }
0x77: {  	_ =	swait.ge [sflag:s25], $0xFA0  }
0x78: {  	[sflag:s25] =	ssyncset.done $0x0  }
0x79: {  	[sflag:s25] =	ssyncadd.s32 $0xFFFFF060  }
0x7a: {  	[spmem:s2] =	stream.indirect.scatter.add.f32 [tilespmem:s19], [sflag:$0x5], $0x20, s30, s14, $0xb8;
	[tilespmem:$0xDE80] =	vst v63  }
0x7b: {  	_ =	swait.ge [sflag:s23], $0xFA0  }
0x7c: {  	[sflag:s23] =	ssyncset.done $0x0  }
0x7d: {  	[sflag:s23] =	ssyncadd.s32 $0xFFFFF060  }
0x7e: {  	_ =	swait.ge [sflag:s26], $0xFA0  }
0x7f: {  	[sflag:s26] =	ssyncset.done $0x0  }
0x80: {  	[sflag:s26] =	ssyncadd.s32 $0xFFFFF060  }
0x81: {  	[spmem:s2] =	stream.indirect.scatter.add.f32 [tilespmem:s21], [sflag:$0x5], $0x20, s31, s14, $0xb8;
	[tilespmem:$0xDE80] =	vst v63  }
0x82: {  	_ =	swait.ge [sflag:s23], $0xFA0  }
0x83: {  	s0 =	sadd.s32 $0x1, s0;
	[sflag:s23] =	ssyncset.done $0x0  }
0x84: {  	p0 =	sne.s32 s0, s8;
	[sflag:s23] =	ssyncadd.s32 $0xFFFFF060  }
.Ltmp1:
0x85: {  	[bflag:$0x0] =	sbarrier.arrive $0xFFFF;
	(pc) =	sbr.rel @p0 .LBB2_1-.Ltmp1, $4  }
0x86: {  	[hbm:s7], [sflag:s12] =	dma.local [spmem:s13], $0xA00  }
0x87: {  	_ =	swait.ge [sflag:s10], $0xA00  }
0x88: {  	[sflag:s10] =	ssyncset.done $0x0  }
0x89: {  	[sflag:s10] =	ssyncadd.s32 $0xFFFFF600  }
0x8a: {  	_ =	sfence.sel $0x180000  }
0x8b: {  	[bflag:$0x0] =	sbarrier.arrive $0xFFFF  }
0x8c: {  	_ =	strace $0x9000004A  }
0x8d: {  	s0 =	stileid.u32;
	[bflag:$0x2] =	sbarrier.arrive $0xFFFF  }
0x8e: {  	p0 =	sne.s32 s0, $0x0;
	s0 =	rddreg [dreg:$0x2]  }
0x8f: {  	s0 =	sadd.s32 @!p0 $0x100000, s0  }
0x90: {  	[sflag:s0] =	ssyncadd.tile.s32 @!p0 $0x1;
	_ =	shalt  }
.Lfunc_end2:
_tile_overlayer_lowered:
.L_overlay_start_2:
0x91: {  	(tag) =	ssettag $0x2  }
0x92: {  	s0 =	rddreg [dreg:$0x0];
	s2 =	stileid.u32  }
0x93: {  	s1 =	rddreg [dreg:$0x1];
	p0 =	sne.s32 s2, $0x0  }
0x94: {  	s3 =	rddreg [dreg:$0x2];
	[bflag:$0x3] =	sbarrier.arrive $0xFFFF;
	s2 =	simm.s32 @!p0 $0x1C06  }
0x95: {  	[timem:s3], [sflag:s2] =	dma.local @!p0 [hbm:s0], s1  }
0x96: {  	s0 =	simm.s32 @!p0 $0x6  }
0x97: {  	_ =	swait.ge @!p0 [sflag:s0], s1  }
0x98: {  	s1 =	ssub.s32 @!p0 $0x0, s1;
	[sflag:s0] =	ssyncset.done @!p0 $0x0  }
0x99: {  	[sflag:s0] =	ssyncadd.s32 @!p0 s1  }
0x9a: {  	[bflag:$0x3] =	sbarrier.arrive $0xFFFF  }
0x9b: {  	_ =	shalt  }

// kernel: kernel.14.cloned.1.call-start
scs
__scs_entry_jumppad:
0x0: {  	(pc) =	sbr.rel $0x88, $3  }
0x1: {  	(tag) =	ssettag $0x0;
	lr =	simm.s32 $0x1  }
0x2: {  	[smem:$0x3F98] =	sst lr;
	_ =	strace $0xD0000000  }
0x3: {  	_ = 	snop  }
0x4: {  	_ = 	snop  }
0x5: {  	_ = 	snop  }
0x6: {  	_ = 	snop  }
0x7: {  	_ = 	snop  }
__scs_overlays_trampoline_lowered:
0x8: {  	[smem:$0x3FA7] =	sst s0  }
0x9: {  	[smem:$0x3FA8] =	sst s1  }
0xa: {  	[smem:$0x3FA9] =	sst s2  }
0xb: {  	[smem:$0x3FAA] =	sst s3  }
0xc: {  	[smem:$0x3FAB] =	sst s4  }
0xd: {  	[smem:$0x3FAC] =	sst s5  }
0xe: {  	[smem:$0x3FAD] =	sst s6  }
0xf: {  	[smem:$0x3FAE] =	sst s7  }
0x10: {  	[smem:$0x3FAF] =	sst s8  }
0x11: {  	[smem:$0x3FB0] =	sst s9;
	s0 =	simm.s32 @!p0 $0x0  }
0x12: {  	s1 =	sld [smem:$0x3F96];
	s0 =	simm.s32 @p0 $0x1  }
0x13: {  	[smem:$0x3FB1] =	sst s0;
	s0 =	simm.s32 @!p1 $0x0  }
0x14: {  	s2 =	sld [smem:$0x3F95];
	s0 =	simm.s32 @p1 $0x1  }
0x15: {  	[smem:$0x3FB2] =	sst s0;
	s0 =	simm.s32 @!p2 $0x0  }
0x16: {  	s3 =	sld [smem:$0x3FDB];
	s0 =	simm.s32 @p2 $0x1  }
0x17: {  	s4 =	simm.s32 $0x1BF5;
	[smem:$0x3FB4] =	sst s0  }
0x18: {  	s0 =	sld [smem:$0x3F97];
	_ =	swait.ge [sflag:s4], $0x0  }
0x19: {  	s7 =	sld [smem:$0x3F98]  }
0x1a: {  	s8 =	sadd.s32 $0xFFFFE003, lr  }
0x1b: {  	s9 =	sadd.s32 $0xFFFFFEF7, lr;
	s5 =	simm.s32 $0xFFFFFFFF;
	p2 =	slt.u32 s8, $0xFFFFF086  }
0x1c: {  	p1 =	slt.u32 s9, $0xF7A;
	s5 =	simm.s32 @!p2 $0x0  }
0x1d: {  	s5 =	simm.s32 @p1 $0x1;
	p0 =	seq.s32 s7, s2  }
0x1e: {  	s7 =	smul.u32 @!p0 $0xF7A, s2;
	p2 =	seq.s32 @!p0 s5, $0x0  }
0x1f: {  	s9 =	smul.u32 $0xF7A, s1;
	s8 =	simm.s32 @!p0 $0x1BF5;
	p2 =	por !p2, p0  }
0x20: {  	[sflag:s8] =	ssyncset.s32 @!p0 $0xFFFFF086;
	s6 =	sadd.s32 @!p0 s3, s7;
	s7 =	simm.s32 @!p0 $0x108  }
0x21: {  	s3 =	sadd.s32 s3, s9;
	s6 =	sadd.s32 @!p0 $0x88, s6;
	s7 =	simm.s32 @p2 $0x1082  }
0x22: {  	[simem:s7], [sflag:s8] =	dma.local @!p0 [hbm:s6], $0xF7A  }
0x23: {  	s9 =	sor.u32 $0xD0000000, s2;
	s6 =	simm.s32 $0x108;
	_ =	swait.ge @!p0 [sflag:s8], $0x0  }
0x24: {  	s3 =	sadd.s32 $0x88, s3;
	s6 =	simm.s32 @!p1 $0x1082;
	[sflag:s4] =	ssyncset.s32 $0xFFFFF086  }
0x25: {  	[simem:s6], [sflag:s4] =	dma.local [hbm:s3], $0xF7A  }
0x26: {  	[smem:$0x3F98] =	sst s1;
	(tag) =	ssettag s2;
	_ =	strace s9  }
0x27: {  	s1 =	sld [smem:$0x3FA8]  }
0x28: {  	s2 =	sld [smem:$0x3FA9]  }
0x29: {  	s4 =	sld [smem:$0x3FAB]  }
0x2a: {  	p0 =	seq.s32 s5, $0x0;
	s5 =	sld [smem:$0x3FAC]  }
0x2b: {  	s6 =	sld [smem:$0x3FAD]  }
0x2c: {  	s7 =	sld [smem:$0x3FAE]  }
0x2d: {  	s3 =	simm.s32 $0x108;
	s8 =	sld [smem:$0x3FAF]  }
0x2e: {  	s3 =	simm.s32 @!p0 $0x1082;
	s9 =	sld [smem:$0x3FB0]  }
0x2f: {  	lr =	sadd.s32 s0, s3;
	s0 =	sld [smem:$0x3FA7]  }
0x30: {  	s3 =	sld [smem:$0x3FAA]  }
0x31: {  	[smem:$0x3FB3] =	sst s10  }
0x32: {  	s10 =	sld [smem:$0x3FB1];
	_ =	sdelay $0x3  }
0x33: {  	p0 =	seq.s32 s10, $0x1;
	s10 =	sld [smem:$0x3FB3];
	_ =	sdelay $0x3  }
0x34: {  	[smem:$0x3FB3] =	sst s10  }
0x35: {  	s10 =	sld [smem:$0x3FB2];
	_ =	sdelay $0x3  }
0x36: {  	p1 =	seq.s32 s10, $0x1;
	s10 =	sld [smem:$0x3FB3];
	_ =	sdelay $0x3  }
0x37: {  	[smem:$0x3FB3] =	sst s10  }
0x38: {  	s10 =	sld [smem:$0x3FB4]  }
0x39: {  	_ = 	snop;
	(pc) =	sbr.ind lr, $3  }
0x3a: {  	_ = 	snop  }
0x3b: {  	_ = 	snop  }
0x3c: {  	p2 =	seq.s32 s10, $0x1;
	s10 =	sld [smem:$0x3FB3]  }
0x3d: {  	_ =	shalt  }
0x3e: {  	_ =	shalt  }
0x3f: {  	_ =	shalt  }
0x40: {  	_ =	shalt  }
0x41: {  	_ =	shalt  }
0x42: {  	_ =	shalt  }
0x43: {  	_ =	shalt  }
0x44: {  	_ =	shalt  }
0x45: {  	_ =	shalt  }
0x46: {  	_ =	shalt  }
0x47: {  	_ =	shalt  }
0x48: {  	_ =	shalt  }
0x49: {  	_ =	shalt  }
0x4a: {  	_ =	shalt  }
0x4b: {  	_ =	shalt  }
0x4c: {  	_ =	shalt  }
0x4d: {  	_ =	shalt  }
0x4e: {  	_ =	shalt  }
0x4f: {  	_ =	shalt  }
0x50: {  	_ =	shalt  }
0x51: {  	_ =	shalt  }
0x52: {  	_ =	shalt  }
0x53: {  	_ =	shalt  }
0x54: {  	_ =	shalt  }
0x55: {  	_ =	shalt  }
0x56: {  	_ =	shalt  }
0x57: {  	_ =	shalt  }
0x58: {  	_ =	shalt  }
0x59: {  	_ =	shalt  }
0x5a: {  	_ =	shalt  }
0x5b: {  	_ =	shalt  }
0x5c: {  	_ =	shalt  }
0x5d: {  	_ =	shalt  }
0x5e: {  	_ =	shalt  }
0x5f: {  	_ =	shalt  }
0x60: {  	_ =	shalt  }
0x61: {  	_ =	shalt  }
0x62: {  	_ =	shalt  }
0x63: {  	_ =	shalt  }
0x64: {  	_ =	shalt  }
0x65: {  	_ =	shalt  }
0x66: {  	_ =	shalt  }
0x67: {  	_ =	shalt  }
0x68: {  	_ =	shalt  }
0x69: {  	_ =	shalt  }
0x6a: {  	_ =	shalt  }
0x6b: {  	_ =	shalt  }
0x6c: {  	_ =	shalt  }
0x6d: {  	_ =	shalt  }
0x6e: {  	_ =	shalt  }
0x6f: {  	_ =	shalt  }
0x70: {  	_ =	shalt  }
0x71: {  	_ =	shalt  }
0x72: {  	_ =	shalt  }
0x73: {  	_ =	shalt  }
0x74: {  	_ =	shalt  }
0x75: {  	_ =	shalt  }
0x76: {  	_ =	shalt  }
0x77: {  	_ =	shalt  }
0x78: {  	_ =	shalt  }
0x79: {  	_ =	shalt  }
0x7a: {  	_ =	shalt  }
0x7b: {  	_ =	shalt  }
0x7c: {  	_ =	shalt  }
0x7d: {  	_ =	shalt  }
0x7e: {  	_ =	shalt  }
0x7f: {  	_ =	shalt  }
0x80: {  	_ =	shalt  }
0x81: {  	_ =	shalt  }
0x82: {  	_ =	shalt  }
0x83: {  	_ =	shalt  }
0x84: {  	_ =	shalt  }
0x85: {  	_ =	shalt  }
0x86: {  	_ =	shalt  }
0x87: {  	_ =	shalt  }
.Lfunc_end0:
.L_simem_size_0:
called_computation.2_lowered:
.L_overlay_start_0:
0x88: {  	s2 =	sld [smem:$0x3FD9]  }
0x89: {  	s3 =	sld [smem:$0x3FFE];
	_ =	sdelay $0x1  }
0x8a: {  	s1 =	srdreg.scid  }
0x8b: {  	s0 =	sand.u32 $0x1, s1  }
0x8c: {  	s16 =	sshll.u32 s0, $0xA;
	s2 =	sadd.s32 s3, s2  }
0x8d: {  	s2 =	sadd.s32 s2, s16  }
0x8e: {  	[smem:$0x3FBF] =	sst s2  }
0x8f: {  	_ = 	snop  }
0x90: {  	(tm) =	ssettm $0x1  }
0x91: {  	s17 =	sld [smem:$0x3FFB];
	_ =	sdelay $0x3  }
0x92: {  	_ =	strace s17  }
0x93: {  	s2 =	sld [smem:$0x3FFC];
	_ =	sdelay $0x3  }
0x94: {  	_ =	strace s2  }
0x95: {  	s2 =	sld [smem:$0x3FFD];
	_ =	sdelay $0x3  }
0x96: {  	_ =	strace s2  }
0x97: {  	_ =	strace $0x8FFFFFFF  }
0x98: {  	s18 =	sld [smem:$0x3FDB];
	_ =	sdelay $0x1  }
0x99: {  	s19 =	simm.s32 $_scs_section_size  }
0x9a: {  	s4 =	simm.s32 $_size__tile_overlayer_lowered;
	s5 =	simm.s32 $_tile_overlayer_lowered  }
0x9b: {  	s22 =	simm.s32 $0x1BFF;
	s21 =	sshll.u32 s5, $0x1;
	s2 =	sadd.s32 s19, s18  }
0x9c: {  	s6 =	simm.s32 $0x0;
	s20 =	sshll.u32 s4, $0x1;
	s4 =	sadd.s32 s21, s2  }
0x9d: {  	[timem:s6], [sflag:s22] =	dma.local [hbm:s4], s20  }
0x9e: {  	_ =	swait.ge [sflag:s22], s20  }
0x9f: {  	s3 =	ssub.s32 $0x0, s20;
	[sflag:s22] =	ssyncset.done $0x0  }
0xa0: {  	[sflag:s22] =	ssyncadd.s32 s3;
	_ =	sdelay $0x1  }
0xa1: {  	s23 =	simm.s32 $0x1B8B  }
0xa2: {  	_ =	swait.ge [sflag:s23], $0x1  }
0xa3: {  	[sflag:s23] =	ssyncset.done $0x0  }
0xa4: {  	s25 =	simm.s32 $0x1B8E;
	s24 =	sld [smem:$0x3FFE];
	[sflag:s23] =	ssyncadd.s32 $0xFFFFFFFF  }
0xa5: {  	s26 =	simm.s32 $execute0_lowered;
	[smem:$0x3FD2] =	sst s25  }
0xa6: {  	s4 =	sshll.u32 s26, $0x1;
	_ =	strace $0x8000004C;
	[dreg:$0x1] =	wrdreg $0xFFFFFFFF  }
0xa7: {  	s28 =	simm.s32 $_size_execute0_lowered;
	s2 =	sadd.s32 s2, s4;
	[dreg:$0x0] =	wrdreg $0x0  }
0xa8: {  	s4 =	sshll.u32 s28, $0x1;
	[dreg:$0x2] =	wrdreg s2  }
0xa9: {  	[dreg:$0x3] =	wrdreg s4  }
0xaa: {  	[dreg:$0x4] =	wrdreg $0xC0  }
0xab: {  	_ =	task [dreg:s6], $0x5FFFF  }
0xac: {  	[dreg:$0x1] =	wrdreg $0xFFFFFFFF  }
0xad: {  	[dreg:$0x0] =	wrdreg $0x60  }
0xae: {  	[dreg:$0x2] =	wrdreg s24  }
0xaf: {  	[dreg:$0x3] =	wrdreg $0x8E800  }
0xb0: {  	[dreg:$0x4] =	wrdreg $0x9  }
0xb1: {  	_ =	task.clear_ibuf [dreg:s6], $0x5FFFF;
	_ =	strace $0x9000004C  }
0xb2: {  	s29 =	simm.s32 $0x9;
	_ =	strace $0x8000004E  }
0xb3: {  	_ =	swait.ge [sflag:s29], $0x1  }
0xb4: {  	[sflag:s29] =	ssyncadd.s32 $0xFFFFFFFF  }
0xb5: {  	_ =	strace $0x9000004E  }
0xb6: {  	_ =	sfence  }
0xb7: {  	s30 =	sld [smem:$0x0];
	_ =	sdelay $0x2  }
0xb8: {  	s31 =	sshll.u32 s1, $0xD;
	s1 =	sshrl.u32 s1, $0x2  }
0xb9: {  	s3 =	sand.u32 $0x4000, s31;
	s1 =	sadd.s32 s1, s30  }
0xba: {  	s0 =	sor.u32 s3, s0;
	s1 =	sshll.u32 s1, $0x11  }
0xbb: {  	s0 =	sor.u32 s1, s0  }
0xbc: {  	s0 =	sadd.s32 $0x8F2B, s0  }
0xbd: {  	[sflag:s0] =	ssyncadd.remote.s32 $0x1  }
0xbe: {  	_ =	sfence.sel $0xFFFF  }
0xbf: {  	[dreg:$0x0] =	wrdreg $0xFFFFFFFF;
	(pc) =	sbr.abs _section_cstart, $3  }
0xc0: {  	[dreg:$0x1] =	wrdreg $0xFFFFFFFF  }
0xc1: {  	_ =	task.clear_ibuf [dreg:s6], $0x2FFFF;
	_ =	strace $0x9FFFFFFF  }
0xc2: {  	(tm) =	ssettm $0x7FFFFFFF  }
0xc3: {  	_ =	shalt  }
tec
execute0_lowered:
.L_overlay_start_1:
0x0: {  	(tag) =	ssettag $0x1  }
0x1: {  	s0 =	rddreg [dreg:$0x0]  }
0x2: {  	s2 =	rddreg [dreg:$0x1]  }
0x3: {  	s1 =	srdreg.scid;
	s11 =	stileid.u32  }
0x4: {  	s3 =	simm.s32 $0x0;
	s14 =	simm.s32 $0x7D;
	s15 =	simm.s32 $0x5000  }
0x5: {  	s17 =	simm.s32 $0x5FA0;
	s18 =	simm.s32 $0x100;
	s19 =	simm.s32 $0x6F40  }
0x6: {  	s20 =	simm.s32 $0x180;
	s21 =	simm.s32 $0x7EE0;
	s22 =	simm.s32 $0x1  }
0x7: {  	s23 =	simm.s32 $0x5;
	s28 =	simm.s32 $0x4E00;
	s29 =	simm.s32 $0x4E80  }
0x8: {  	s30 =	simm.s32 $0x4F00;
	s31 =	simm.s32 $0x4F80;
	s1 =	sand.u32 $0x1, s1  }
0x9: {  	s4 =	sshll.u32 s11, $0x1;
	s7 =	smul.u32 $0x5000, s11;
	[smem:$0x7FF] =	sst s3  }
0xa: {  	s9 =	sadd.s32 $0x27600, s0;
	s26 =	sshll.u32 s11, $0x6;
	s4 =	sor.u32 s1, s4  }
0xb: {  	s5 =	smul.u32 $0x50000, s1;
	_ =	strace $0x8000004D;
	s8 =	ssub.s32 $0x2, s1  }
0xc: {  	p0 =	seq.s32 s1, $0x0;
	s12 =	sor.u32 $0x1C06, s26;
	s26 =	simm.s32 $0x4  }
0xd: {  	s6 =	smul.u32 $0x500, s4;
	s4 =	sadd.s32 $0x1D600, s0;
	s24 =	sshrl.u32 s8, $0x1  }
0xe: {  	s25 =	sadd.s32 s7, s2;
	s10 =	sshrl.u32 s7, $0x3;
	s5 =	sadd.s32 s7, s5  }
0xf: {  	s8 =	ssub.s32 s8, s24;
	s9 =	smov.u32 @p0 s4;
	s13 =	sshrl.u32 s25, $0x3  }
0x10: {  	s24 =	simm.s32 $0x2;
	s25 =	simm.s32 $0x3;
	s6 =	sadd.s32 s6, s0  }
0x11: {  	s5 =	sshrl.u32 s5, $0x3;
	s8 =	smax.u32 s8, $0x1;
	s9 =	sadd.s32 s9, s10  }
0x12: {  	s10 =	simm.s32 $0x6;
	s0 =	sadd.s32 s5, s0;
	s5 =	sadd.s32 $0x13600, s6  }
0x13: {  	s6 =	sadd.s32 $0x1C00, s6;
	s7 =	sadd.s32 $0x31600, s0;
	s0 =	simm.s32 $0x0  }
.LBB2_1:
0x14: {  	[tilespmem:s3], [sflag:$0x6] =	stream.linear.gather [hbm4b:s5+s3], $0x2800, $0x38;
	[tilespmem:$0xDE80] =	vst v63  }
0x15: {  	_ =	swait.ge [sflag:s10], $0x2800  }
0x16: {  	[sflag:s10] =	ssyncset.done $0x0  }
0x17: {  	s1 =	simm.s32 $0x2800;
	[sflag:s10] =	ssyncadd.s32 $0xFFFFD800  }
0x18: {  	[tilespmem:s1], [sflag:$0x6] =	stream.linear.gather [hbm4b:s6+s3], $0x2800, $0x38;
	[tilespmem:$0xDE80] =	vst v63  }
0x19: {  	_ =	swait.ge [sflag:s10], $0x2800  }
0x1a: {  	[sflag:s10] =	ssyncset.done $0x0  }
0x1b: {  	[sflag:s10] =	ssyncadd.s32 $0xFFFFD800  }
0x1c: {  	[spmem:s13], [sflag:s12] =	dma.local [hbm:s9], $0xA00  }
0x1d: {  	_ =	swait.ge [sflag:s10], $0xA00  }
0x1e: {  	[sflag:s10] =	ssyncset.done $0x0  }
0x1f: {  	[sflag:s10] =	ssyncadd.s32 $0xFFFFF600  }
0x20: {  	[bflag:$0x0] =	sbarrier.arrive $0xFFFF  }
0x21: {  	[tilespmem:s15], [sflag:$0x1] =	stream.indirect.gather [hbm4b:s4+s14], $0x20, s3, s14, $0xb8;
	[tilespmem:$0xDE80] =	vst v63  }
0x22: {  	s11 =	simm.s32 $0x80  }
0x23: {  	[tilespmem:s17], [sflag:$0x2] =	stream.indirect.gather [hbm4b:s4+s14], $0x20, s11, s14, $0xb8;
	[tilespmem:$0xDE80] =	vst v63  }
0x24: {  	_ = 	snop  }
0x25: {  	[tilespmem:s19], [sflag:$0x3] =	stream.indirect.gather [hbm4b:s4+s14], $0x20, s18, s14, $0xb8;
	[tilespmem:$0xDE80] =	vst v63  }
0x26: {  	_ = 	snop  }
0x27: {  	[tilespmem:s21], [sflag:$0x4] =	stream.indirect.gather [hbm4b:s4+s14], $0x20, s20, s14, $0xb8;
	[tilespmem:$0xDE80] =	vst v63  }
0x28: {  	_ =	swait.ge [sflag:s22], $0xFA0  }
0x29: {  	[sflag:s22] =	ssyncset.done $0x0  }
0x2a: {  	s16 =	simm.s32 $0x2800;
	[sflag:s22] =	ssyncadd.s32 $0xFFFFF060  }
0x2b: {  	[spmem:s2] =	stream.indirect.scatter.add.f32 [tilespmem:s15], [sflag:$0x5], $0x20, s16, s14, $0xb8;
	[tilespmem:$0xDE80] =	vst v63  }
0x2c: {  	_ =	swait.ge [sflag:s23], $0xFA0  }
0x2d: {  	[sflag:s23] =	ssyncset.done $0x0  }
0x2e: {  	s11 =	simm.s32 $0x200;
	[sflag:s23] =	ssyncadd.s32 $0xFFFFF060  }
0x2f: {  	[tilespmem:s15], [sflag:$0x1] =	stream.indirect.gather [hbm4b:s4+s14], $0x20, s11, s14, $0xb8;
	[tilespmem:$0xDE80] =	vst v63  }
0x30: {  	_ =	swait.ge [sflag:s24], $0xFA0  }
0x31: {  	[sflag:s24] =	ssyncset.done $0x0  }
0x32: {  	s16 =	simm.s32 $0x2880;
	[sflag:s24] =	ssyncadd.s32 $0xFFFFF060  }
0x33: {  	[spmem:s2] =	stream.indirect.scatter.add.f32 [tilespmem:s17], [sflag:$0x5], $0x20, s16, s14, $0xb8;
	[tilespmem:$0xDE80] =	vst v63  }
0x34: {  	_ =	swait.ge [sflag:s23], $0xFA0  }
0x35: {  	[sflag:s23] =	ssyncset.done $0x0  }
0x36: {  	s11 =	simm.s32 $0x280;
	[sflag:s23] =	ssyncadd.s32 $0xFFFFF060  }
0x37: {  	[tilespmem:s17], [sflag:$0x2] =	stream.indirect.gather [hbm4b:s4+s14], $0x20, s11, s14, $0xb8;
	[tilespmem:$0xDE80] =	vst v63  }
0x38: {  	_ =	swait.ge [sflag:s25], $0xFA0  }
0x39: {  	[sflag:s25] =	ssyncset.done $0x0  }
0x3a: {  	s16 =	simm.s32 $0x2900;
	[sflag:s25] =	ssyncadd.s32 $0xFFFFF060  }
0x3b: {  	[spmem:s2] =	stream.indirect.scatter.add.f32 [tilespmem:s19], [sflag:$0x5], $0x20, s16, s14, $0xb8;
	[tilespmem:$0xDE80] =	vst v63  }
0x3c: {  	_ =	swait.ge [sflag:s23], $0xFA0  }
0x3d: {  	[sflag:s23] =	ssyncset.done $0x0  }
0x3e: {  	s11 =	simm.s32 $0x300;
	[sflag:s23] =	ssyncadd.s32 $0xFFFFF060  }
0x3f: {  	[tilespmem:s19], [sflag:$0x3] =	stream.indirect.gather [hbm4b:s4+s14], $0x20, s11, s14, $0xb8;
	[tilespmem:$0xDE80] =	vst v63  }
0x40: {  	_ =	swait.ge [sflag:s26], $0xFA0  }
0x41: {  	[sflag:s26] =	ssyncset.done $0x0  }
0x42: {  	s16 =	simm.s32 $0x2980;
	[sflag:s26] =	ssyncadd.s32 $0xFFFFF060  }
0x43: {  	[spmem:s2] =	stream.indirect.scatter.add.f32 [tilespmem:s21], [sflag:$0x5], $0x20, s16, s14, $0xb8;
	[tilespmem:$0xDE80] =	vst v63  }
0x44: {  	_ =	swait.ge [sflag:s23], $0xFA0  }
0x45: {  	[sflag:s23] =	ssyncset.done $0x0  }
0x46: {  	s1 =	simm.s32 $0x800;
	s11 =	simm.s32 $0x380;
	[sflag:s23] =	ssyncadd.s32 $0xFFFFF060  }
.LBB2_2:
0x47: {  	[tilespmem:s21], [sflag:$0x4] =	stream.indirect.gather [hbm4b:s4+s14], $0x20, s11, s14, $0xb8;
	[tilespmem:$0xDE80] =	vst v63  }
0x48: {  	s11 =	smov.u32 s1  }
0x49: {  	p0 =	sne.s32 s1, $0x9000;
	s1 =	sadd.s32 $0x800, s1;
	_ =	swait.ge [sflag:s22], $0xFA0  }
0x4a: {  	s11 =	sshra.s32 s11, $0x2;
	[sflag:s22] =	ssyncset.done $0x0  }
0x4b: {  	s16 =	sadd.s32 $0x2800, s11;
	[sflag:s22] =	ssyncadd.s32 $0xFFFFF060  }
0x4c: {  	[spmem:s2] =	stream.indirect.scatter.add.f32 [tilespmem:s15], [sflag:$0x5], $0x20, s16, s14, $0xb8;
	[tilespmem:$0xDE80] =	vst v63  }
0x4d: {  	_ =	swait.ge [sflag:s23], $0xFA0  }
0x4e: {  	[sflag:s23] =	ssyncset.done $0x0  }
0x4f: {  	s16 =	sadd.s32 $0x200, s11;
	[sflag:s23] =	ssyncadd.s32 $0xFFFFF060  }
0x50: {  	[tilespmem:s15], [sflag:$0x1] =	stream.indirect.gather [hbm4b:s4+s14], $0x20, s16, s14, $0xb8;
	[tilespmem:$0xDE80] =	vst v63  }
0x51: {  	_ =	swait.ge [sflag:s24], $0xFA0  }
0x52: {  	[sflag:s24] =	ssyncset.done $0x0  }
0x53: {  	s16 =	sadd.s32 $0x2880, s11;
	[sflag:s24] =	ssyncadd.s32 $0xFFFFF060  }
0x54: {  	[spmem:s2] =	stream.indirect.scatter.add.f32 [tilespmem:s17], [sflag:$0x5], $0x20, s16, s14, $0xb8;
	[tilespmem:$0xDE80] =	vst v63  }
0x55: {  	_ =	swait.ge [sflag:s23], $0xFA0  }
0x56: {  	[sflag:s23] =	ssyncset.done $0x0  }
0x57: {  	s16 =	sadd.s32 $0x280, s11;
	[sflag:s23] =	ssyncadd.s32 $0xFFFFF060  }
0x58: {  	[tilespmem:s17], [sflag:$0x2] =	stream.indirect.gather [hbm4b:s4+s14], $0x20, s16, s14, $0xb8;
	[tilespmem:$0xDE80] =	vst v63  }
0x59: {  	_ =	swait.ge [sflag:s25], $0xFA0  }
0x5a: {  	[sflag:s25] =	ssyncset.done $0x0  }
0x5b: {  	s16 =	sadd.s32 $0x2900, s11;
	[sflag:s25] =	ssyncadd.s32 $0xFFFFF060  }
0x5c: {  	[spmem:s2] =	stream.indirect.scatter.add.f32 [tilespmem:s19], [sflag:$0x5], $0x20, s16, s14, $0xb8;
	[tilespmem:$0xDE80] =	vst v63  }
0x5d: {  	_ =	swait.ge [sflag:s23], $0xFA0  }
0x5e: {  	[sflag:s23] =	ssyncset.done $0x0  }
0x5f: {  	s16 =	sadd.s32 $0x300, s11;
	[sflag:s23] =	ssyncadd.s32 $0xFFFFF060  }
0x60: {  	[tilespmem:s19], [sflag:$0x3] =	stream.indirect.gather [hbm4b:s4+s14], $0x20, s16, s14, $0xb8;
	[tilespmem:$0xDE80] =	vst v63  }
0x61: {  	_ =	swait.ge [sflag:s26], $0xFA0  }
0x62: {  	[sflag:s26] =	ssyncset.done $0x0  }
.Ltmp0:
0x63: {  	s16 =	sadd.s32 $0x2980, s11;
	[sflag:s26] =	ssyncadd.s32 $0xFFFFF060;
	(pc) =	sbr.rel @p0 .LBB2_2-.Ltmp0, $4  }
0x64: {  	[spmem:s2] =	stream.indirect.scatter.add.f32 [tilespmem:s21], [sflag:$0x5], $0x20, s16, s14, $0xb8;
	[tilespmem:$0xDE80] =	vst v63  }
0x65: {  	_ =	swait.ge [sflag:s23], $0xFA0  }
0x66: {  	[sflag:s23] =	ssyncset.done $0x0  }
0x67: {  	s11 =	sadd.s32 $0x380, s11;
	[sflag:s23] =	ssyncadd.s32 $0xFFFFF060  }
0x68: {  	[tilespmem:s21], [sflag:$0x4] =	stream.indirect.gather [hbm4b:s4+s14], $0x20, s11, s14, $0xb8;
	[tilespmem:$0xDE80] =	vst v63  }
0x69: {  	_ =	swait.ge [sflag:s22], $0xFA0  }
0x6a: {  	[sflag:s22] =	ssyncset.done $0x0  }
0x6b: {  	[sflag:s22] =	ssyncadd.s32 $0xFFFFF060  }
0x6c: {  	[spmem:s2] =	stream.indirect.scatter.add.f32 [tilespmem:s15], [sflag:$0x5], $0x20, s28, s14, $0xb8;
	[tilespmem:$0xDE80] =	vst v63  }
0x6d: {  	_ =	swait.ge [sflag:s23], $0xFA0  }
0x6e: {  	[sflag:s23] =	ssyncset.done $0x0  }
0x6f: {  	[sflag:s23] =	ssyncadd.s32 $0xFFFFF060  }
0x70: {  	_ =	swait.ge [sflag:s24], $0xFA0  }
0x71: {  	[sflag:s24] =	ssyncset.done $0x0  }
0x72: {  	[sflag:s24] =	ssyncadd.s32 $0xFFFFF060  }
0x73: {  	[spmem:s2] =	stream.indirect.scatter.add.f32 [tilespmem:s17], [sflag:$0x5], $0x20, s29, s14, $0xb8;
	[tilespmem:$0xDE80] =	vst v63  }
0x74: {  	_ =	swait.ge [sflag:s23], $0xFA0  }
0x75: {  	[sflag:s23] =	ssyncset.done $0x0  }
0x76: {  	[sflag:s23] =	ssyncadd.s32 $0xFFFFF060  }
0x77: {  	_ =	swait.ge [sflag:s25], $0xFA0  }
0x78: {  	[sflag:s25] =	ssyncset.done $0x0  }
0x79: {  	[sflag:s25] =	ssyncadd.s32 $0xFFFFF060  }
0x7a: {  	[spmem:s2] =	stream.indirect.scatter.add.f32 [tilespmem:s19], [sflag:$0x5], $0x20, s30, s14, $0xb8;
	[tilespmem:$0xDE80] =	vst v63  }
0x7b: {  	_ =	swait.ge [sflag:s23], $0xFA0  }
0x7c: {  	[sflag:s23] =	ssyncset.done $0x0  }
0x7d: {  	[sflag:s23] =	ssyncadd.s32 $0xFFFFF060  }
0x7e: {  	_ =	swait.ge [sflag:s26], $0xFA0  }
0x7f: {  	[sflag:s26] =	ssyncset.done $0x0  }
0x80: {  	[sflag:s26] =	ssyncadd.s32 $0xFFFFF060  }
0x81: {  	[spmem:s2] =	stream.indirect.scatter.add.f32 [tilespmem:s21], [sflag:$0x5], $0x20, s31, s14, $0xb8;
	[tilespmem:$0xDE80] =	vst v63  }
0x82: {  	_ =	swait.ge [sflag:s23], $0xFA0  }
0x83: {  	s0 =	sadd.s32 $0x1, s0;
	[sflag:s23] =	ssyncset.done $0x0  }
0x84: {  	p0 =	sne.s32 s0, s8;
	[sflag:s23] =	ssyncadd.s32 $0xFFFFF060  }
.Ltmp1:
0x85: {  	[bflag:$0x0] =	sbarrier.arrive $0xFFFF;
	(pc) =	sbr.rel @p0 .LBB2_1-.Ltmp1, $4  }
0x86: {  	[hbm:s7], [sflag:s12] =	dma.local [spmem:s13], $0xA00  }
0x87: {  	_ =	swait.ge [sflag:s10], $0xA00  }
0x88: {  	[sflag:s10] =	ssyncset.done $0x0  }
0x89: {  	[sflag:s10] =	ssyncadd.s32 $0xFFFFF600  }
0x8a: {  	_ =	sfence.sel $0x180000  }
0x8b: {  	[bflag:$0x0] =	sbarrier.arrive $0xFFFF  }
0x8c: {  	_ =	strace $0x9000004D  }
0x8d: {  	s0 =	stileid.u32;
	[bflag:$0x2] =	sbarrier.arrive $0xFFFF  }
0x8e: {  	p0 =	sne.s32 s0, $0x0;
	s0 =	rddreg [dreg:$0x2]  }
0x8f: {  	s0 =	sadd.s32 @!p0 $0x100000, s0  }
0x90: {  	[sflag:s0] =	ssyncadd.tile.s32 @!p0 $0x1;
	_ =	shalt  }
.Lfunc_end2:
_tile_overlayer_lowered:
.L_overlay_start_2:
0x91: {  	(tag) =	ssettag $0x2  }
0x92: {  	s0 =	rddreg [dreg:$0x0];
	s2 =	stileid.u32  }
0x93: {  	s1 =	rddreg [dreg:$0x1];
	p0 =	sne.s32 s2, $0x0  }
0x94: {  	s3 =	rddreg [dreg:$0x2];
	[bflag:$0x3] =	sbarrier.arrive $0xFFFF;
	s2 =	simm.s32 @!p0 $0x1C06  }
0x95: {  	[timem:s3], [sflag:s2] =	dma.local @!p0 [hbm:s0], s1  }
0x96: {  	s0 =	simm.s32 @!p0 $0x6  }
0x97: {  	_ =	swait.ge @!p0 [sflag:s0], s1  }
0x98: {  	s1 =	ssub.s32 @!p0 $0x0, s1;
	[sflag:s0] =	ssyncset.done @!p0 $0x0  }
0x99: {  	[sflag:s0] =	ssyncadd.s32 @!p0 s1  }
0x9a: {  	[bflag:$0x3] =	sbarrier.arrive $0xFFFF  }
0x9b: {  	_ =	shalt  }

// kernel: kernel.8.cloned.1.call-start
scs
__scs_entry_jumppad:
0x0: {  	(pc) =	sbr.rel $0x88, $3  }
0x1: {  	(tag) =	ssettag $0x0;
	lr =	simm.s32 $0x1  }
0x2: {  	[smem:$0x3F98] =	sst lr;
	_ =	strace $0xD0000000  }
0x3: {  	_ = 	snop  }
0x4: {  	_ = 	snop  }
0x5: {  	_ = 	snop  }
0x6: {  	_ = 	snop  }
0x7: {  	_ = 	snop  }
__scs_overlays_trampoline_lowered:
0x8: {  	[smem:$0x3FA7] =	sst s0  }
0x9: {  	[smem:$0x3FA8] =	sst s1  }
0xa: {  	[smem:$0x3FA9] =	sst s2  }
0xb: {  	[smem:$0x3FAA] =	sst s3  }
0xc: {  	[smem:$0x3FAB] =	sst s4  }
0xd: {  	[smem:$0x3FAC] =	sst s5  }
0xe: {  	[smem:$0x3FAD] =	sst s6  }
0xf: {  	[smem:$0x3FAE] =	sst s7  }
0x10: {  	[smem:$0x3FAF] =	sst s8  }
0x11: {  	[smem:$0x3FB0] =	sst s9;
	s0 =	simm.s32 @!p0 $0x0  }
0x12: {  	s1 =	sld [smem:$0x3F96];
	s0 =	simm.s32 @p0 $0x1  }
0x13: {  	[smem:$0x3FB1] =	sst s0;
	s0 =	simm.s32 @!p1 $0x0  }
0x14: {  	s2 =	sld [smem:$0x3F95];
	s0 =	simm.s32 @p1 $0x1  }
0x15: {  	[smem:$0x3FB2] =	sst s0;
	s0 =	simm.s32 @!p2 $0x0  }
0x16: {  	s3 =	sld [smem:$0x3FDB];
	s0 =	simm.s32 @p2 $0x1  }
0x17: {  	s4 =	simm.s32 $0x1BF5;
	[smem:$0x3FB4] =	sst s0  }
0x18: {  	s0 =	sld [smem:$0x3F97];
	_ =	swait.ge [sflag:s4], $0x0  }
0x19: {  	s7 =	sld [smem:$0x3F98]  }
0x1a: {  	s8 =	sadd.s32 $0xFFFFE003, lr  }
0x1b: {  	s9 =	sadd.s32 $0xFFFFFEF7, lr;
	s5 =	simm.s32 $0xFFFFFFFF;
	p2 =	slt.u32 s8, $0xFFFFF086  }
0x1c: {  	p1 =	slt.u32 s9, $0xF7A;
	s5 =	simm.s32 @!p2 $0x0  }
0x1d: {  	s5 =	simm.s32 @p1 $0x1;
	p0 =	seq.s32 s7, s2  }
0x1e: {  	s7 =	smul.u32 @!p0 $0xF7A, s2;
	p2 =	seq.s32 @!p0 s5, $0x0  }
0x1f: {  	s9 =	smul.u32 $0xF7A, s1;
	s8 =	simm.s32 @!p0 $0x1BF5;
	p2 =	por !p2, p0  }
0x20: {  	[sflag:s8] =	ssyncset.s32 @!p0 $0xFFFFF086;
	s6 =	sadd.s32 @!p0 s3, s7;
	s7 =	simm.s32 @!p0 $0x108  }
0x21: {  	s3 =	sadd.s32 s3, s9;
	s6 =	sadd.s32 @!p0 $0x88, s6;
	s7 =	simm.s32 @p2 $0x1082  }
0x22: {  	[simem:s7], [sflag:s8] =	dma.local @!p0 [hbm:s6], $0xF7A  }
0x23: {  	s9 =	sor.u32 $0xD0000000, s2;
	s6 =	simm.s32 $0x108;
	_ =	swait.ge @!p0 [sflag:s8], $0x0  }
0x24: {  	s3 =	sadd.s32 $0x88, s3;
	s6 =	simm.s32 @!p1 $0x1082;
	[sflag:s4] =	ssyncset.s32 $0xFFFFF086  }
0x25: {  	[simem:s6], [sflag:s4] =	dma.local [hbm:s3], $0xF7A  }
0x26: {  	[smem:$0x3F98] =	sst s1;
	(tag) =	ssettag s2;
	_ =	strace s9  }
0x27: {  	s1 =	sld [smem:$0x3FA8]  }
0x28: {  	s2 =	sld [smem:$0x3FA9]  }
0x29: {  	s4 =	sld [smem:$0x3FAB]  }
0x2a: {  	p0 =	seq.s32 s5, $0x0;
	s5 =	sld [smem:$0x3FAC]  }
0x2b: {  	s6 =	sld [smem:$0x3FAD]  }
0x2c: {  	s7 =	sld [smem:$0x3FAE]  }
0x2d: {  	s3 =	simm.s32 $0x108;
	s8 =	sld [smem:$0x3FAF]  }
0x2e: {  	s3 =	simm.s32 @!p0 $0x1082;
	s9 =	sld [smem:$0x3FB0]  }
0x2f: {  	lr =	sadd.s32 s0, s3;
	s0 =	sld [smem:$0x3FA7]  }
0x30: {  	s3 =	sld [smem:$0x3FAA]  }
0x31: {  	[smem:$0x3FB3] =	sst s10  }
0x32: {  	s10 =	sld [smem:$0x3FB1];
	_ =	sdelay $0x3  }
0x33: {  	p0 =	seq.s32 s10, $0x1;
	s10 =	sld [smem:$0x3FB3];
	_ =	sdelay $0x3  }
0x34: {  	[smem:$0x3FB3] =	sst s10  }
0x35: {  	s10 =	sld [smem:$0x3FB2];
	_ =	sdelay $0x3  }
0x36: {  	p1 =	seq.s32 s10, $0x1;
	s10 =	sld [smem:$0x3FB3];
	_ =	sdelay $0x3  }
0x37: {  	[smem:$0x3FB3] =	sst s10  }
0x38: {  	s10 =	sld [smem:$0x3FB4]  }
0x39: {  	_ = 	snop;
	(pc) =	sbr.ind lr, $3  }
0x3a: {  	_ = 	snop  }
0x3b: {  	_ = 	snop  }
0x3c: {  	p2 =	seq.s32 s10, $0x1;
	s10 =	sld [smem:$0x3FB3]  }
0x3d: {  	_ =	shalt  }
0x3e: {  	_ =	shalt  }
0x3f: {  	_ =	shalt  }
0x40: {  	_ =	shalt  }
0x41: {  	_ =	shalt  }
0x42: {  	_ =	shalt  }
0x43: {  	_ =	shalt  }
0x44: {  	_ =	shalt  }
0x45: {  	_ =	shalt  }
0x46: {  	_ =	shalt  }
0x47: {  	_ =	shalt  }
0x48: {  	_ =	shalt  }
0x49: {  	_ =	shalt  }
0x4a: {  	_ =	shalt  }
0x4b: {  	_ =	shalt  }
0x4c: {  	_ =	shalt  }
0x4d: {  	_ =	shalt  }
0x4e: {  	_ =	shalt  }
0x4f: {  	_ =	shalt  }
0x50: {  	_ =	shalt  }
0x51: {  	_ =	shalt  }
0x52: {  	_ =	shalt  }
0x53: {  	_ =	shalt  }
0x54: {  	_ =	shalt  }
0x55: {  	_ =	shalt  }
0x56: {  	_ =	shalt  }
0x57: {  	_ =	shalt  }
0x58: {  	_ =	shalt  }
0x59: {  	_ =	shalt  }
0x5a: {  	_ =	shalt  }
0x5b: {  	_ =	shalt  }
0x5c: {  	_ =	shalt  }
0x5d: {  	_ =	shalt  }
0x5e: {  	_ =	shalt  }
0x5f: {  	_ =	shalt  }
0x60: {  	_ =	shalt  }
0x61: {  	_ =	shalt  }
0x62: {  	_ =	shalt  }
0x63: {  	_ =	shalt  }
0x64: {  	_ =	shalt  }
0x65: {  	_ =	shalt  }
0x66: {  	_ =	shalt  }
0x67: {  	_ =	shalt  }
0x68: {  	_ =	shalt  }
0x69: {  	_ =	shalt  }
0x6a: {  	_ =	shalt  }
0x6b: {  	_ =	shalt  }
0x6c: {  	_ =	shalt  }
0x6d: {  	_ =	shalt  }
0x6e: {  	_ =	shalt  }
0x6f: {  	_ =	shalt  }
0x70: {  	_ =	shalt  }
0x71: {  	_ =	shalt  }
0x72: {  	_ =	shalt  }
0x73: {  	_ =	shalt  }
0x74: {  	_ =	shalt  }
0x75: {  	_ =	shalt  }
0x76: {  	_ =	shalt  }
0x77: {  	_ =	shalt  }
0x78: {  	_ =	shalt  }
0x79: {  	_ =	shalt  }
0x7a: {  	_ =	shalt  }
0x7b: {  	_ =	shalt  }
0x7c: {  	_ =	shalt  }
0x7d: {  	_ =	shalt  }
0x7e: {  	_ =	shalt  }
0x7f: {  	_ =	shalt  }
0x80: {  	_ =	shalt  }
0x81: {  	_ =	shalt  }
0x82: {  	_ =	shalt  }
0x83: {  	_ =	shalt  }
0x84: {  	_ =	shalt  }
0x85: {  	_ =	shalt  }
0x86: {  	_ =	shalt  }
0x87: {  	_ =	shalt  }
.Lfunc_end0:
.L_simem_size_0:
called_computation_lowered:
.L_overlay_start_0:
0x88: {  	s2 =	sld [smem:$0x3FD9]  }
0x89: {  	s3 =	sld [smem:$0x3FFE];
	_ =	sdelay $0x1  }
0x8a: {  	s1 =	srdreg.scid  }
0x8b: {  	s0 =	sand.u32 $0x1, s1  }
0x8c: {  	s16 =	sshll.u32 s0, $0xA;
	s2 =	sadd.s32 s3, s2  }
0x8d: {  	s2 =	sadd.s32 s2, s16  }
0x8e: {  	[smem:$0x3FBF] =	sst s2  }
0x8f: {  	_ = 	snop  }
0x90: {  	(tm) =	ssettm $0x1  }
0x91: {  	s17 =	sld [smem:$0x3FFB];
	_ =	sdelay $0x3  }
0x92: {  	_ =	strace s17  }
0x93: {  	s2 =	sld [smem:$0x3FFC];
	_ =	sdelay $0x3  }
0x94: {  	_ =	strace s2  }
0x95: {  	s2 =	sld [smem:$0x3FFD];
	_ =	sdelay $0x3  }
0x96: {  	_ =	strace s2  }
0x97: {  	_ =	strace $0x8FFFFFFF  }
0x98: {  	s18 =	sld [smem:$0x3FDB];
	_ =	sdelay $0x1  }
0x99: {  	s19 =	simm.s32 $_scs_section_size  }
0x9a: {  	s4 =	simm.s32 $_size__tile_overlayer_lowered;
	s5 =	simm.s32 $_tile_overlayer_lowered  }
0x9b: {  	s22 =	simm.s32 $0x1BFF;
	s21 =	sshll.u32 s5, $0x1;
	s2 =	sadd.s32 s19, s18  }
0x9c: {  	s6 =	simm.s32 $0x0;
	s20 =	sshll.u32 s4, $0x1;
	s4 =	sadd.s32 s21, s2  }
0x9d: {  	[timem:s6], [sflag:s22] =	dma.local [hbm:s4], s20  }
0x9e: {  	_ =	swait.ge [sflag:s22], s20  }
0x9f: {  	s3 =	ssub.s32 $0x0, s20;
	[sflag:s22] =	ssyncset.done $0x0  }
0xa0: {  	[sflag:s22] =	ssyncadd.s32 s3;
	_ =	sdelay $0x1  }
0xa1: {  	s23 =	simm.s32 $0x1B8B  }
0xa2: {  	_ =	swait.ge [sflag:s23], $0x1  }
0xa3: {  	[sflag:s23] =	ssyncset.done $0x0  }
0xa4: {  	s25 =	simm.s32 $0x1B8E;
	s24 =	sld [smem:$0x3FFE];
	[sflag:s23] =	ssyncadd.s32 $0xFFFFFFFF  }
0xa5: {  	s26 =	simm.s32 $execute0_lowered;
	[smem:$0x3FD2] =	sst s25  }
0xa6: {  	s4 =	sshll.u32 s26, $0x1;
	_ =	strace $0x80000046;
	[dreg:$0x1] =	wrdreg $0xFFFFFFFF  }
0xa7: {  	s28 =	simm.s32 $_size_execute0_lowered;
	s2 =	sadd.s32 s2, s4;
	[dreg:$0x0] =	wrdreg $0x0  }
0xa8: {  	s4 =	sshll.u32 s28, $0x1;
	[dreg:$0x2] =	wrdreg s2  }
0xa9: {  	[dreg:$0x3] =	wrdreg s4  }
0xaa: {  	[dreg:$0x4] =	wrdreg $0xC0  }
0xab: {  	_ =	task [dreg:s6], $0x5FFFF  }
0xac: {  	[dreg:$0x1] =	wrdreg $0xFFFFFFFF  }
0xad: {  	[dreg:$0x0] =	wrdreg $0x60  }
0xae: {  	[dreg:$0x2] =	wrdreg s24  }
0xaf: {  	[dreg:$0x3] =	wrdreg $0x2BE80  }
0xb0: {  	[dreg:$0x4] =	wrdreg $0x9  }
0xb1: {  	_ =	task.clear_ibuf [dreg:s6], $0x5FFFF;
	_ =	strace $0x90000046  }
0xb2: {  	s29 =	simm.s32 $0x9;
	_ =	strace $0x80000048  }
0xb3: {  	_ =	swait.ge [sflag:s29], $0x1  }
0xb4: {  	[sflag:s29] =	ssyncadd.s32 $0xFFFFFFFF  }
0xb5: {  	_ =	strace $0x90000048  }
0xb6: {  	_ =	sfence  }
0xb7: {  	s30 =	sld [smem:$0x0];
	_ =	sdelay $0x2  }
0xb8: {  	s31 =	sshll.u32 s1, $0xD;
	s1 =	sshrl.u32 s1, $0x2  }
0xb9: {  	s3 =	sand.u32 $0x4000, s31;
	s1 =	sadd.s32 s1, s30  }
0xba: {  	s0 =	sor.u32 s3, s0;
	s1 =	sshll.u32 s1, $0x11  }
0xbb: {  	s0 =	sor.u32 s1, s0  }
0xbc: {  	s0 =	sadd.s32 $0x8F2B, s0  }
0xbd: {  	[sflag:s0] =	ssyncadd.remote.s32 $0x1  }
0xbe: {  	_ =	sfence.sel $0xFFFF  }
0xbf: {  	[dreg:$0x0] =	wrdreg $0xFFFFFFFF;
	(pc) =	sbr.abs _section_cstart, $3  }
0xc0: {  	[dreg:$0x1] =	wrdreg $0xFFFFFFFF  }
0xc1: {  	_ =	task.clear_ibuf [dreg:s6], $0x2FFFF;
	_ =	strace $0x9FFFFFFF  }
0xc2: {  	(tm) =	ssettm $0x7FFFFFFF  }
0xc3: {  	_ =	shalt  }
tec
execute0_lowered:
.L_overlay_start_1:
0x0: {  	(tag) =	ssettag $0x1  }
0x1: {  	s1 =	srdreg.scid;
	s6 =	rddreg [dreg:$0x0]  }
0x2: {  	s0 =	stileid.u32;
	s2 =	rddreg [dreg:$0x1]  }
0x3: {  	s3 =	simm.s32 $0x0;
	s13 =	simm.s32 $0x7D;
	s14 =	simm.s32 $0x1  }
0x4: {  	s15 =	simm.s32 $0x0;
	s5 =	sand.u32 $0x1, s1;
	s30 =	sshll.u32 s0, $0x1  }
0x5: {  	s7 =	smul.u32 $0x1400, s0;
	[smem:$0x7FF] =	sst s3;
	s31 =	sshll.u32 s0, $0x6  }
0x6: {  	s1 =	sor.u32 s5, s30;
	s8 =	smul.u32 $0x14000, s5;
	s5 =	ssub.s32 $0x2, s5  }
0x7: {  	s4 =	smul.u32 $0x500, s1;
	s1 =	rddreg [dreg:$0x2];
	_ =	strace $0x80000047  }
0x8: {  	s10 =	sshrl.u32 s7, $0x3;
	s11 =	sshrl.u32 s5, $0x1;
	s12 =	sadd.s32 s7, s2  }
0x9: {  	s8 =	sadd.s32 s7, s8;
	s10 =	sadd.s32 s10, s6;
	s11 =	ssub.s32 s5, s11  }
0xa: {  	s9 =	sadd.s32 s4, s6;
	s4 =	sadd.s32 $0xE400, s6;
	s8 =	sshrl.u32 s8, $0x3  }
0xb: {  	s5 =	sadd.s32 $0xBC00, s10;
	s10 =	sshrl.u32 s12, $0x3;
	s12 =	simm.s32 $0x2800  }
0xc: {  	s8 =	sadd.s32 s8, s6;
	s6 =	sor.u32 $0x1C02, s31;
	s7 =	sadd.s32 $0x1C00, s9  }
0xd: {  	s9 =	smax.u32 s11, $0x1;
	s11 =	simm.s32 $0x2;
	s8 =	sadd.s32 $0xE600, s8  }
.LBB2_1:
0xe: {  	[spmem:s10], [sflag:s6] =	dma.local [hbm:s5], $0x280  }
0xf: {  	_ =	swait.ge [sflag:s11], $0x280  }
0x10: {  	[sflag:s11] =	ssyncset.done $0x0  }
0x11: {  	[sflag:s11] =	ssyncadd.s32 $0xFFFFFD80  }
0x12: {  	[tilespmem:s12], [sflag:$0x2] =	stream.linear.gather [hbm4b:s4+s3], $0x3E8, $0x38;
	[tilespmem:$0x3FE8] =	vst v63  }
0x13: {  	_ =	swait.ge [sflag:s11], $0x3E8  }
0x14: {  	[sflag:s11] =	ssyncset.done $0x0  }
0x15: {  	[sflag:s11] =	ssyncadd.s32 $0xFFFFFC18  }
0x16: {  	[tilespmem:s3], [sflag:$0x2] =	stream.linear.gather [hbm4b:s7+s3], $0x2800, $0x38;
	[tilespmem:$0x3FE8] =	vst v63  }
0x17: {  	_ =	swait.ge [sflag:s11], $0x2800  }
0x18: {  	[sflag:s11] =	ssyncset.done $0x0  }
0x19: {  	[sflag:s11] =	ssyncadd.s32 $0xFFFFD800  }
0x1a: {  	s16 =	simm.s32 $0x0;
	[bflag:$0x0] =	sbarrier.arrive $0xFFFF  }
.LBB2_2:
0x1b: {  	p0 =	sne.s32 s16, $0x9E00  }
.Ltmp0:
0x1c: {  	_ = 	snop;
	(pc) =	sbr.rel @p0 .LBB2_2-.Ltmp0, $3  }
0x1d: {  	_ =	sdelay $0x1  }
0x1e: {  	s17 =	sshra.s32 s16, $0x2;
	s16 =	sadd.s32 $0x200, s16  }
0x1f: {  	[spmem:s2] =	stream.indirect.scatter.add.f32 [tilespmem:s12], [sflag:$0x1], $0x8, s17, s13, $0xb8;
	[tilespmem:$0x3FE8] =	vst v63  }
0x20: {  	_ =	swait.ge [sflag:s14], $0x3E8  }
0x21: {  	s16 =	simm.s32 $0x4F;
	[sflag:s14] =	ssyncset.done $0x0  }
.LBB2_4:
0x22: {  	p0 =	sne.s32 s16, $0x1;
	s16 =	sadd.s32 $0xFFFFFFFF, s16;
	[sflag:s14] =	ssyncadd.s32 $0xFFFFFC18  }
.Ltmp1:
0x23: {  	(pc) =	sbr.rel @p0 .LBB2_4-.Ltmp1, $3  }
0x24: {  	_ =	sdelay $0x1  }
0x25: {  	_ =	swait.ge [sflag:s14], $0x3E8  }
0x26: {  	[sflag:s14] =	ssyncset.done $0x0  }
0x27: {  	s15 =	sadd.s32 $0x1, s15  }
0x28: {  	[sflag:s14] =	ssyncadd.s32 $0xFFFFFC18;
	p0 =	sne.s32 s15, s9  }
.Ltmp2:
0x29: {  	[bflag:$0x0] =	sbarrier.arrive $0xFFFF;
	(pc) =	sbr.rel @p0 .LBB2_1-.Ltmp2, $4  }
0x2a: {  	[hbm:s8], [sflag:s6] =	dma.local [spmem:s10], $0x280  }
0x2b: {  	_ =	swait.ge [sflag:s11], $0x280  }
0x2c: {  	[sflag:s11] =	ssyncset.done $0x0  }
0x2d: {  	[sflag:s11] =	ssyncadd.s32 $0xFFFFFD80  }
0x2e: {  	_ =	sfence.sel $0x180000  }
0x2f: {  	[bflag:$0x0] =	sbarrier.arrive $0xFFFF  }
0x30: {  	p0 =	sne.s32 s0, $0x0;
	_ =	strace $0x90000047  }
0x31: {  	s0 =	sadd.s32 @!p0 $0x100000, s1;
	[bflag:$0x2] =	sbarrier.arrive $0xFFFF  }
0x32: {  	[sflag:s0] =	ssyncadd.tile.s32 @!p0 $0x1;
	_ =	shalt  }
.Lfunc_end2:
_tile_overlayer_lowered:
.L_overlay_start_2:
0x33: {  	(tag) =	ssettag $0x2  }
0x34: {  	s0 =	rddreg [dreg:$0x0];
	s2 =	stileid.u32  }
0x35: {  	s1 =	rddreg [dreg:$0x1];
	p0 =	sne.s32 s2, $0x0  }
0x36: {  	s3 =	rddreg [dreg:$0x2];
	[bflag:$0x3] =	sbarrier.arrive $0xFFFF;
	s2 =	simm.s32 @!p0 $0x1C02  }
0x37: {  	[timem:s3], [sflag:s2] =	dma.local @!p0 [hbm:s0], s1  }
0x38: {  	s0 =	simm.s32 @!p0 $0x2  }
0x39: {  	_ =	swait.ge @!p0 [sflag:s0], s1  }
0x3a: {  	s1 =	ssub.s32 @!p0 $0x0, s1;
	[sflag:s0] =	ssyncset.done @!p0 $0x0  }
0x3b: {  	[sflag:s0] =	ssyncadd.s32 @!p0 s1  }
0x3c: {  	[bflag:$0x3] =	sbarrier.arrive $0xFFFF  }
0x3d: {  	_ =	shalt  }

</sc_bundles>
